<compile_context>
chip_gen: v7x
topology: tpu7x:2x2x1
jax: 0.10.2.dev20260603
libtpu: 0.0.44.dev20260713+nightly
codegen_flags: <defaults>
</compile_context>

<pallas_src>
import functools

import jax
import jax.numpy as jnp
from jax import lax
from jax.experimental import pallas as pl
from jax.experimental.pallas import tpu as pltpu
from jax.experimental.pallas import tpu_sc as plsc

BATCH = 1024
SEQ = 200
D = 64
NC, NS = 2, 16
NW = NC * NS
SPW = SEQ // 4
G = SPW // 2
NBUF = 6
LEAD = 3
STEPS = G + LEAD
WROWS = SEQ * D

_mesh = plsc.VectorSubcoreMesh(core_axis_name="c", subcore_axis_name="s")

_scratch = (
    [pltpu.VMEM((WROWS,), jnp.float32)]
    + [pltpu.VMEM((7, 8, 128), jnp.int32)]
    + [pltpu.SemaphoreType.DMA]
    + [pltpu.VMEM((2, 8, 8, 128), jnp.float32) for _ in range(NBUF)]
    + [pltpu.SemaphoreType.DMA for _ in range(2 * NBUF)]
)


@functools.partial(
    pl.kernel,
    mesh=_mesh,
    compiler_params=pltpu.CompilerParams(needs_layout_passes=False),
    out_type=jax.ShapeDtypeStruct((SEQ, 8, 8, 8, 128), jnp.float32),
    scratch_types=_scratch,
)
def _emb_add(x_hbm, p_hbm, w_hbm, out_hbm, wt_v, idx_v, swt, *rest):
    slabs = list(rest[:NBUF])
    sin = list(rest[NBUF:2 * NBUF])
    sout = list(rest[2 * NBUF:3 * NBUF])

    wid = lax.axis_index("s") * NC + lax.axis_index("c")
    bt = wid % 8
    s_base = (wid // 8) * SPW
    sh0 = s_base // 8
    wcp = pltpu.make_async_copy(w_hbm, wt_v, swt)
    wcp.start()
    icp = pltpu.make_async_copy(p_hbm.at[pl.ds(sh0, 7), bt], idx_v, swt)
    icp.start()

    def start_in(i, b):
        s = s_base + 2 * i
        pltpu.async_copy(x_hbm.at[pl.ds(s, 2), :, bt], slabs[b], sin[b])

    def wait_in(b):
        pltpu.make_async_copy(x_hbm.at[pl.ds(0, 2), :, 0], slabs[b], sin[b]).wait()

    def start_o(i, b):
        s = s_base + 2 * i
        pltpu.async_copy(slabs[b], out_hbm.at[pl.ds(s, 2), :, bt], sout[b])

    def wait_o(b):
        pltpu.make_async_copy(x_hbm.at[pl.ds(0, 2), :, 0], slabs[b], sout[b]).wait()

    def compute(i, b):
        for k in range(2):
            soff = s_base + 2 * i + k - sh0 * 8

            def lgroup(l, c):
                sl = pl.ds(l * 16, 16)
                rvec = idx_v[soff // 8, soff % 8, sl]

                @plsc.parallel_loop(0, D, unroll=16)
                def _(e):
                    v = plsc.load_gather(wt_v, [rvec + e * SEQ])
                    plsc.addupdate(slabs[b].at[k, e // 8, e % 8, sl], v)

                return c

            lax.fori_loop(0, 8, lgroup, 0)

    def outer(i2, carry):
        for u in range(NBUF):
            i = i2 * NBUF + u

            @pl.when(i < G)
            def _():
                @pl.when(i >= NBUF)
                def _():
                    wait_o(u)
                start_in(i, u)

            ib = i - LEAD
            bb = (u - LEAD) % NBUF

            @pl.when(jnp.logical_and(ib >= 0, ib < G))
            def _():
                wait_in(bb)
                compute(ib, bb)
                start_o(ib, bb)

        return carry

    wcp.wait()
    icp.wait()
    lax.fori_loop(0, (STEPS + NBUF - 1) // NBUF, outer, 0)

    for b in range(NBUF):
        wait_o(b)


def kernel(x, pos_seq, position_weight):
    xv = (x.transpose(1, 2, 0)
          .reshape(SEQ, 8, 8, 8, 128)
          .transpose(0, 1, 3, 2, 4))
    pv = (pos_seq.T
          .reshape(SEQ // 8, 8, 8, 128)
          .transpose(0, 2, 1, 3))
    wf = position_weight.T.reshape(WROWS)
    o5 = _emb_add(xv, pv, wf)
    return (o5.transpose(0, 1, 3, 2, 4)
            .reshape(SEQ, D, BATCH)
            .transpose(2, 0, 1))

# --- scband reference (transcript-rebuilt; emitter-appended) ---
"""Pipeline reference for scband-embedding-32091995636067 (READ-ONLY COPY).

The authoritative reference and input builder live on the scoring server;
editing this copy changes nothing except your own understanding.
"""

import jax, jax.numpy as jnp
import numpy as np

TIME_LEN = 200
EMBED_SIZE = 64
BATCH = 1024
SEQ = 200


def setup_inputs(seed: int = 0) -> dict:
    key = jax.random.key(seed)
    k1, k2, k3 = jax.random.split(key, 3)
    x = jax.random.normal(k1, (BATCH, SEQ, EMBED_SIZE), dtype=jnp.float32)
    pos_seq = jax.random.randint(k2, (BATCH, SEQ), 0, TIME_LEN, dtype=jnp.int32)
    # nn.Embedding weight (padding_idx=0 -> row 0 is zero)
    position_weight = jax.random.normal(k3, (TIME_LEN, EMBED_SIZE), dtype=jnp.float32) * 0.02
    position_weight = position_weight.at[0].set(0.0)
    return {"x": x, "pos_seq": pos_seq, "position_weight": position_weight}


def reference(x, pos_seq, position_weight):
    # PositionalEmbedding lookup with padding_idx=0 (row 0 forced to zero)
    W = position_weight.at[0].set(0.0)
    pos_emb = jnp.take(W, pos_seq, axis=0)
    out = x + pos_emb
    # Dropout is identity in eval/inference mode
    return out

if __name__ == "__main__":
    import jax
    _d = setup_inputs()
    print(jax.jit(kernel)(*tuple(_d.values())))

</pallas_src>

<mosaic_0001>
#map = affine_map<(d0, d1) -> (0, 0, 0, 0, 0)>
#map1 = affine_map<(d0, d1) -> (0, 0, 0, 0)>
#map2 = affine_map<(d0, d1) -> (0)>
module attributes {stable_mosaic.version = 14 : i64} {
  func.func @_emb_add(%arg0: i32, %arg1: i32, %arg2: memref<200x8x8x8x128xf32, #tpu.memory_space<hbm>>, %arg3: memref<25x8x8x128xi32, #tpu.memory_space<hbm>>, %arg4: memref<12800xf32, #tpu.memory_space<hbm>>, %arg5: memref<200x8x8x8x128xf32, #tpu.memory_space<hbm>>, %arg6: memref<12800xf32, #tpu.memory_space<vmem>>, %arg7: memref<7x8x128xi32, #tpu.memory_space<vmem>>, %arg8: memref<!tpu.dma_semaphore, #tpu.memory_space<semaphore_mem>>, %arg9: memref<2x8x8x128xf32, #tpu.memory_space<vmem>>, %arg10: memref<2x8x8x128xf32, #tpu.memory_space<vmem>>, %arg11: memref<2x8x8x128xf32, #tpu.memory_space<vmem>>, %arg12: memref<2x8x8x128xf32, #tpu.memory_space<vmem>>, %arg13: memref<2x8x8x128xf32, #tpu.memory_space<vmem>>, %arg14: memref<2x8x8x128xf32, #tpu.memory_space<vmem>>, %arg15: memref<!tpu.dma_semaphore, #tpu.memory_space<semaphore_mem>>, %arg16: memref<!tpu.dma_semaphore, #tpu.memory_space<semaphore_mem>>, %arg17: memref<!tpu.dma_semaphore, #tpu.memory_space<semaphore_mem>>, %arg18: memref<!tpu.dma_semaphore, #tpu.memory_space<semaphore_mem>>, %arg19: memref<!tpu.dma_semaphore, #tpu.memory_space<semaphore_mem>>, %arg20: memref<!tpu.dma_semaphore, #tpu.memory_space<semaphore_mem>>, %arg21: memref<!tpu.dma_semaphore, #tpu.memory_space<semaphore_mem>>, %arg22: memref<!tpu.dma_semaphore, #tpu.memory_space<semaphore_mem>>, %arg23: memref<!tpu.dma_semaphore, #tpu.memory_space<semaphore_mem>>, %arg24: memref<!tpu.dma_semaphore, #tpu.memory_space<semaphore_mem>>, %arg25: memref<!tpu.dma_semaphore, #tpu.memory_space<semaphore_mem>>, %arg26: memref<!tpu.dma_semaphore, #tpu.memory_space<semaphore_mem>>) attributes {dimension_semantics = [#tpu.dimension_semantics<core_parallel>, #tpu.dimension_semantics<subcore_parallel>], iteration_bounds = array<i64: 2, 16>, scalar_prefetch = 0 : i64, scratch_operands = 21 : i64, tpu.core_type = #tpu.core_type<sc_vector_subcore>, window_params = [{transform_indices = #map}, {transform_indices = #map1}, {transform_indices = #map2}, {transform_indices = #map}]} {
    %mul3A = arith.constant 2 : i32
    %mul3A_0 = arith.muli %arg1, %mul3A : i32
    %add3A = arith.addi %mul3A_0, %arg0 : i32
    %jit3A = arith.constant 8 : i32
    %eq3A = arith.constant 0 : i32
    %eq3A_1 = arith.cmpi eq, %jit3A, %eq3A : i32
    %jit3A_2 = arith.constant 1 : i32
    %select_n3A = arith.select %eq3A_1, %jit3A_2, %jit3A : i32
    %rem3A = arith.remsi %add3A, %select_n3A : i32
    %ne3A = arith.constant 0 : i32
    %ne3A_3 = arith.cmpi ne, %rem3A, %ne3A : i32
    %lt3A = arith.constant 0 : i32
    %lt3A_4 = arith.cmpi slt, %rem3A, %lt3A : i32
    %lt3A_5 = arith.constant 0 : i32
    %lt3A_6 = arith.cmpi slt, %select_n3A, %lt3A_5 : i32
    %ne3A_7 = arith.xori %lt3A_4, %lt3A_6 : i1
    %and3A = arith.andi %ne3A_7, %ne3A_3 : i1
    %add3A_8 = arith.addi %rem3A, %select_n3A : i32
    %select_n3A_9 = arith.select %and3A, %add3A_8, %rem3A : i32
    %jit3A_10 = arith.constant 8 : i32
    %div3A = arith.divsi %add3A, %jit3A_10 : i32
    %sign3A = arith.constant 0 : i32
    %sign3A_11 = arith.cmpi sgt, %add3A, %sign3A : i32
    %sign3A_12 = arith.extui %sign3A_11 : i1 to i32
    %sign3A_13 = arith.constant 0 : i32
    %sign3A_14 = arith.cmpi slt, %add3A, %sign3A_13 : i32
    %sign3A_15 = arith.extui %sign3A_14 : i1 to i32
    %sign3A_16 = arith.subi %sign3A_12, %sign3A_15 : i32
    %sign3A_17 = arith.constant 0 : i32
    %sign3A_18 = arith.cmpi sgt, %jit3A_10, %sign3A_17 : i32
    %sign3A_19 = arith.extui %sign3A_18 : i1 to i32
    %sign3A_20 = arith.constant 0 : i32
    %sign3A_21 = arith.cmpi slt, %jit3A_10, %sign3A_20 : i32
    %sign3A_22 = arith.extui %sign3A_21 : i1 to i32
    %sign3A_23 = arith.subi %sign3A_19, %sign3A_22 : i32
    %ne3A_24 = arith.cmpi ne, %sign3A_16, %sign3A_23 : i32
    %rem3A_25 = arith.remsi %add3A, %jit3A_10 : i32
    %ne3A_26 = arith.constant 0 : i32
    %ne3A_27 = arith.cmpi ne, %rem3A_25, %ne3A_26 : i32
    %and3A_28 = arith.andi %ne3A_24, %ne3A_27 : i1
    %sub3A = arith.constant 1 : i32
    %sub3A_29 = arith.subi %div3A, %sub3A : i32
    %select_n3A_30 = arith.select %and3A_28, %sub3A_29, %div3A : i32
    %mul3A_31 = arith.constant 50 : i32
    %mul3A_32 = arith.muli %select_n3A_30, %mul3A_31 : i32
    %jit3A_33 = arith.constant 8 : i32
    %div3A_34 = arith.divsi %mul3A_32, %jit3A_33 : i32
    %sign3A_35 = arith.constant 0 : i32
    %sign3A_36 = arith.cmpi sgt, %mul3A_32, %sign3A_35 : i32
    %sign3A_37 = arith.extui %sign3A_36 : i1 to i32
    %sign3A_38 = arith.constant 0 : i32
    %sign3A_39 = arith.cmpi slt, %mul3A_32, %sign3A_38 : i32
    %sign3A_40 = arith.extui %sign3A_39 : i1 to i32
    %sign3A_41 = arith.subi %sign3A_37, %sign3A_40 : i32
    %sign3A_42 = arith.constant 0 : i32
    %sign3A_43 = arith.cmpi sgt, %jit3A_33, %sign3A_42 : i32
    %sign3A_44 = arith.extui %sign3A_43 : i1 to i32
    %sign3A_45 = arith.constant 0 : i32
    %sign3A_46 = arith.cmpi slt, %jit3A_33, %sign3A_45 : i32
    %sign3A_47 = arith.extui %sign3A_46 : i1 to i32
    %sign3A_48 = arith.subi %sign3A_44, %sign3A_47 : i32
    %ne3A_49 = arith.cmpi ne, %sign3A_41, %sign3A_48 : i32
    %rem3A_50 = arith.remsi %mul3A_32, %jit3A_33 : i32
    %ne3A_51 = arith.constant 0 : i32
    %ne3A_52 = arith.cmpi ne, %rem3A_50, %ne3A_51 : i32
    %and3A_53 = arith.andi %ne3A_49, %ne3A_52 : i1
    %sub3A_54 = arith.constant 1 : i32
    %sub3A_55 = arith.subi %div3A_34, %sub3A_54 : i32
    %select_n3A_56 = arith.select %and3A_53, %sub3A_55, %div3A_34 : i32
    tpu.enqueue_dma source(%arg4 : memref<12800xf32, #tpu.memory_space<hbm>>) target(%arg6 : memref<12800xf32, #tpu.memory_space<vmem>>) target_semaphore(%arg8 : memref<!tpu.dma_semaphore, #tpu.memory_space<semaphore_mem>>)
    %dma_start3A = arith.constant 0 : i32
    %dma_start3A_57 = arith.constant 0 : i32
    %dma_start3A_58 = tpu.memref_slice %arg3[%select_n3A_56, %select_n3A_9, %dma_start3A, %dma_start3A_57] : memref<25x8x8x128xi32, #tpu.memory_space<hbm>> -> memref<7x1x8x128xi32, #tpu.memory_space<hbm>>
    %dma_start3A_59 = tpu.memref_squeeze %dma_start3A_58 : memref<7x1x8x128xi32, #tpu.memory_space<hbm>> -> memref<7x8x128xi32, #tpu.memory_space<hbm>>
    %dma_start3A_60 = arith.constant 0 : i32
    %dma_start3A_61 = arith.constant 0 : i32
    %dma_start3A_62 = tpu.memref_slice %arg3[%select_n3A_56, %select_n3A_9, %dma_start3A_60, %dma_start3A_61] : memref<25x8x8x128xi32, #tpu.memory_space<hbm>> -> memref<7x1x8x128xi32, #tpu.memory_space<hbm>>
    %dma_start3A_63 = tpu.memref_squeeze %dma_start3A_62 : memref<7x1x8x128xi32, #tpu.memory_space<hbm>> -> memref<7x8x128xi32, #tpu.memory_space<hbm>>
    tpu.enqueue_dma source(%dma_start3A_63 : memref<7x8x128xi32, #tpu.memory_space<hbm>>) target(%arg7 : memref<7x8x128xi32, #tpu.memory_space<vmem>>) target_semaphore(%arg8 : memref<!tpu.dma_semaphore, #tpu.memory_space<semaphore_mem>>)
    tpu.wait_dma2 semaphore(%arg8 : memref<!tpu.dma_semaphore, #tpu.memory_space<semaphore_mem>>) src(%arg4 : memref<12800xf32, #tpu.memory_space<hbm>>) dst(%arg6 : memref<12800xf32, #tpu.memory_space<vmem>>)
    %dma_wait3A = arith.constant 0 : i32
    %dma_wait3A_64 = arith.constant 0 : i32
    %dma_wait3A_65 = tpu.memref_slice %arg3[%select_n3A_56, %select_n3A_9, %dma_wait3A, %dma_wait3A_64] : memref<25x8x8x128xi32, #tpu.memory_space<hbm>> -> memref<7x1x8x128xi32, #tpu.memory_space<hbm>>
    %dma_wait3A_66 = tpu.memref_squeeze %dma_wait3A_65 : memref<7x1x8x128xi32, #tpu.memory_space<hbm>> -> memref<7x8x128xi32, #tpu.memory_space<hbm>>
    %dma_wait3A_67 = arith.constant 0 : i32
    %dma_wait3A_68 = arith.constant 0 : i32
    %dma_wait3A_69 = tpu.memref_slice %arg3[%select_n3A_56, %select_n3A_9, %dma_wait3A_67, %dma_wait3A_68] : memref<25x8x8x128xi32, #tpu.memory_space<hbm>> -> memref<7x1x8x128xi32, #tpu.memory_space<hbm>>
    %dma_wait3A_70 = tpu.memref_squeeze %dma_wait3A_69 : memref<7x1x8x128xi32, #tpu.memory_space<hbm>> -> memref<7x8x128xi32, #tpu.memory_space<hbm>>
    tpu.wait_dma2 semaphore(%arg8 : memref<!tpu.dma_semaphore, #tpu.memory_space<semaphore_mem>>) src(%dma_wait3A_70 : memref<7x8x128xi32, #tpu.memory_space<hbm>>) dst(%arg7 : memref<7x8x128xi32, #tpu.memory_space<vmem>>)
    %scan3A = arith.constant 0 : i32
    %scan3A_71 = arith.constant 0 : i32
    %scan3A_72 = arith.constant 5 : i32
    %scan3A_73 = arith.addi %scan3A_71, %scan3A_72 : i32
    %scan3A_74 = arith.constant 1 : i32
    scf.for %scan3A_154 = %scan3A_71 to %scan3A_73 step %scan3A_74  : i32 {
      %mul3A_155 = arith.constant 6 : i32
      %mul3A_156 = arith.muli %scan3A_154, %mul3A_155 : i32
      %add3A_157 = arith.constant 0 : i32
      %add3A_158 = arith.addi %mul3A_156, %add3A_157 : i32
      %lt3A_159 = arith.constant 25 : i32
      %lt3A_160 = arith.cmpi slt, %add3A_158, %lt3A_159 : i32
      %convert_element_type3A = arith.extui %lt3A_160 : i1 to i32
      %cond3A = arith.constant 0 : i32
      %cond3A_161 = arith.cmpi ne, %convert_element_type3A, %cond3A : i32
      scf.if %cond3A_161 {
        %ge3A_266 = arith.constant 6 : i32
        %ge3A_267 = arith.cmpi sge, %add3A_158, %ge3A_266 : i32
        %convert_element_type3A_268 = arith.extui %ge3A_267 : i1 to i32
        %cond3A_269 = arith.constant 0 : i32
        %cond3A_270 = arith.cmpi ne, %convert_element_type3A_268, %cond3A_269 : i32
        scf.if %cond3A_270 {
          %dma_wait3A_284 = arith.constant 0 : i32
          %dma_wait3A_285 = arith.constant 0 : i32
          %dma_wait3A_286 = arith.constant 0 : i32
          %dma_wait3A_287 = arith.constant 0 : i32
          %dma_wait3A_288 = arith.constant 0 : i32
          %dma_wait3A_289 = tpu.memref_slice %arg2[%dma_wait3A_285, %dma_wait3A_286, %dma_wait3A_284, %dma_wait3A_287, %dma_wait3A_288] : memref<200x8x8x8x128xf32, #tpu.memory_space<hbm>> -> memref<2x8x1x8x128xf32, #tpu.memory_space<hbm>>
          %dma_wait3A_290 = tpu.memref_squeeze %dma_wait3A_289 : memref<2x8x1x8x128xf32, #tpu.memory_space<hbm>> -> memref<2x8x8x128xf32, #tpu.memory_space<hbm>>
          %dma_wait3A_291 = arith.constant 0 : i32
          %dma_wait3A_292 = arith.constant 0 : i32
          %dma_wait3A_293 = arith.constant 0 : i32
          %dma_wait3A_294 = arith.constant 0 : i32
          %dma_wait3A_295 = tpu.memref_slice %arg2[%dma_wait3A_291, %dma_wait3A_292, %dma_wait3A_284, %dma_wait3A_293, %dma_wait3A_294] : memref<200x8x8x8x128xf32, #tpu.memory_space<hbm>> -> memref<2x8x1x8x128xf32, #tpu.memory_space<hbm>>
          %dma_wait3A_296 = tpu.memref_squeeze %dma_wait3A_295 : memref<2x8x1x8x128xf32, #tpu.memory_space<hbm>> -> memref<2x8x8x128xf32, #tpu.memory_space<hbm>>
          tpu.wait_dma2 semaphore(%arg21 : memref<!tpu.dma_semaphore, #tpu.memory_space<semaphore_mem>>) src(%dma_wait3A_296 : memref<2x8x8x128xf32, #tpu.memory_space<hbm>>) dst(%arg9 : memref<2x8x8x128xf32, #tpu.memory_space<vmem>>)
        } else {
        }
        %mul3A_271 = arith.constant 2 : i32
        %mul3A_272 = arith.muli %mul3A_271, %add3A_158 : i32
        %add3A_273 = arith.addi %mul3A_32, %mul3A_272 : i32
        %dma_start3A_274 = arith.constant 0 : i32
        %dma_start3A_275 = arith.constant 0 : i32
        %dma_start3A_276 = arith.constant 0 : i32
        %dma_start3A_277 = tpu.memref_slice %arg2[%add3A_273, %dma_start3A_274, %select_n3A_9, %dma_start3A_275, %dma_start3A_276] : memref<200x8x8x8x128xf32, #tpu.memory_space<hbm>> -> memref<2x8x1x8x128xf32, #tpu.memory_space<hbm>>
        %dma_start3A_278 = tpu.memref_squeeze %dma_start3A_277 : memref<2x8x1x8x128xf32, #tpu.memory_space<hbm>> -> memref<2x8x8x128xf32, #tpu.memory_space<hbm>>
        %dma_start3A_279 = arith.constant 0 : i32
        %dma_start3A_280 = arith.constant 0 : i32
        %dma_start3A_281 = arith.constant 0 : i32
        %dma_start3A_282 = tpu.memref_slice %arg2[%add3A_273, %dma_start3A_279, %select_n3A_9, %dma_start3A_280, %dma_start3A_281] : memref<200x8x8x8x128xf32, #tpu.memory_space<hbm>> -> memref<2x8x1x8x128xf32, #tpu.memory_space<hbm>>
        %dma_start3A_283 = tpu.memref_squeeze %dma_start3A_282 : memref<2x8x1x8x128xf32, #tpu.memory_space<hbm>> -> memref<2x8x8x128xf32, #tpu.memory_space<hbm>>
        tpu.enqueue_dma source(%dma_start3A_283 : memref<2x8x8x128xf32, #tpu.memory_space<hbm>>) target(%arg9 : memref<2x8x8x128xf32, #tpu.memory_space<vmem>>) target_semaphore(%arg15 : memref<!tpu.dma_semaphore, #tpu.memory_space<semaphore_mem>>)
      } else {
      }
      %sub3A_162 = arith.constant 3 : i32
      %sub3A_163 = arith.subi %add3A_158, %sub3A_162 : i32
      %ge3A = arith.constant 0 : i32
      %ge3A_164 = arith.cmpi sge, %sub3A_163, %ge3A : i32
      %lt3A_165 = arith.constant 25 : i32
      %lt3A_166 = arith.cmpi slt, %sub3A_163, %lt3A_165 : i32
      %and3A_167 = arith.andi %ge3A_164, %lt3A_166 : i1
      %convert_element_type3A_168 = arith.extui %and3A_167 : i1 to i32
      %cond3A_169 = arith.constant 0 : i32
      %cond3A_170 = arith.cmpi ne, %convert_element_type3A_168, %cond3A_169 : i32
      scf.if %cond3A_170 {
        %dma_wait3A_266 = arith.constant 0 : i32
        %dma_wait3A_267 = arith.constant 0 : i32
        %dma_wait3A_268 = arith.constant 0 : i32
        %dma_wait3A_269 = arith.constant 0 : i32
        %dma_wait3A_270 = arith.constant 0 : i32
        %dma_wait3A_271 = tpu.memref_slice %arg2[%dma_wait3A_267, %dma_wait3A_268, %dma_wait3A_266, %dma_wait3A_269, %dma_wait3A_270] : memref<200x8x8x8x128xf32, #tpu.memory_space<hbm>> -> memref<2x8x1x8x128xf32, #tpu.memory_space<hbm>>
        %dma_wait3A_272 = tpu.memref_squeeze %dma_wait3A_271 : memref<2x8x1x8x128xf32, #tpu.memory_space<hbm>> -> memref<2x8x8x128xf32, #tpu.memory_space<hbm>>
        %dma_wait3A_273 = arith.constant 0 : i32
        %dma_wait3A_274 = arith.constant 0 : i32
        %dma_wait3A_275 = arith.constant 0 : i32
        %dma_wait3A_276 = arith.constant 0 : i32
        %dma_wait3A_277 = tpu.memref_slice %arg2[%dma_wait3A_273, %dma_wait3A_274, %dma_wait3A_266, %dma_wait3A_275, %dma_wait3A_276] : memref<200x8x8x8x128xf32, #tpu.memory_space<hbm>> -> memref<2x8x1x8x128xf32, #tpu.memory_space<hbm>>
        %dma_wait3A_278 = tpu.memref_squeeze %dma_wait3A_277 : memref<2x8x1x8x128xf32, #tpu.memory_space<hbm>> -> memref<2x8x8x128xf32, #tpu.memory_space<hbm>>
        tpu.wait_dma2 semaphore(%arg18 : memref<!tpu.dma_semaphore, #tpu.memory_space<semaphore_mem>>) src(%dma_wait3A_278 : memref<2x8x8x128xf32, #tpu.memory_space<hbm>>) dst(%arg12 : memref<2x8x8x128xf32, #tpu.memory_space<vmem>>)
        %mul3A_279 = arith.constant 2 : i32
        %mul3A_280 = arith.muli %mul3A_279, %sub3A_163 : i32
        %add3A_281 = arith.addi %mul3A_32, %mul3A_280 : i32
        %add3A_282 = arith.constant 0 : i32
        %add3A_283 = arith.addi %add3A_281, %add3A_282 : i32
        %mul3A_284 = arith.constant 8 : i32
        %mul3A_285 = arith.muli %select_n3A_56, %mul3A_284 : i32
        %sub3A_286 = arith.subi %add3A_283, %mul3A_285 : i32
        %scan3A_287 = arith.constant 0 : i32
        %scan3A_288 = arith.constant 0 : i32
        %scan3A_289 = arith.constant 8 : i32
        %scan3A_290 = arith.addi %scan3A_288, %scan3A_289 : i32
        %scan3A_291 = arith.constant 1 : i32
        scf.for %scan3A_320 = %scan3A_288 to %scan3A_290 step %scan3A_291  : i32 {
          %mul3A_321 = arith.constant 16 : i32
          %mul3A_322 = arith.muli %scan3A_320, %mul3A_321 : i32
          %jit3A_323 = arith.constant 8 : i32
          %div3A_324 = arith.divsi %sub3A_286, %jit3A_323 : i32
          %sign3A_325 = arith.constant 0 : i32
          %sign3A_326 = arith.cmpi sgt, %sub3A_286, %sign3A_325 : i32
          %sign3A_327 = arith.extui %sign3A_326 : i1 to i32
          %sign3A_328 = arith.constant 0 : i32
          %sign3A_329 = arith.cmpi slt, %sub3A_286, %sign3A_328 : i32
          %sign3A_330 = arith.extui %sign3A_329 : i1 to i32
          %sign3A_331 = arith.subi %sign3A_327, %sign3A_330 : i32
          %sign3A_332 = arith.constant 0 : i32
          %sign3A_333 = arith.cmpi sgt, %jit3A_323, %sign3A_332 : i32
          %sign3A_334 = arith.extui %sign3A_333 : i1 to i32
          %sign3A_335 = arith.constant 0 : i32
          %sign3A_336 = arith.cmpi slt, %jit3A_323, %sign3A_335 : i32
          %sign3A_337 = arith.extui %sign3A_336 : i1 to i32
          %sign3A_338 = arith.subi %sign3A_334, %sign3A_337 : i32
          %ne3A_339 = arith.cmpi ne, %sign3A_331, %sign3A_338 : i32
          %rem3A_340 = arith.remsi %sub3A_286, %jit3A_323 : i32
          %ne3A_341 = arith.constant 0 : i32
          %ne3A_342 = arith.cmpi ne, %rem3A_340, %ne3A_341 : i32
          %and3A_343 = arith.andi %ne3A_339, %ne3A_342 : i1
          %sub3A_344 = arith.constant 1 : i32
          %sub3A_345 = arith.subi %div3A_324, %sub3A_344 : i32
          %select_n3A_346 = arith.select %and3A_343, %sub3A_345, %div3A_324 : i32
          %jit3A_347 = arith.constant 8 : i32
          %eq3A_348 = arith.constant 0 : i32
          %eq3A_349 = arith.cmpi eq, %jit3A_347, %eq3A_348 : i32
          %jit3A_350 = arith.constant 1 : i32
          %select_n3A_351 = arith.select %eq3A_349, %jit3A_350, %jit3A_347 : i32
          %rem3A_352 = arith.remsi %sub3A_286, %select_n3A_351 : i32
          %ne3A_353 = arith.constant 0 : i32
          %ne3A_354 = arith.cmpi ne, %rem3A_352, %ne3A_353 : i32
          %lt3A_355 = arith.constant 0 : i32
          %lt3A_356 = arith.cmpi slt, %rem3A_352, %lt3A_355 : i32
          %lt3A_357 = arith.constant 0 : i32
          %lt3A_358 = arith.cmpi slt, %select_n3A_351, %lt3A_357 : i32
          %ne3A_359 = arith.xori %lt3A_356, %lt3A_358 : i1
          %and3A_360 = arith.andi %ne3A_359, %ne3A_354 : i1
          %add3A_361 = arith.addi %rem3A_352, %select_n3A_351 : i32
          %select_n3A_362 = arith.select %and3A_360, %add3A_361, %rem3A_352 : i32
          %get3A = arith.index_cast %select_n3A_346 : i32 to index
          %get3A_363 = arith.index_cast %select_n3A_362 : i32 to index
          %get3A_364 = arith.index_cast %mul3A_322 : i32 to index
          %get3A_365 = tpu.vector_load %arg7[%get3A, %get3A_363, %get3A_364] {strides = array<i32>} : memref<7x8x128xi32, #tpu.memory_space<vmem>>, vector<16xi32>,
          %parallel_loop3A = arith.constant 0 : i32
          %parallel_loop3A_366 = arith.constant 64 : i32
          %parallel_loop3A_367 = arith.constant 1 : i32
          scf.for %parallel_loop3A_368 = %parallel_loop3A to %parallel_loop3A_366 step %parallel_loop3A_367  : i32 {
            %parallel_loop3A_369 = arith.constant 200 : i32
            %parallel_loop3A_370 = arith.muli %parallel_loop3A_368, %parallel_loop3A_369 : i32
            %parallel_loop3A_371 = vector.broadcast %parallel_loop3A_370 : i32 to vector<16xi32>
            %parallel_loop3A_372 = arith.addi %get3A_365, %parallel_loop3A_371 : vector<16xi32>
            %parallel_loop3A_373 = tpu.vector_load_idx %arg6[%parallel_loop3A_372] : memref<12800xf32, #tpu.memory_space<vmem>>[vector<16xi32>], vector<16xf32>,
            %parallel_loop3A_374 = arith.constant 8 : i32
            %parallel_loop3A_375 = arith.divsi %parallel_loop3A_368, %parallel_loop3A_374 : i32
            %parallel_loop3A_376 = arith.constant 0 : i32
            %parallel_loop3A_377 = arith.cmpi sgt, %parallel_loop3A_368, %parallel_loop3A_376 : i32
            %parallel_loop3A_378 = arith.extui %parallel_loop3A_377 : i1 to i32
            %parallel_loop3A_379 = arith.constant 0 : i32
            %parallel_loop3A_380 = arith.cmpi slt, %parallel_loop3A_368, %parallel_loop3A_379 : i32
            %parallel_loop3A_381 = arith.extui %parallel_loop3A_380 : i1 to i32
            %parallel_loop3A_382 = arith.subi %parallel_loop3A_378, %parallel_loop3A_381 : i32
            %parallel_loop3A_383 = arith.constant 0 : i32
            %parallel_loop3A_384 = arith.cmpi sgt, %parallel_loop3A_374, %parallel_loop3A_383 : i32
            %parallel_loop3A_385 = arith.extui %parallel_loop3A_384 : i1 to i32
            %parallel_loop3A_386 = arith.constant 0 : i32
            %parallel_loop3A_387 = arith.cmpi slt, %parallel_loop3A_374, %parallel_loop3A_386 : i32
            %parallel_loop3A_388 = arith.extui %parallel_loop3A_387 : i1 to i32
            %parallel_loop3A_389 = arith.subi %parallel_loop3A_385, %parallel_loop3A_388 : i32
            %parallel_loop3A_390 = arith.cmpi ne, %parallel_loop3A_382, %parallel_loop3A_389 : i32
            %parallel_loop3A_391 = arith.remsi %parallel_loop3A_368, %parallel_loop3A_374 : i32
            %parallel_loop3A_392 = arith.constant 0 : i32
            %parallel_loop3A_393 = arith.cmpi ne, %parallel_loop3A_391, %parallel_loop3A_392 : i32
            %parallel_loop3A_394 = arith.andi %parallel_loop3A_390, %parallel_loop3A_393 : i1
            %parallel_loop3A_395 = arith.constant 1 : i32
            %parallel_loop3A_396 = arith.subi %parallel_loop3A_375, %parallel_loop3A_395 : i32
            %parallel_loop3A_397 = arith.select %parallel_loop3A_394, %parallel_loop3A_396, %parallel_loop3A_375 : i32
            %parallel_loop3A_398 = arith.constant 8 : i32
            %parallel_loop3A_399 = arith.constant 0 : i32
            %parallel_loop3A_400 = arith.cmpi eq, %parallel_loop3A_398, %parallel_loop3A_399 : i32
            %parallel_loop3A_401 = arith.constant 1 : i32
            %parallel_loop3A_402 = arith.select %parallel_loop3A_400, %parallel_loop3A_401, %parallel_loop3A_398 : i32
            %parallel_loop3A_403 = arith.remsi %parallel_loop3A_368, %parallel_loop3A_402 : i32
            %parallel_loop3A_404 = arith.constant 0 : i32
            %parallel_loop3A_405 = arith.cmpi ne, %parallel_loop3A_403, %parallel_loop3A_404 : i32
            %parallel_loop3A_406 = arith.constant 0 : i32
            %parallel_loop3A_407 = arith.cmpi slt, %parallel_loop3A_403, %parallel_loop3A_406 : i32
            %parallel_loop3A_408 = arith.constant 0 : i32
            %parallel_loop3A_409 = arith.cmpi slt, %parallel_loop3A_402, %parallel_loop3A_408 : i32
            %parallel_loop3A_410 = arith.xori %parallel_loop3A_407, %parallel_loop3A_409 : i1
            %parallel_loop3A_411 = arith.andi %parallel_loop3A_410, %parallel_loop3A_405 : i1
            %parallel_loop3A_412 = arith.addi %parallel_loop3A_403, %parallel_loop3A_402 : i32
            %parallel_loop3A_413 = arith.select %parallel_loop3A_411, %parallel_loop3A_412, %parallel_loop3A_403 : i32
            %parallel_loop3A_414 = arith.constant 0 : i32
            %parallel_loop3A_415 = arith.index_cast %parallel_loop3A_414 : i32 to index
            %parallel_loop3A_416 = arith.index_cast %parallel_loop3A_397 : i32 to index
            %parallel_loop3A_417 = arith.index_cast %parallel_loop3A_413 : i32 to index
            %parallel_loop3A_418 = arith.index_cast %mul3A_322 : i32 to index
            %parallel_loop3A_419 = tpu.vector_load %arg12[%parallel_loop3A_415, %parallel_loop3A_416, %parallel_loop3A_417, %parallel_loop3A_418] {strides = array<i32>} : memref<2x8x8x128xf32, #tpu.memory_space<vmem>>, vector<16xf32>,
            tpu.vector_store %arg12[%parallel_loop3A_415, %parallel_loop3A_416, %parallel_loop3A_417, %parallel_loop3A_418], %parallel_loop3A_373 {add = true, strides = array<i32>} : memref<2x8x8x128xf32, #tpu.memory_space<vmem>>, vector<16xf32>,
          } {sc.loop_unroll_factor = 16 : i64, sc.parallel_access}
        }
        %scan3A_292 = arith.constant 8 : i32
        %mul3A_293 = arith.constant 2 : i32
        %mul3A_294 = arith.muli %mul3A_293, %sub3A_163 : i32
        %add3A_295 = arith.addi %mul3A_32, %mul3A_294 : i32
        %add3A_296 = arith.constant 1 : i32
        %add3A_297 = arith.addi %add3A_295, %add3A_296 : i32
        %mul3A_298 = arith.constant 8 : i32
        %mul3A_299 = arith.muli %select_n3A_56, %mul3A_298 : i32
        %sub3A_300 = arith.subi %add3A_297, %mul3A_299 : i32
        %scan3A_301 = arith.constant 0 : i32
        %scan3A_302 = arith.constant 0 : i32
        %scan3A_303 = arith.constant 8 : i32
        %scan3A_304 = arith.addi %scan3A_302, %scan3A_303 : i32
        %scan3A_305 = arith.constant 1 : i32
        scf.for %scan3A_320 = %scan3A_302 to %scan3A_304 step %scan3A_305  : i32 {
          %mul3A_321 = arith.constant 16 : i32
          %mul3A_322 = arith.muli %scan3A_320, %mul3A_321 : i32
          %jit3A_323 = arith.constant 8 : i32
          %div3A_324 = arith.divsi %sub3A_300, %jit3A_323 : i32
          %sign3A_325 = arith.constant 0 : i32
          %sign3A_326 = arith.cmpi sgt, %sub3A_300, %sign3A_325 : i32
          %sign3A_327 = arith.extui %sign3A_326 : i1 to i32
          %sign3A_328 = arith.constant 0 : i32
          %sign3A_329 = arith.cmpi slt, %sub3A_300, %sign3A_328 : i32
          %sign3A_330 = arith.extui %sign3A_329 : i1 to i32
          %sign3A_331 = arith.subi %sign3A_327, %sign3A_330 : i32
          %sign3A_332 = arith.constant 0 : i32
          %sign3A_333 = arith.cmpi sgt, %jit3A_323, %sign3A_332 : i32
          %sign3A_334 = arith.extui %sign3A_333 : i1 to i32
          %sign3A_335 = arith.constant 0 : i32
          %sign3A_336 = arith.cmpi slt, %jit3A_323, %sign3A_335 : i32
          %sign3A_337 = arith.extui %sign3A_336 : i1 to i32
          %sign3A_338 = arith.subi %sign3A_334, %sign3A_337 : i32
          %ne3A_339 = arith.cmpi ne, %sign3A_331, %sign3A_338 : i32
          %rem3A_340 = arith.remsi %sub3A_300, %jit3A_323 : i32
          %ne3A_341 = arith.constant 0 : i32
          %ne3A_342 = arith.cmpi ne, %rem3A_340, %ne3A_341 : i32
          %and3A_343 = arith.andi %ne3A_339, %ne3A_342 : i1
          %sub3A_344 = arith.constant 1 : i32
          %sub3A_345 = arith.subi %div3A_324, %sub3A_344 : i32
          %select_n3A_346 = arith.select %and3A_343, %sub3A_345, %div3A_324 : i32
          %jit3A_347 = arith.constant 8 : i32
          %eq3A_348 = arith.constant 0 : i32
          %eq3A_349 = arith.cmpi eq, %jit3A_347, %eq3A_348 : i32
          %jit3A_350 = arith.constant 1 : i32
          %select_n3A_351 = arith.select %eq3A_349, %jit3A_350, %jit3A_347 : i32
          %rem3A_352 = arith.remsi %sub3A_300, %select_n3A_351 : i32
          %ne3A_353 = arith.constant 0 : i32
          %ne3A_354 = arith.cmpi ne, %rem3A_352, %ne3A_353 : i32
          %lt3A_355 = arith.constant 0 : i32
          %lt3A_356 = arith.cmpi slt, %rem3A_352, %lt3A_355 : i32
          %lt3A_357 = arith.constant 0 : i32
          %lt3A_358 = arith.cmpi slt, %select_n3A_351, %lt3A_357 : i32
          %ne3A_359 = arith.xori %lt3A_356, %lt3A_358 : i1
          %and3A_360 = arith.andi %ne3A_359, %ne3A_354 : i1
          %add3A_361 = arith.addi %rem3A_352, %select_n3A_351 : i32
          %select_n3A_362 = arith.select %and3A_360, %add3A_361, %rem3A_352 : i32
          %get3A = arith.index_cast %select_n3A_346 : i32 to index
          %get3A_363 = arith.index_cast %select_n3A_362 : i32 to index
          %get3A_364 = arith.index_cast %mul3A_322 : i32 to index
          %get3A_365 = tpu.vector_load %arg7[%get3A, %get3A_363, %get3A_364] {strides = array<i32>} : memref<7x8x128xi32, #tpu.memory_space<vmem>>, vector<16xi32>,
          %parallel_loop3A = arith.constant 0 : i32
          %parallel_loop3A_366 = arith.constant 64 : i32
          %parallel_loop3A_367 = arith.constant 1 : i32
          scf.for %parallel_loop3A_368 = %parallel_loop3A to %parallel_loop3A_366 step %parallel_loop3A_367  : i32 {
            %parallel_loop3A_369 = arith.constant 200 : i32
            %parallel_loop3A_370 = arith.muli %parallel_loop3A_368, %parallel_loop3A_369 : i32
            %parallel_loop3A_371 = vector.broadcast %parallel_loop3A_370 : i32 to vector<16xi32>
            %parallel_loop3A_372 = arith.addi %get3A_365, %parallel_loop3A_371 : vector<16xi32>
            %parallel_loop3A_373 = tpu.vector_load_idx %arg6[%parallel_loop3A_372] : memref<12800xf32, #tpu.memory_space<vmem>>[vector<16xi32>], vector<16xf32>,
            %parallel_loop3A_374 = arith.constant 8 : i32
            %parallel_loop3A_375 = arith.divsi %parallel_loop3A_368, %parallel_loop3A_374 : i32
            %parallel_loop3A_376 = arith.constant 0 : i32
            %parallel_loop3A_377 = arith.cmpi sgt, %parallel_loop3A_368, %parallel_loop3A_376 : i32
            %parallel_loop3A_378 = arith.extui %parallel_loop3A_377 : i1 to i32
            %parallel_loop3A_379 = arith.constant 0 : i32
            %parallel_loop3A_380 = arith.cmpi slt, %parallel_loop3A_368, %parallel_loop3A_379 : i32
            %parallel_loop3A_381 = arith.extui %parallel_loop3A_380 : i1 to i32
            %parallel_loop3A_382 = arith.subi %parallel_loop3A_378, %parallel_loop3A_381 : i32
            %parallel_loop3A_383 = arith.constant 0 : i32
            %parallel_loop3A_384 = arith.cmpi sgt, %parallel_loop3A_374, %parallel_loop3A_383 : i32
            %parallel_loop3A_385 = arith.extui %parallel_loop3A_384 : i1 to i32
            %parallel_loop3A_386 = arith.constant 0 : i32
            %parallel_loop3A_387 = arith.cmpi slt, %parallel_loop3A_374, %parallel_loop3A_386 : i32
            %parallel_loop3A_388 = arith.extui %parallel_loop3A_387 : i1 to i32
            %parallel_loop3A_389 = arith.subi %parallel_loop3A_385, %parallel_loop3A_388 : i32
            %parallel_loop3A_390 = arith.cmpi ne, %parallel_loop3A_382, %parallel_loop3A_389 : i32
            %parallel_loop3A_391 = arith.remsi %parallel_loop3A_368, %parallel_loop3A_374 : i32
            %parallel_loop3A_392 = arith.constant 0 : i32
            %parallel_loop3A_393 = arith.cmpi ne, %parallel_loop3A_391, %parallel_loop3A_392 : i32
            %parallel_loop3A_394 = arith.andi %parallel_loop3A_390, %parallel_loop3A_393 : i1
            %parallel_loop3A_395 = arith.constant 1 : i32
            %parallel_loop3A_396 = arith.subi %parallel_loop3A_375, %parallel_loop3A_395 : i32
            %parallel_loop3A_397 = arith.select %parallel_loop3A_394, %parallel_loop3A_396, %parallel_loop3A_375 : i32
            %parallel_loop3A_398 = arith.constant 8 : i32
            %parallel_loop3A_399 = arith.constant 0 : i32
            %parallel_loop3A_400 = arith.cmpi eq, %parallel_loop3A_398, %parallel_loop3A_399 : i32
            %parallel_loop3A_401 = arith.constant 1 : i32
            %parallel_loop3A_402 = arith.select %parallel_loop3A_400, %parallel_loop3A_401, %parallel_loop3A_398 : i32
            %parallel_loop3A_403 = arith.remsi %parallel_loop3A_368, %parallel_loop3A_402 : i32
            %parallel_loop3A_404 = arith.constant 0 : i32
            %parallel_loop3A_405 = arith.cmpi ne, %parallel_loop3A_403, %parallel_loop3A_404 : i32
            %parallel_loop3A_406 = arith.constant 0 : i32
            %parallel_loop3A_407 = arith.cmpi slt, %parallel_loop3A_403, %parallel_loop3A_406 : i32
            %parallel_loop3A_408 = arith.constant 0 : i32
            %parallel_loop3A_409 = arith.cmpi slt, %parallel_loop3A_402, %parallel_loop3A_408 : i32
            %parallel_loop3A_410 = arith.xori %parallel_loop3A_407, %parallel_loop3A_409 : i1
            %parallel_loop3A_411 = arith.andi %parallel_loop3A_410, %parallel_loop3A_405 : i1
            %parallel_loop3A_412 = arith.addi %parallel_loop3A_403, %parallel_loop3A_402 : i32
            %parallel_loop3A_413 = arith.select %parallel_loop3A_411, %parallel_loop3A_412, %parallel_loop3A_403 : i32
            %parallel_loop3A_414 = arith.constant 1 : i32
            %parallel_loop3A_415 = arith.index_cast %parallel_loop3A_414 : i32 to index
            %parallel_loop3A_416 = arith.index_cast %parallel_loop3A_397 : i32 to index
            %parallel_loop3A_417 = arith.index_cast %parallel_loop3A_413 : i32 to index
            %parallel_loop3A_418 = arith.index_cast %mul3A_322 : i32 to index
            %parallel_loop3A_419 = tpu.vector_load %arg12[%parallel_loop3A_415, %parallel_loop3A_416, %parallel_loop3A_417, %parallel_loop3A_418] {strides = array<i32>} : memref<2x8x8x128xf32, #tpu.memory_space<vmem>>, vector<16xf32>,
            tpu.vector_store %arg12[%parallel_loop3A_415, %parallel_loop3A_416, %parallel_loop3A_417, %parallel_loop3A_418], %parallel_loop3A_373 {add = true, strides = array<i32>} : memref<2x8x8x128xf32, #tpu.memory_space<vmem>>, vector<16xf32>,
          } {sc.loop_unroll_factor = 16 : i64, sc.parallel_access}
        }
        %scan3A_306 = arith.constant 8 : i32
        %mul3A_307 = arith.constant 2 : i32
        %mul3A_308 = arith.muli %mul3A_307, %sub3A_163 : i32
        %add3A_309 = arith.addi %mul3A_32, %mul3A_308 : i32
        %dma_start3A_310 = arith.constant 0 : i32
        %dma_start3A_311 = arith.constant 0 : i32
        %dma_start3A_312 = arith.constant 0 : i32
        %dma_start3A_313 = tpu.memref_slice %arg5[%add3A_309, %dma_start3A_310, %select_n3A_9, %dma_start3A_311, %dma_start3A_312] : memref<200x8x8x8x128xf32, #tpu.memory_space<hbm>> -> memref<2x8x1x8x128xf32, #tpu.memory_space<hbm>>
        %dma_start3A_314 = tpu.memref_squeeze %dma_start3A_313 : memref<2x8x1x8x128xf32, #tpu.memory_space<hbm>> -> memref<2x8x8x128xf32, #tpu.memory_space<hbm>>
        %dma_start3A_315 = arith.constant 0 : i32
        %dma_start3A_316 = arith.constant 0 : i32
        %dma_start3A_317 = arith.constant 0 : i32
        %dma_start3A_318 = tpu.memref_slice %arg5[%add3A_309, %dma_start3A_315, %select_n3A_9, %dma_start3A_316, %dma_start3A_317] : memref<200x8x8x8x128xf32, #tpu.memory_space<hbm>> -> memref<2x8x1x8x128xf32, #tpu.memory_space<hbm>>
        %dma_start3A_319 = tpu.memref_squeeze %dma_start3A_318 : memref<2x8x1x8x128xf32, #tpu.memory_space<hbm>> -> memref<2x8x8x128xf32, #tpu.memory_space<hbm>>
        tpu.enqueue_dma source(%arg12 : memref<2x8x8x128xf32, #tpu.memory_space<vmem>>) target(%dma_start3A_319 : memref<2x8x8x128xf32, #tpu.memory_space<hbm>>) target_semaphore(%arg24 : memref<!tpu.dma_semaphore, #tpu.memory_space<semaphore_mem>>)
      } else {
      }
      %mul3A_171 = arith.constant 6 : i32
      %mul3A_172 = arith.muli %scan3A_154, %mul3A_171 : i32
      %add3A_173 = arith.constant 1 : i32
      %add3A_174 = arith.addi %mul3A_172, %add3A_173 : i32
      %lt3A_175 = arith.constant 25 : i32
      %lt3A_176 = arith.cmpi slt, %add3A_174, %lt3A_175 : i32
      %convert_element_type3A_177 = arith.extui %lt3A_176 : i1 to i32
      %cond3A_178 = arith.constant 0 : i32
      %cond3A_179 = arith.cmpi ne, %convert_element_type3A_177, %cond3A_178 : i32
      scf.if %cond3A_179 {
        %ge3A_266 = arith.constant 6 : i32
        %ge3A_267 = arith.cmpi sge, %add3A_174, %ge3A_266 : i32
        %convert_element_type3A_268 = arith.extui %ge3A_267 : i1 to i32
        %cond3A_269 = arith.constant 0 : i32
        %cond3A_270 = arith.cmpi ne, %convert_element_type3A_268, %cond3A_269 : i32
        scf.if %cond3A_270 {
          %dma_wait3A_284 = arith.constant 0 : i32
          %dma_wait3A_285 = arith.constant 0 : i32
          %dma_wait3A_286 = arith.constant 0 : i32
          %dma_wait3A_287 = arith.constant 0 : i32
          %dma_wait3A_288 = arith.constant 0 : i32
          %dma_wait3A_289 = tpu.memref_slice %arg2[%dma_wait3A_285, %dma_wait3A_286, %dma_wait3A_284, %dma_wait3A_287, %dma_wait3A_288] : memref<200x8x8x8x128xf32, #tpu.memory_space<hbm>> -> memref<2x8x1x8x128xf32, #tpu.memory_space<hbm>>
          %dma_wait3A_290 = tpu.memref_squeeze %dma_wait3A_289 : memref<2x8x1x8x128xf32, #tpu.memory_space<hbm>> -> memref<2x8x8x128xf32, #tpu.memory_space<hbm>>
          %dma_wait3A_291 = arith.constant 0 : i32
          %dma_wait3A_292 = arith.constant 0 : i32
          %dma_wait3A_293 = arith.constant 0 : i32
          %dma_wait3A_294 = arith.constant 0 : i32
          %dma_wait3A_295 = tpu.memref_slice %arg2[%dma_wait3A_291, %dma_wait3A_292, %dma_wait3A_284, %dma_wait3A_293, %dma_wait3A_294] : memref<200x8x8x8x128xf32, #tpu.memory_space<hbm>> -> memref<2x8x1x8x128xf32, #tpu.memory_space<hbm>>
          %dma_wait3A_296 = tpu.memref_squeeze %dma_wait3A_295 : memref<2x8x1x8x128xf32, #tpu.memory_space<hbm>> -> memref<2x8x8x128xf32, #tpu.memory_space<hbm>>
          tpu.wait_dma2 semaphore(%arg22 : memref<!tpu.dma_semaphore, #tpu.memory_space<semaphore_mem>>) src(%dma_wait3A_296 : memref<2x8x8x128xf32, #tpu.memory_space<hbm>>) dst(%arg10 : memref<2x8x8x128xf32, #tpu.memory_space<vmem>>)
        } else {
        }
        %mul3A_271 = arith.constant 2 : i32
        %mul3A_272 = arith.muli %mul3A_271, %add3A_174 : i32
        %add3A_273 = arith.addi %mul3A_32, %mul3A_272 : i32
        %dma_start3A_274 = arith.constant 0 : i32
        %dma_start3A_275 = arith.constant 0 : i32
        %dma_start3A_276 = arith.constant 0 : i32
        %dma_start3A_277 = tpu.memref_slice %arg2[%add3A_273, %dma_start3A_274, %select_n3A_9, %dma_start3A_275, %dma_start3A_276] : memref<200x8x8x8x128xf32, #tpu.memory_space<hbm>> -> memref<2x8x1x8x128xf32, #tpu.memory_space<hbm>>
        %dma_start3A_278 = tpu.memref_squeeze %dma_start3A_277 : memref<2x8x1x8x128xf32, #tpu.memory_space<hbm>> -> memref<2x8x8x128xf32, #tpu.memory_space<hbm>>
        %dma_start3A_279 = arith.constant 0 : i32
        %dma_start3A_280 = arith.constant 0 : i32
        %dma_start3A_281 = arith.constant 0 : i32
        %dma_start3A_282 = tpu.memref_slice %arg2[%add3A_273, %dma_start3A_279, %select_n3A_9, %dma_start3A_280, %dma_start3A_281] : memref<200x8x8x8x128xf32, #tpu.memory_space<hbm>> -> memref<2x8x1x8x128xf32, #tpu.memory_space<hbm>>
        %dma_start3A_283 = tpu.memref_squeeze %dma_start3A_282 : memref<2x8x1x8x128xf32, #tpu.memory_space<hbm>> -> memref<2x8x8x128xf32, #tpu.memory_space<hbm>>
        tpu.enqueue_dma source(%dma_start3A_283 : memref<2x8x8x128xf32, #tpu.memory_space<hbm>>) target(%arg10 : memref<2x8x8x128xf32, #tpu.memory_space<vmem>>) target_semaphore(%arg16 : memref<!tpu.dma_semaphore, #tpu.memory_space<semaphore_mem>>)
      } else {
      }
      %sub3A_180 = arith.constant 3 : i32
      %sub3A_181 = arith.subi %add3A_174, %sub3A_180 : i32
      %ge3A_182 = arith.constant 0 : i32
      %ge3A_183 = arith.cmpi sge, %sub3A_181, %ge3A_182 : i32
      %lt3A_184 = arith.constant 25 : i32
      %lt3A_185 = arith.cmpi slt, %sub3A_181, %lt3A_184 : i32
      %and3A_186 = arith.andi %ge3A_183, %lt3A_185 : i1
      %convert_element_type3A_187 = arith.extui %and3A_186 : i1 to i32
      %cond3A_188 = arith.constant 0 : i32
      %cond3A_189 = arith.cmpi ne, %convert_element_type3A_187, %cond3A_188 : i32
      scf.if %cond3A_189 {
        %dma_wait3A_266 = arith.constant 0 : i32
        %dma_wait3A_267 = arith.constant 0 : i32
        %dma_wait3A_268 = arith.constant 0 : i32
        %dma_wait3A_269 = arith.constant 0 : i32
        %dma_wait3A_270 = arith.constant 0 : i32
        %dma_wait3A_271 = tpu.memref_slice %arg2[%dma_wait3A_267, %dma_wait3A_268, %dma_wait3A_266, %dma_wait3A_269, %dma_wait3A_270] : memref<200x8x8x8x128xf32, #tpu.memory_space<hbm>> -> memref<2x8x1x8x128xf32, #tpu.memory_space<hbm>>
        %dma_wait3A_272 = tpu.memref_squeeze %dma_wait3A_271 : memref<2x8x1x8x128xf32, #tpu.memory_space<hbm>> -> memref<2x8x8x128xf32, #tpu.memory_space<hbm>>
        %dma_wait3A_273 = arith.constant 0 : i32
        %dma_wait3A_274 = arith.constant 0 : i32
        %dma_wait3A_275 = arith.constant 0 : i32
        %dma_wait3A_276 = arith.constant 0 : i32
        %dma_wait3A_277 = tpu.memref_slice %arg2[%dma_wait3A_273, %dma_wait3A_274, %dma_wait3A_266, %dma_wait3A_275, %dma_wait3A_276] : memref<200x8x8x8x128xf32, #tpu.memory_space<hbm>> -> memref<2x8x1x8x128xf32, #tpu.memory_space<hbm>>
        %dma_wait3A_278 = tpu.memref_squeeze %dma_wait3A_277 : memref<2x8x1x8x128xf32, #tpu.memory_space<hbm>> -> memref<2x8x8x128xf32, #tpu.memory_space<hbm>>
        tpu.wait_dma2 semaphore(%arg19 : memref<!tpu.dma_semaphore, #tpu.memory_space<semaphore_mem>>) src(%dma_wait3A_278 : memref<2x8x8x128xf32, #tpu.memory_space<hbm>>) dst(%arg13 : memref<2x8x8x128xf32, #tpu.memory_space<vmem>>)
        %mul3A_279 = arith.constant 2 : i32
        %mul3A_280 = arith.muli %mul3A_279, %sub3A_181 : i32
        %add3A_281 = arith.addi %mul3A_32, %mul3A_280 : i32
        %add3A_282 = arith.constant 0 : i32
        %add3A_283 = arith.addi %add3A_281, %add3A_282 : i32
        %mul3A_284 = arith.constant 8 : i32
        %mul3A_285 = arith.muli %select_n3A_56, %mul3A_284 : i32
        %sub3A_286 = arith.subi %add3A_283, %mul3A_285 : i32
        %scan3A_287 = arith.constant 0 : i32
        %scan3A_288 = arith.constant 0 : i32
        %scan3A_289 = arith.constant 8 : i32
        %scan3A_290 = arith.addi %scan3A_288, %scan3A_289 : i32
        %scan3A_291 = arith.constant 1 : i32
        scf.for %scan3A_320 = %scan3A_288 to %scan3A_290 step %scan3A_291  : i32 {
          %mul3A_321 = arith.constant 16 : i32
          %mul3A_322 = arith.muli %scan3A_320, %mul3A_321 : i32
          %jit3A_323 = arith.constant 8 : i32
          %div3A_324 = arith.divsi %sub3A_286, %jit3A_323 : i32
          %sign3A_325 = arith.constant 0 : i32
          %sign3A_326 = arith.cmpi sgt, %sub3A_286, %sign3A_325 : i32
          %sign3A_327 = arith.extui %sign3A_326 : i1 to i32
          %sign3A_328 = arith.constant 0 : i32
          %sign3A_329 = arith.cmpi slt, %sub3A_286, %sign3A_328 : i32
          %sign3A_330 = arith.extui %sign3A_329 : i1 to i32
          %sign3A_331 = arith.subi %sign3A_327, %sign3A_330 : i32
          %sign3A_332 = arith.constant 0 : i32
          %sign3A_333 = arith.cmpi sgt, %jit3A_323, %sign3A_332 : i32
          %sign3A_334 = arith.extui %sign3A_333 : i1 to i32
          %sign3A_335 = arith.constant 0 : i32
          %sign3A_336 = arith.cmpi slt, %jit3A_323, %sign3A_335 : i32
          %sign3A_337 = arith.extui %sign3A_336 : i1 to i32
          %sign3A_338 = arith.subi %sign3A_334, %sign3A_337 : i32
          %ne3A_339 = arith.cmpi ne, %sign3A_331, %sign3A_338 : i32
          %rem3A_340 = arith.remsi %sub3A_286, %jit3A_323 : i32
          %ne3A_341 = arith.constant 0 : i32
          %ne3A_342 = arith.cmpi ne, %rem3A_340, %ne3A_341 : i32
          %and3A_343 = arith.andi %ne3A_339, %ne3A_342 : i1
          %sub3A_344 = arith.constant 1 : i32
          %sub3A_345 = arith.subi %div3A_324, %sub3A_344 : i32
          %select_n3A_346 = arith.select %and3A_343, %sub3A_345, %div3A_324 : i32
          %jit3A_347 = arith.constant 8 : i32
          %eq3A_348 = arith.constant 0 : i32
          %eq3A_349 = arith.cmpi eq, %jit3A_347, %eq3A_348 : i32
          %jit3A_350 = arith.constant 1 : i32
          %select_n3A_351 = arith.select %eq3A_349, %jit3A_350, %jit3A_347 : i32
          %rem3A_352 = arith.remsi %sub3A_286, %select_n3A_351 : i32
          %ne3A_353 = arith.constant 0 : i32
          %ne3A_354 = arith.cmpi ne, %rem3A_352, %ne3A_353 : i32
          %lt3A_355 = arith.constant 0 : i32
          %lt3A_356 = arith.cmpi slt, %rem3A_352, %lt3A_355 : i32
          %lt3A_357 = arith.constant 0 : i32
          %lt3A_358 = arith.cmpi slt, %select_n3A_351, %lt3A_357 : i32
          %ne3A_359 = arith.xori %lt3A_356, %lt3A_358 : i1
          %and3A_360 = arith.andi %ne3A_359, %ne3A_354 : i1
          %add3A_361 = arith.addi %rem3A_352, %select_n3A_351 : i32
          %select_n3A_362 = arith.select %and3A_360, %add3A_361, %rem3A_352 : i32
          %get3A = arith.index_cast %select_n3A_346 : i32 to index
          %get3A_363 = arith.index_cast %select_n3A_362 : i32 to index
          %get3A_364 = arith.index_cast %mul3A_322 : i32 to index
          %get3A_365 = tpu.vector_load %arg7[%get3A, %get3A_363, %get3A_364] {strides = array<i32>} : memref<7x8x128xi32, #tpu.memory_space<vmem>>, vector<16xi32>,
          %parallel_loop3A = arith.constant 0 : i32
          %parallel_loop3A_366 = arith.constant 64 : i32
          %parallel_loop3A_367 = arith.constant 1 : i32
          scf.for %parallel_loop3A_368 = %parallel_loop3A to %parallel_loop3A_366 step %parallel_loop3A_367  : i32 {
            %parallel_loop3A_369 = arith.constant 200 : i32
            %parallel_loop3A_370 = arith.muli %parallel_loop3A_368, %parallel_loop3A_369 : i32
            %parallel_loop3A_371 = vector.broadcast %parallel_loop3A_370 : i32 to vector<16xi32>
            %parallel_loop3A_372 = arith.addi %get3A_365, %parallel_loop3A_371 : vector<16xi32>
            %parallel_loop3A_373 = tpu.vector_load_idx %arg6[%parallel_loop3A_372] : memref<12800xf32, #tpu.memory_space<vmem>>[vector<16xi32>], vector<16xf32>,
            %parallel_loop3A_374 = arith.constant 8 : i32
            %parallel_loop3A_375 = arith.divsi %parallel_loop3A_368, %parallel_loop3A_374 : i32
            %parallel_loop3A_376 = arith.constant 0 : i32
            %parallel_loop3A_377 = arith.cmpi sgt, %parallel_loop3A_368, %parallel_loop3A_376 : i32
            %parallel_loop3A_378 = arith.extui %parallel_loop3A_377 : i1 to i32
            %parallel_loop3A_379 = arith.constant 0 : i32
            %parallel_loop3A_380 = arith.cmpi slt, %parallel_loop3A_368, %parallel_loop3A_379 : i32
            %parallel_loop3A_381 = arith.extui %parallel_loop3A_380 : i1 to i32
            %parallel_loop3A_382 = arith.subi %parallel_loop3A_378, %parallel_loop3A_381 : i32
            %parallel_loop3A_383 = arith.constant 0 : i32
            %parallel_loop3A_384 = arith.cmpi sgt, %parallel_loop3A_374, %parallel_loop3A_383 : i32
            %parallel_loop3A_385 = arith.extui %parallel_loop3A_384 : i1 to i32
            %parallel_loop3A_386 = arith.constant 0 : i32
            %parallel_loop3A_387 = arith.cmpi slt, %parallel_loop3A_374, %parallel_loop3A_386 : i32
            %parallel_loop3A_388 = arith.extui %parallel_loop3A_387 : i1 to i32
            %parallel_loop3A_389 = arith.subi %parallel_loop3A_385, %parallel_loop3A_388 : i32
            %parallel_loop3A_390 = arith.cmpi ne, %parallel_loop3A_382, %parallel_loop3A_389 : i32
            %parallel_loop3A_391 = arith.remsi %parallel_loop3A_368, %parallel_loop3A_374 : i32
            %parallel_loop3A_392 = arith.constant 0 : i32
            %parallel_loop3A_393 = arith.cmpi ne, %parallel_loop3A_391, %parallel_loop3A_392 : i32
            %parallel_loop3A_394 = arith.andi %parallel_loop3A_390, %parallel_loop3A_393 : i1
            %parallel_loop3A_395 = arith.constant 1 : i32
            %parallel_loop3A_396 = arith.subi %parallel_loop3A_375, %parallel_loop3A_395 : i32
            %parallel_loop3A_397 = arith.select %parallel_loop3A_394, %parallel_loop3A_396, %parallel_loop3A_375 : i32
            %parallel_loop3A_398 = arith.constant 8 : i32
            %parallel_loop3A_399 = arith.constant 0 : i32
            %parallel_loop3A_400 = arith.cmpi eq, %parallel_loop3A_398, %parallel_loop3A_399 : i32
            %parallel_loop3A_401 = arith.constant 1 : i32
            %parallel_loop3A_402 = arith.select %parallel_loop3A_400, %parallel_loop3A_401, %parallel_loop3A_398 : i32
            %parallel_loop3A_403 = arith.remsi %parallel_loop3A_368, %parallel_loop3A_402 : i32
            %parallel_loop3A_404 = arith.constant 0 : i32
            %parallel_loop3A_405 = arith.cmpi ne, %parallel_loop3A_403, %parallel_loop3A_404 : i32
            %parallel_loop3A_406 = arith.constant 0 : i32
            %parallel_loop3A_407 = arith.cmpi slt, %parallel_loop3A_403, %parallel_loop3A_406 : i32
            %parallel_loop3A_408 = arith.constant 0 : i32
            %parallel_loop3A_409 = arith.cmpi slt, %parallel_loop3A_402, %parallel_loop3A_408 : i32
            %parallel_loop3A_410 = arith.xori %parallel_loop3A_407, %parallel_loop3A_409 : i1
            %parallel_loop3A_411 = arith.andi %parallel_loop3A_410, %parallel_loop3A_405 : i1
            %parallel_loop3A_412 = arith.addi %parallel_loop3A_403, %parallel_loop3A_402 : i32
            %parallel_loop3A_413 = arith.select %parallel_loop3A_411, %parallel_loop3A_412, %parallel_loop3A_403 : i32
            %parallel_loop3A_414 = arith.constant 0 : i32
            %parallel_loop3A_415 = arith.index_cast %parallel_loop3A_414 : i32 to index
            %parallel_loop3A_416 = arith.index_cast %parallel_loop3A_397 : i32 to index
            %parallel_loop3A_417 = arith.index_cast %parallel_loop3A_413 : i32 to index
            %parallel_loop3A_418 = arith.index_cast %mul3A_322 : i32 to index
            %parallel_loop3A_419 = tpu.vector_load %arg13[%parallel_loop3A_415, %parallel_loop3A_416, %parallel_loop3A_417, %parallel_loop3A_418] {strides = array<i32>} : memref<2x8x8x128xf32, #tpu.memory_space<vmem>>, vector<16xf32>,
            tpu.vector_store %arg13[%parallel_loop3A_415, %parallel_loop3A_416, %parallel_loop3A_417, %parallel_loop3A_418], %parallel_loop3A_373 {add = true, strides = array<i32>} : memref<2x8x8x128xf32, #tpu.memory_space<vmem>>, vector<16xf32>,
          } {sc.loop_unroll_factor = 16 : i64, sc.parallel_access}
        }
        %scan3A_292 = arith.constant 8 : i32
        %mul3A_293 = arith.constant 2 : i32
        %mul3A_294 = arith.muli %mul3A_293, %sub3A_181 : i32
        %add3A_295 = arith.addi %mul3A_32, %mul3A_294 : i32
        %add3A_296 = arith.constant 1 : i32
        %add3A_297 = arith.addi %add3A_295, %add3A_296 : i32
        %mul3A_298 = arith.constant 8 : i32
        %mul3A_299 = arith.muli %select_n3A_56, %mul3A_298 : i32
        %sub3A_300 = arith.subi %add3A_297, %mul3A_299 : i32
        %scan3A_301 = arith.constant 0 : i32
        %scan3A_302 = arith.constant 0 : i32
        %scan3A_303 = arith.constant 8 : i32
        %scan3A_304 = arith.addi %scan3A_302, %scan3A_303 : i32
        %scan3A_305 = arith.constant 1 : i32
        scf.for %scan3A_320 = %scan3A_302 to %scan3A_304 step %scan3A_305  : i32 {
          %mul3A_321 = arith.constant 16 : i32
          %mul3A_322 = arith.muli %scan3A_320, %mul3A_321 : i32
          %jit3A_323 = arith.constant 8 : i32
          %div3A_324 = arith.divsi %sub3A_300, %jit3A_323 : i32
          %sign3A_325 = arith.constant 0 : i32
          %sign3A_326 = arith.cmpi sgt, %sub3A_300, %sign3A_325 : i32
          %sign3A_327 = arith.extui %sign3A_326 : i1 to i32
          %sign3A_328 = arith.constant 0 : i32
          %sign3A_329 = arith.cmpi slt, %sub3A_300, %sign3A_328 : i32
          %sign3A_330 = arith.extui %sign3A_329 : i1 to i32
          %sign3A_331 = arith.subi %sign3A_327, %sign3A_330 : i32
          %sign3A_332 = arith.constant 0 : i32
          %sign3A_333 = arith.cmpi sgt, %jit3A_323, %sign3A_332 : i32
          %sign3A_334 = arith.extui %sign3A_333 : i1 to i32
          %sign3A_335 = arith.constant 0 : i32
          %sign3A_336 = arith.cmpi slt, %jit3A_323, %sign3A_335 : i32
          %sign3A_337 = arith.extui %sign3A_336 : i1 to i32
          %sign3A_338 = arith.subi %sign3A_334, %sign3A_337 : i32
          %ne3A_339 = arith.cmpi ne, %sign3A_331, %sign3A_338 : i32
          %rem3A_340 = arith.remsi %sub3A_300, %jit3A_323 : i32
          %ne3A_341 = arith.constant 0 : i32
          %ne3A_342 = arith.cmpi ne, %rem3A_340, %ne3A_341 : i32
          %and3A_343 = arith.andi %ne3A_339, %ne3A_342 : i1
          %sub3A_344 = arith.constant 1 : i32
          %sub3A_345 = arith.subi %div3A_324, %sub3A_344 : i32
          %select_n3A_346 = arith.select %and3A_343, %sub3A_345, %div3A_324 : i32
          %jit3A_347 = arith.constant 8 : i32
          %eq3A_348 = arith.constant 0 : i32
          %eq3A_349 = arith.cmpi eq, %jit3A_347, %eq3A_348 : i32
          %jit3A_350 = arith.constant 1 : i32
          %select_n3A_351 = arith.select %eq3A_349, %jit3A_350, %jit3A_347 : i32
          %rem3A_352 = arith.remsi %sub3A_300, %select_n3A_351 : i32
          %ne3A_353 = arith.constant 0 : i32
          %ne3A_354 = arith.cmpi ne, %rem3A_352, %ne3A_353 : i32
          %lt3A_355 = arith.constant 0 : i32
          %lt3A_356 = arith.cmpi slt, %rem3A_352, %lt3A_355 : i32
          %lt3A_357 = arith.constant 0 : i32
          %lt3A_358 = arith.cmpi slt, %select_n3A_351, %lt3A_357 : i32
          %ne3A_359 = arith.xori %lt3A_356, %lt3A_358 : i1
          %and3A_360 = arith.andi %ne3A_359, %ne3A_354 : i1
          %add3A_361 = arith.addi %rem3A_352, %select_n3A_351 : i32
          %select_n3A_362 = arith.select %and3A_360, %add3A_361, %rem3A_352 : i32
          %get3A = arith.index_cast %select_n3A_346 : i32 to index
          %get3A_363 = arith.index_cast %select_n3A_362 : i32 to index
          %get3A_364 = arith.index_cast %mul3A_322 : i32 to index
          %get3A_365 = tpu.vector_load %arg7[%get3A, %get3A_363, %get3A_364] {strides = array<i32>} : memref<7x8x128xi32, #tpu.memory_space<vmem>>, vector<16xi32>,
          %parallel_loop3A = arith.constant 0 : i32
          %parallel_loop3A_366 = arith.constant 64 : i32
          %parallel_loop3A_367 = arith.constant 1 : i32
          scf.for %parallel_loop3A_368 = %parallel_loop3A to %parallel_loop3A_366 step %parallel_loop3A_367  : i32 {
            %parallel_loop3A_369 = arith.constant 200 : i32
            %parallel_loop3A_370 = arith.muli %parallel_loop3A_368, %parallel_loop3A_369 : i32
            %parallel_loop3A_371 = vector.broadcast %parallel_loop3A_370 : i32 to vector<16xi32>
            %parallel_loop3A_372 = arith.addi %get3A_365, %parallel_loop3A_371 : vector<16xi32>
            %parallel_loop3A_373 = tpu.vector_load_idx %arg6[%parallel_loop3A_372] : memref<12800xf32, #tpu.memory_space<vmem>>[vector<16xi32>], vector<16xf32>,
            %parallel_loop3A_374 = arith.constant 8 : i32
            %parallel_loop3A_375 = arith.divsi %parallel_loop3A_368, %parallel_loop3A_374 : i32
            %parallel_loop3A_376 = arith.constant 0 : i32
            %parallel_loop3A_377 = arith.cmpi sgt, %parallel_loop3A_368, %parallel_loop3A_376 : i32
            %parallel_loop3A_378 = arith.extui %parallel_loop3A_377 : i1 to i32
            %parallel_loop3A_379 = arith.constant 0 : i32
            %parallel_loop3A_380 = arith.cmpi slt, %parallel_loop3A_368, %parallel_loop3A_379 : i32
            %parallel_loop3A_381 = arith.extui %parallel_loop3A_380 : i1 to i32
            %parallel_loop3A_382 = arith.subi %parallel_loop3A_378, %parallel_loop3A_381 : i32
            %parallel_loop3A_383 = arith.constant 0 : i32
            %parallel_loop3A_384 = arith.cmpi sgt, %parallel_loop3A_374, %parallel_loop3A_383 : i32
            %parallel_loop3A_385 = arith.extui %parallel_loop3A_384 : i1 to i32
            %parallel_loop3A_386 = arith.constant 0 : i32
            %parallel_loop3A_387 = arith.cmpi slt, %parallel_loop3A_374, %parallel_loop3A_386 : i32
            %parallel_loop3A_388 = arith.extui %parallel_loop3A_387 : i1 to i32
            %parallel_loop3A_389 = arith.subi %parallel_loop3A_385, %parallel_loop3A_388 : i32
            %parallel_loop3A_390 = arith.cmpi ne, %parallel_loop3A_382, %parallel_loop3A_389 : i32
            %parallel_loop3A_391 = arith.remsi %parallel_loop3A_368, %parallel_loop3A_374 : i32
            %parallel_loop3A_392 = arith.constant 0 : i32
            %parallel_loop3A_393 = arith.cmpi ne, %parallel_loop3A_391, %parallel_loop3A_392 : i32
            %parallel_loop3A_394 = arith.andi %parallel_loop3A_390, %parallel_loop3A_393 : i1
            %parallel_loop3A_395 = arith.constant 1 : i32
            %parallel_loop3A_396 = arith.subi %parallel_loop3A_375, %parallel_loop3A_395 : i32
            %parallel_loop3A_397 = arith.select %parallel_loop3A_394, %parallel_loop3A_396, %parallel_loop3A_375 : i32
            %parallel_loop3A_398 = arith.constant 8 : i32
            %parallel_loop3A_399 = arith.constant 0 : i32
            %parallel_loop3A_400 = arith.cmpi eq, %parallel_loop3A_398, %parallel_loop3A_399 : i32
            %parallel_loop3A_401 = arith.constant 1 : i32
            %parallel_loop3A_402 = arith.select %parallel_loop3A_400, %parallel_loop3A_401, %parallel_loop3A_398 : i32
            %parallel_loop3A_403 = arith.remsi %parallel_loop3A_368, %parallel_loop3A_402 : i32
            %parallel_loop3A_404 = arith.constant 0 : i32
            %parallel_loop3A_405 = arith.cmpi ne, %parallel_loop3A_403, %parallel_loop3A_404 : i32
            %parallel_loop3A_406 = arith.constant 0 : i32
            %parallel_loop3A_407 = arith.cmpi slt, %parallel_loop3A_403, %parallel_loop3A_406 : i32
            %parallel_loop3A_408 = arith.constant 0 : i32
            %parallel_loop3A_409 = arith.cmpi slt, %parallel_loop3A_402, %parallel_loop3A_408 : i32
            %parallel_loop3A_410 = arith.xori %parallel_loop3A_407, %parallel_loop3A_409 : i1
            %parallel_loop3A_411 = arith.andi %parallel_loop3A_410, %parallel_loop3A_405 : i1
            %parallel_loop3A_412 = arith.addi %parallel_loop3A_403, %parallel_loop3A_402 : i32
            %parallel_loop3A_413 = arith.select %parallel_loop3A_411, %parallel_loop3A_412, %parallel_loop3A_403 : i32
            %parallel_loop3A_414 = arith.constant 1 : i32
            %parallel_loop3A_415 = arith.index_cast %parallel_loop3A_414 : i32 to index
            %parallel_loop3A_416 = arith.index_cast %parallel_loop3A_397 : i32 to index
            %parallel_loop3A_417 = arith.index_cast %parallel_loop3A_413 : i32 to index
            %parallel_loop3A_418 = arith.index_cast %mul3A_322 : i32 to index
            %parallel_loop3A_419 = tpu.vector_load %arg13[%parallel_loop3A_415, %parallel_loop3A_416, %parallel_loop3A_417, %parallel_loop3A_418] {strides = array<i32>} : memref<2x8x8x128xf32, #tpu.memory_space<vmem>>, vector<16xf32>,
            tpu.vector_store %arg13[%parallel_loop3A_415, %parallel_loop3A_416, %parallel_loop3A_417, %parallel_loop3A_418], %parallel_loop3A_373 {add = true, strides = array<i32>} : memref<2x8x8x128xf32, #tpu.memory_space<vmem>>, vector<16xf32>,
          } {sc.loop_unroll_factor = 16 : i64, sc.parallel_access}
        }
        %scan3A_306 = arith.constant 8 : i32
        %mul3A_307 = arith.constant 2 : i32
        %mul3A_308 = arith.muli %mul3A_307, %sub3A_181 : i32
        %add3A_309 = arith.addi %mul3A_32, %mul3A_308 : i32
        %dma_start3A_310 = arith.constant 0 : i32
        %dma_start3A_311 = arith.constant 0 : i32
        %dma_start3A_312 = arith.constant 0 : i32
        %dma_start3A_313 = tpu.memref_slice %arg5[%add3A_309, %dma_start3A_310, %select_n3A_9, %dma_start3A_311, %dma_start3A_312] : memref<200x8x8x8x128xf32, #tpu.memory_space<hbm>> -> memref<2x8x1x8x128xf32, #tpu.memory_space<hbm>>
        %dma_start3A_314 = tpu.memref_squeeze %dma_start3A_313 : memref<2x8x1x8x128xf32, #tpu.memory_space<hbm>> -> memref<2x8x8x128xf32, #tpu.memory_space<hbm>>
        %dma_start3A_315 = arith.constant 0 : i32
        %dma_start3A_316 = arith.constant 0 : i32
        %dma_start3A_317 = arith.constant 0 : i32
        %dma_start3A_318 = tpu.memref_slice %arg5[%add3A_309, %dma_start3A_315, %select_n3A_9, %dma_start3A_316, %dma_start3A_317] : memref<200x8x8x8x128xf32, #tpu.memory_space<hbm>> -> memref<2x8x1x8x128xf32, #tpu.memory_space<hbm>>
        %dma_start3A_319 = tpu.memref_squeeze %dma_start3A_318 : memref<2x8x1x8x128xf32, #tpu.memory_space<hbm>> -> memref<2x8x8x128xf32, #tpu.memory_space<hbm>>
        tpu.enqueue_dma source(%arg13 : memref<2x8x8x128xf32, #tpu.memory_space<vmem>>) target(%dma_start3A_319 : memref<2x8x8x128xf32, #tpu.memory_space<hbm>>) target_semaphore(%arg25 : memref<!tpu.dma_semaphore, #tpu.memory_space<semaphore_mem>>)
      } else {
      }
      %mul3A_190 = arith.constant 6 : i32
      %mul3A_191 = arith.muli %scan3A_154, %mul3A_190 : i32
      %add3A_192 = arith.constant 2 : i32
      %add3A_193 = arith.addi %mul3A_191, %add3A_192 : i32
      %lt3A_194 = arith.constant 25 : i32
      %lt3A_195 = arith.cmpi slt, %add3A_193, %lt3A_194 : i32
      %convert_element_type3A_196 = arith.extui %lt3A_195 : i1 to i32
      %cond3A_197 = arith.constant 0 : i32
      %cond3A_198 = arith.cmpi ne, %convert_element_type3A_196, %cond3A_197 : i32
      scf.if %cond3A_198 {
        %ge3A_266 = arith.constant 6 : i32
        %ge3A_267 = arith.cmpi sge, %add3A_193, %ge3A_266 : i32
        %convert_element_type3A_268 = arith.extui %ge3A_267 : i1 to i32
        %cond3A_269 = arith.constant 0 : i32
        %cond3A_270 = arith.cmpi ne, %convert_element_type3A_268, %cond3A_269 : i32
        scf.if %cond3A_270 {
          %dma_wait3A_284 = arith.constant 0 : i32
          %dma_wait3A_285 = arith.constant 0 : i32
          %dma_wait3A_286 = arith.constant 0 : i32
          %dma_wait3A_287 = arith.constant 0 : i32
          %dma_wait3A_288 = arith.constant 0 : i32
          %dma_wait3A_289 = tpu.memref_slice %arg2[%dma_wait3A_285, %dma_wait3A_286, %dma_wait3A_284, %dma_wait3A_287, %dma_wait3A_288] : memref<200x8x8x8x128xf32, #tpu.memory_space<hbm>> -> memref<2x8x1x8x128xf32, #tpu.memory_space<hbm>>
          %dma_wait3A_290 = tpu.memref_squeeze %dma_wait3A_289 : memref<2x8x1x8x128xf32, #tpu.memory_space<hbm>> -> memref<2x8x8x128xf32, #tpu.memory_space<hbm>>
          %dma_wait3A_291 = arith.constant 0 : i32
          %dma_wait3A_292 = arith.constant 0 : i32
          %dma_wait3A_293 = arith.constant 0 : i32
          %dma_wait3A_294 = arith.constant 0 : i32
          %dma_wait3A_295 = tpu.memref_slice %arg2[%dma_wait3A_291, %dma_wait3A_292, %dma_wait3A_284, %dma_wait3A_293, %dma_wait3A_294] : memref<200x8x8x8x128xf32, #tpu.memory_space<hbm>> -> memref<2x8x1x8x128xf32, #tpu.memory_space<hbm>>
          %dma_wait3A_296 = tpu.memref_squeeze %dma_wait3A_295 : memref<2x8x1x8x128xf32, #tpu.memory_space<hbm>> -> memref<2x8x8x128xf32, #tpu.memory_space<hbm>>
          tpu.wait_dma2 semaphore(%arg23 : memref<!tpu.dma_semaphore, #tpu.memory_space<semaphore_mem>>) src(%dma_wait3A_296 : memref<2x8x8x128xf32, #tpu.memory_space<hbm>>) dst(%arg11 : memref<2x8x8x128xf32, #tpu.memory_space<vmem>>)
        } else {
        }
        %mul3A_271 = arith.constant 2 : i32
        %mul3A_272 = arith.muli %mul3A_271, %add3A_193 : i32
        %add3A_273 = arith.addi %mul3A_32, %mul3A_272 : i32
        %dma_start3A_274 = arith.constant 0 : i32
        %dma_start3A_275 = arith.constant 0 : i32
        %dma_start3A_276 = arith.constant 0 : i32
        %dma_start3A_277 = tpu.memref_slice %arg2[%add3A_273, %dma_start3A_274, %select_n3A_9, %dma_start3A_275, %dma_start3A_276] : memref<200x8x8x8x128xf32, #tpu.memory_space<hbm>> -> memref<2x8x1x8x128xf32, #tpu.memory_space<hbm>>
        %dma_start3A_278 = tpu.memref_squeeze %dma_start3A_277 : memref<2x8x1x8x128xf32, #tpu.memory_space<hbm>> -> memref<2x8x8x128xf32, #tpu.memory_space<hbm>>
        %dma_start3A_279 = arith.constant 0 : i32
        %dma_start3A_280 = arith.constant 0 : i32
        %dma_start3A_281 = arith.constant 0 : i32
        %dma_start3A_282 = tpu.memref_slice %arg2[%add3A_273, %dma_start3A_279, %select_n3A_9, %dma_start3A_280, %dma_start3A_281] : memref<200x8x8x8x128xf32, #tpu.memory_space<hbm>> -> memref<2x8x1x8x128xf32, #tpu.memory_space<hbm>>
        %dma_start3A_283 = tpu.memref_squeeze %dma_start3A_282 : memref<2x8x1x8x128xf32, #tpu.memory_space<hbm>> -> memref<2x8x8x128xf32, #tpu.memory_space<hbm>>
        tpu.enqueue_dma source(%dma_start3A_283 : memref<2x8x8x128xf32, #tpu.memory_space<hbm>>) target(%arg11 : memref<2x8x8x128xf32, #tpu.memory_space<vmem>>) target_semaphore(%arg17 : memref<!tpu.dma_semaphore, #tpu.memory_space<semaphore_mem>>)
      } else {
      }
      %sub3A_199 = arith.constant 3 : i32
      %sub3A_200 = arith.subi %add3A_193, %sub3A_199 : i32
      %ge3A_201 = arith.constant 0 : i32
      %ge3A_202 = arith.cmpi sge, %sub3A_200, %ge3A_201 : i32
      %lt3A_203 = arith.constant 25 : i32
      %lt3A_204 = arith.cmpi slt, %sub3A_200, %lt3A_203 : i32
      %and3A_205 = arith.andi %ge3A_202, %lt3A_204 : i1
      %convert_element_type3A_206 = arith.extui %and3A_205 : i1 to i32
      %cond3A_207 = arith.constant 0 : i32
      %cond3A_208 = arith.cmpi ne, %convert_element_type3A_206, %cond3A_207 : i32
      scf.if %cond3A_208 {
        %dma_wait3A_266 = arith.constant 0 : i32
        %dma_wait3A_267 = arith.constant 0 : i32
        %dma_wait3A_268 = arith.constant 0 : i32
        %dma_wait3A_269 = arith.constant 0 : i32
        %dma_wait3A_270 = arith.constant 0 : i32
        %dma_wait3A_271 = tpu.memref_slice %arg2[%dma_wait3A_267, %dma_wait3A_268, %dma_wait3A_266, %dma_wait3A_269, %dma_wait3A_270] : memref<200x8x8x8x128xf32, #tpu.memory_space<hbm>> -> memref<2x8x1x8x128xf32, #tpu.memory_space<hbm>>
        %dma_wait3A_272 = tpu.memref_squeeze %dma_wait3A_271 : memref<2x8x1x8x128xf32, #tpu.memory_space<hbm>> -> memref<2x8x8x128xf32, #tpu.memory_space<hbm>>
        %dma_wait3A_273 = arith.constant 0 : i32
        %dma_wait3A_274 = arith.constant 0 : i32
        %dma_wait3A_275 = arith.constant 0 : i32
        %dma_wait3A_276 = arith.constant 0 : i32
        %dma_wait3A_277 = tpu.memref_slice %arg2[%dma_wait3A_273, %dma_wait3A_274, %dma_wait3A_266, %dma_wait3A_275, %dma_wait3A_276] : memref<200x8x8x8x128xf32, #tpu.memory_space<hbm>> -> memref<2x8x1x8x128xf32, #tpu.memory_space<hbm>>
        %dma_wait3A_278 = tpu.memref_squeeze %dma_wait3A_277 : memref<2x8x1x8x128xf32, #tpu.memory_space<hbm>> -> memref<2x8x8x128xf32, #tpu.memory_space<hbm>>
        tpu.wait_dma2 semaphore(%arg20 : memref<!tpu.dma_semaphore, #tpu.memory_space<semaphore_mem>>) src(%dma_wait3A_278 : memref<2x8x8x128xf32, #tpu.memory_space<hbm>>) dst(%arg14 : memref<2x8x8x128xf32, #tpu.memory_space<vmem>>)
        %mul3A_279 = arith.constant 2 : i32
        %mul3A_280 = arith.muli %mul3A_279, %sub3A_200 : i32
        %add3A_281 = arith.addi %mul3A_32, %mul3A_280 : i32
        %add3A_282 = arith.constant 0 : i32
        %add3A_283 = arith.addi %add3A_281, %add3A_282 : i32
        %mul3A_284 = arith.constant 8 : i32
        %mul3A_285 = arith.muli %select_n3A_56, %mul3A_284 : i32
        %sub3A_286 = arith.subi %add3A_283, %mul3A_285 : i32
        %scan3A_287 = arith.constant 0 : i32
        %scan3A_288 = arith.constant 0 : i32
        %scan3A_289 = arith.constant 8 : i32
        %scan3A_290 = arith.addi %scan3A_288, %scan3A_289 : i32
        %scan3A_291 = arith.constant 1 : i32
        scf.for %scan3A_320 = %scan3A_288 to %scan3A_290 step %scan3A_291  : i32 {
          %mul3A_321 = arith.constant 16 : i32
          %mul3A_322 = arith.muli %scan3A_320, %mul3A_321 : i32
          %jit3A_323 = arith.constant 8 : i32
          %div3A_324 = arith.divsi %sub3A_286, %jit3A_323 : i32
          %sign3A_325 = arith.constant 0 : i32
          %sign3A_326 = arith.cmpi sgt, %sub3A_286, %sign3A_325 : i32
          %sign3A_327 = arith.extui %sign3A_326 : i1 to i32
          %sign3A_328 = arith.constant 0 : i32
          %sign3A_329 = arith.cmpi slt, %sub3A_286, %sign3A_328 : i32
          %sign3A_330 = arith.extui %sign3A_329 : i1 to i32
          %sign3A_331 = arith.subi %sign3A_327, %sign3A_330 : i32
          %sign3A_332 = arith.constant 0 : i32
          %sign3A_333 = arith.cmpi sgt, %jit3A_323, %sign3A_332 : i32
          %sign3A_334 = arith.extui %sign3A_333 : i1 to i32
          %sign3A_335 = arith.constant 0 : i32
          %sign3A_336 = arith.cmpi slt, %jit3A_323, %sign3A_335 : i32
          %sign3A_337 = arith.extui %sign3A_336 : i1 to i32
          %sign3A_338 = arith.subi %sign3A_334, %sign3A_337 : i32
          %ne3A_339 = arith.cmpi ne, %sign3A_331, %sign3A_338 : i32
          %rem3A_340 = arith.remsi %sub3A_286, %jit3A_323 : i32
          %ne3A_341 = arith.constant 0 : i32
          %ne3A_342 = arith.cmpi ne, %rem3A_340, %ne3A_341 : i32
          %and3A_343 = arith.andi %ne3A_339, %ne3A_342 : i1
          %sub3A_344 = arith.constant 1 : i32
          %sub3A_345 = arith.subi %div3A_324, %sub3A_344 : i32
          %select_n3A_346 = arith.select %and3A_343, %sub3A_345, %div3A_324 : i32
          %jit3A_347 = arith.constant 8 : i32
          %eq3A_348 = arith.constant 0 : i32
          %eq3A_349 = arith.cmpi eq, %jit3A_347, %eq3A_348 : i32
          %jit3A_350 = arith.constant 1 : i32
          %select_n3A_351 = arith.select %eq3A_349, %jit3A_350, %jit3A_347 : i32
          %rem3A_352 = arith.remsi %sub3A_286, %select_n3A_351 : i32
          %ne3A_353 = arith.constant 0 : i32
          %ne3A_354 = arith.cmpi ne, %rem3A_352, %ne3A_353 : i32
          %lt3A_355 = arith.constant 0 : i32
          %lt3A_356 = arith.cmpi slt, %rem3A_352, %lt3A_355 : i32
          %lt3A_357 = arith.constant 0 : i32
          %lt3A_358 = arith.cmpi slt, %select_n3A_351, %lt3A_357 : i32
          %ne3A_359 = arith.xori %lt3A_356, %lt3A_358 : i1
          %and3A_360 = arith.andi %ne3A_359, %ne3A_354 : i1
          %add3A_361 = arith.addi %rem3A_352, %select_n3A_351 : i32
          %select_n3A_362 = arith.select %and3A_360, %add3A_361, %rem3A_352 : i32
          %get3A = arith.index_cast %select_n3A_346 : i32 to index
          %get3A_363 = arith.index_cast %select_n3A_362 : i32 to index
          %get3A_364 = arith.index_cast %mul3A_322 : i32 to index
          %get3A_365 = tpu.vector_load %arg7[%get3A, %get3A_363, %get3A_364] {strides = array<i32>} : memref<7x8x128xi32, #tpu.memory_space<vmem>>, vector<16xi32>,
          %parallel_loop3A = arith.constant 0 : i32
          %parallel_loop3A_366 = arith.constant 64 : i32
          %parallel_loop3A_367 = arith.constant 1 : i32
          scf.for %parallel_loop3A_368 = %parallel_loop3A to %parallel_loop3A_366 step %parallel_loop3A_367  : i32 {
            %parallel_loop3A_369 = arith.constant 200 : i32
            %parallel_loop3A_370 = arith.muli %parallel_loop3A_368, %parallel_loop3A_369 : i32
            %parallel_loop3A_371 = vector.broadcast %parallel_loop3A_370 : i32 to vector<16xi32>
            %parallel_loop3A_372 = arith.addi %get3A_365, %parallel_loop3A_371 : vector<16xi32>
            %parallel_loop3A_373 = tpu.vector_load_idx %arg6[%parallel_loop3A_372] : memref<12800xf32, #tpu.memory_space<vmem>>[vector<16xi32>], vector<16xf32>,
            %parallel_loop3A_374 = arith.constant 8 : i32
            %parallel_loop3A_375 = arith.divsi %parallel_loop3A_368, %parallel_loop3A_374 : i32
            %parallel_loop3A_376 = arith.constant 0 : i32
            %parallel_loop3A_377 = arith.cmpi sgt, %parallel_loop3A_368, %parallel_loop3A_376 : i32
            %parallel_loop3A_378 = arith.extui %parallel_loop3A_377 : i1 to i32
            %parallel_loop3A_379 = arith.constant 0 : i32
            %parallel_loop3A_380 = arith.cmpi slt, %parallel_loop3A_368, %parallel_loop3A_379 : i32
            %parallel_loop3A_381 = arith.extui %parallel_loop3A_380 : i1 to i32
            %parallel_loop3A_382 = arith.subi %parallel_loop3A_378, %parallel_loop3A_381 : i32
            %parallel_loop3A_383 = arith.constant 0 : i32
            %parallel_loop3A_384 = arith.cmpi sgt, %parallel_loop3A_374, %parallel_loop3A_383 : i32
            %parallel_loop3A_385 = arith.extui %parallel_loop3A_384 : i1 to i32
            %parallel_loop3A_386 = arith.constant 0 : i32
            %parallel_loop3A_387 = arith.cmpi slt, %parallel_loop3A_374, %parallel_loop3A_386 : i32
            %parallel_loop3A_388 = arith.extui %parallel_loop3A_387 : i1 to i32
            %parallel_loop3A_389 = arith.subi %parallel_loop3A_385, %parallel_loop3A_388 : i32
            %parallel_loop3A_390 = arith.cmpi ne, %parallel_loop3A_382, %parallel_loop3A_389 : i32
            %parallel_loop3A_391 = arith.remsi %parallel_loop3A_368, %parallel_loop3A_374 : i32
            %parallel_loop3A_392 = arith.constant 0 : i32
            %parallel_loop3A_393 = arith.cmpi ne, %parallel_loop3A_391, %parallel_loop3A_392 : i32
            %parallel_loop3A_394 = arith.andi %parallel_loop3A_390, %parallel_loop3A_393 : i1
            %parallel_loop3A_395 = arith.constant 1 : i32
            %parallel_loop3A_396 = arith.subi %parallel_loop3A_375, %parallel_loop3A_395 : i32
            %parallel_loop3A_397 = arith.select %parallel_loop3A_394, %parallel_loop3A_396, %parallel_loop3A_375 : i32
            %parallel_loop3A_398 = arith.constant 8 : i32
            %parallel_loop3A_399 = arith.constant 0 : i32
            %parallel_loop3A_400 = arith.cmpi eq, %parallel_loop3A_398, %parallel_loop3A_399 : i32
            %parallel_loop3A_401 = arith.constant 1 : i32
            %parallel_loop3A_402 = arith.select %parallel_loop3A_400, %parallel_loop3A_401, %parallel_loop3A_398 : i32
            %parallel_loop3A_403 = arith.remsi %parallel_loop3A_368, %parallel_loop3A_402 : i32
            %parallel_loop3A_404 = arith.constant 0 : i32
            %parallel_loop3A_405 = arith.cmpi ne, %parallel_loop3A_403, %parallel_loop3A_404 : i32
            %parallel_loop3A_406 = arith.constant 0 : i32
            %parallel_loop3A_407 = arith.cmpi slt, %parallel_loop3A_403, %parallel_loop3A_406 : i32
            %parallel_loop3A_408 = arith.constant 0 : i32
            %parallel_loop3A_409 = arith.cmpi slt, %parallel_loop3A_402, %parallel_loop3A_408 : i32
            %parallel_loop3A_410 = arith.xori %parallel_loop3A_407, %parallel_loop3A_409 : i1
            %parallel_loop3A_411 = arith.andi %parallel_loop3A_410, %parallel_loop3A_405 : i1
            %parallel_loop3A_412 = arith.addi %parallel_loop3A_403, %parallel_loop3A_402 : i32
            %parallel_loop3A_413 = arith.select %parallel_loop3A_411, %parallel_loop3A_412, %parallel_loop3A_403 : i32
            %parallel_loop3A_414 = arith.constant 0 : i32
            %parallel_loop3A_415 = arith.index_cast %parallel_loop3A_414 : i32 to index
            %parallel_loop3A_416 = arith.index_cast %parallel_loop3A_397 : i32 to index
            %parallel_loop3A_417 = arith.index_cast %parallel_loop3A_413 : i32 to index
            %parallel_loop3A_418 = arith.index_cast %mul3A_322 : i32 to index
            %parallel_loop3A_419 = tpu.vector_load %arg14[%parallel_loop3A_415, %parallel_loop3A_416, %parallel_loop3A_417, %parallel_loop3A_418] {strides = array<i32>} : memref<2x8x8x128xf32, #tpu.memory_space<vmem>>, vector<16xf32>,
            tpu.vector_store %arg14[%parallel_loop3A_415, %parallel_loop3A_416, %parallel_loop3A_417, %parallel_loop3A_418], %parallel_loop3A_373 {add = true, strides = array<i32>} : memref<2x8x8x128xf32, #tpu.memory_space<vmem>>, vector<16xf32>,
          } {sc.loop_unroll_factor = 16 : i64, sc.parallel_access}
        }
        %scan3A_292 = arith.constant 8 : i32
        %mul3A_293 = arith.constant 2 : i32
        %mul3A_294 = arith.muli %mul3A_293, %sub3A_200 : i32
        %add3A_295 = arith.addi %mul3A_32, %mul3A_294 : i32
        %add3A_296 = arith.constant 1 : i32
        %add3A_297 = arith.addi %add3A_295, %add3A_296 : i32
        %mul3A_298 = arith.constant 8 : i32
        %mul3A_299 = arith.muli %select_n3A_56, %mul3A_298 : i32
        %sub3A_300 = arith.subi %add3A_297, %mul3A_299 : i32
        %scan3A_301 = arith.constant 0 : i32
        %scan3A_302 = arith.constant 0 : i32
        %scan3A_303 = arith.constant 8 : i32
        %scan3A_304 = arith.addi %scan3A_302, %scan3A_303 : i32
        %scan3A_305 = arith.constant 1 : i32
        scf.for %scan3A_320 = %scan3A_302 to %scan3A_304 step %scan3A_305  : i32 {
          %mul3A_321 = arith.constant 16 : i32
          %mul3A_322 = arith.muli %scan3A_320, %mul3A_321 : i32
          %jit3A_323 = arith.constant 8 : i32
          %div3A_324 = arith.divsi %sub3A_300, %jit3A_323 : i32
          %sign3A_325 = arith.constant 0 : i32
          %sign3A_326 = arith.cmpi sgt, %sub3A_300, %sign3A_325 : i32
          %sign3A_327 = arith.extui %sign3A_326 : i1 to i32
          %sign3A_328 = arith.constant 0 : i32
          %sign3A_329 = arith.cmpi slt, %sub3A_300, %sign3A_328 : i32
          %sign3A_330 = arith.extui %sign3A_329 : i1 to i32
          %sign3A_331 = arith.subi %sign3A_327, %sign3A_330 : i32
          %sign3A_332 = arith.constant 0 : i32
          %sign3A_333 = arith.cmpi sgt, %jit3A_323, %sign3A_332 : i32
          %sign3A_334 = arith.extui %sign3A_333 : i1 to i32
          %sign3A_335 = arith.constant 0 : i32
          %sign3A_336 = arith.cmpi slt, %jit3A_323, %sign3A_335 : i32
          %sign3A_337 = arith.extui %sign3A_336 : i1 to i32
          %sign3A_338 = arith.subi %sign3A_334, %sign3A_337 : i32
          %ne3A_339 = arith.cmpi ne, %sign3A_331, %sign3A_338 : i32
          %rem3A_340 = arith.remsi %sub3A_300, %jit3A_323 : i32
          %ne3A_341 = arith.constant 0 : i32
          %ne3A_342 = arith.cmpi ne, %rem3A_340, %ne3A_341 : i32
          %and3A_343 = arith.andi %ne3A_339, %ne3A_342 : i1
          %sub3A_344 = arith.constant 1 : i32
          %sub3A_345 = arith.subi %div3A_324, %sub3A_344 : i32
          %select_n3A_346 = arith.select %and3A_343, %sub3A_345, %div3A_324 : i32
          %jit3A_347 = arith.constant 8 : i32
          %eq3A_348 = arith.constant 0 : i32
          %eq3A_349 = arith.cmpi eq, %jit3A_347, %eq3A_348 : i32
          %jit3A_350 = arith.constant 1 : i32
          %select_n3A_351 = arith.select %eq3A_349, %jit3A_350, %jit3A_347 : i32
          %rem3A_352 = arith.remsi %sub3A_300, %select_n3A_351 : i32
          %ne3A_353 = arith.constant 0 : i32
          %ne3A_354 = arith.cmpi ne, %rem3A_352, %ne3A_353 : i32
          %lt3A_355 = arith.constant 0 : i32
          %lt3A_356 = arith.cmpi slt, %rem3A_352, %lt3A_355 : i32
          %lt3A_357 = arith.constant 0 : i32
          %lt3A_358 = arith.cmpi slt, %select_n3A_351, %lt3A_357 : i32
          %ne3A_359 = arith.xori %lt3A_356, %lt3A_358 : i1
          %and3A_360 = arith.andi %ne3A_359, %ne3A_354 : i1
          %add3A_361 = arith.addi %rem3A_352, %select_n3A_351 : i32
          %select_n3A_362 = arith.select %and3A_360, %add3A_361, %rem3A_352 : i32
          %get3A = arith.index_cast %select_n3A_346 : i32 to index
          %get3A_363 = arith.index_cast %select_n3A_362 : i32 to index
          %get3A_364 = arith.index_cast %mul3A_322 : i32 to index
          %get3A_365 = tpu.vector_load %arg7[%get3A, %get3A_363, %get3A_364] {strides = array<i32>} : memref<7x8x128xi32, #tpu.memory_space<vmem>>, vector<16xi32>,
          %parallel_loop3A = arith.constant 0 : i32
          %parallel_loop3A_366 = arith.constant 64 : i32
          %parallel_loop3A_367 = arith.constant 1 : i32
          scf.for %parallel_loop3A_368 = %parallel_loop3A to %parallel_loop3A_366 step %parallel_loop3A_367  : i32 {
            %parallel_loop3A_369 = arith.constant 200 : i32
            %parallel_loop3A_370 = arith.muli %parallel_loop3A_368, %parallel_loop3A_369 : i32
            %parallel_loop3A_371 = vector.broadcast %parallel_loop3A_370 : i32 to vector<16xi32>
            %parallel_loop3A_372 = arith.addi %get3A_365, %parallel_loop3A_371 : vector<16xi32>
            %parallel_loop3A_373 = tpu.vector_load_idx %arg6[%parallel_loop3A_372] : memref<12800xf32, #tpu.memory_space<vmem>>[vector<16xi32>], vector<16xf32>,
            %parallel_loop3A_374 = arith.constant 8 : i32
            %parallel_loop3A_375 = arith.divsi %parallel_loop3A_368, %parallel_loop3A_374 : i32
            %parallel_loop3A_376 = arith.constant 0 : i32
            %parallel_loop3A_377 = arith.cmpi sgt, %parallel_loop3A_368, %parallel_loop3A_376 : i32
            %parallel_loop3A_378 = arith.extui %parallel_loop3A_377 : i1 to i32
            %parallel_loop3A_379 = arith.constant 0 : i32
            %parallel_loop3A_380 = arith.cmpi slt, %parallel_loop3A_368, %parallel_loop3A_379 : i32
            %parallel_loop3A_381 = arith.extui %parallel_loop3A_380 : i1 to i32
            %parallel_loop3A_382 = arith.subi %parallel_loop3A_378, %parallel_loop3A_381 : i32
            %parallel_loop3A_383 = arith.constant 0 : i32
            %parallel_loop3A_384 = arith.cmpi sgt, %parallel_loop3A_374, %parallel_loop3A_383 : i32
            %parallel_loop3A_385 = arith.extui %parallel_loop3A_384 : i1 to i32
            %parallel_loop3A_386 = arith.constant 0 : i32
            %parallel_loop3A_387 = arith.cmpi slt, %parallel_loop3A_374, %parallel_loop3A_386 : i32
            %parallel_loop3A_388 = arith.extui %parallel_loop3A_387 : i1 to i32
            %parallel_loop3A_389 = arith.subi %parallel_loop3A_385, %parallel_loop3A_388 : i32
            %parallel_loop3A_390 = arith.cmpi ne, %parallel_loop3A_382, %parallel_loop3A_389 : i32
            %parallel_loop3A_391 = arith.remsi %parallel_loop3A_368, %parallel_loop3A_374 : i32
            %parallel_loop3A_392 = arith.constant 0 : i32
            %parallel_loop3A_393 = arith.cmpi ne, %parallel_loop3A_391, %parallel_loop3A_392 : i32
            %parallel_loop3A_394 = arith.andi %parallel_loop3A_390, %parallel_loop3A_393 : i1
            %parallel_loop3A_395 = arith.constant 1 : i32
            %parallel_loop3A_396 = arith.subi %parallel_loop3A_375, %parallel_loop3A_395 : i32
            %parallel_loop3A_397 = arith.select %parallel_loop3A_394, %parallel_loop3A_396, %parallel_loop3A_375 : i32
            %parallel_loop3A_398 = arith.constant 8 : i32
            %parallel_loop3A_399 = arith.constant 0 : i32
            %parallel_loop3A_400 = arith.cmpi eq, %parallel_loop3A_398, %parallel_loop3A_399 : i32
            %parallel_loop3A_401 = arith.constant 1 : i32
            %parallel_loop3A_402 = arith.select %parallel_loop3A_400, %parallel_loop3A_401, %parallel_loop3A_398 : i32
            %parallel_loop3A_403 = arith.remsi %parallel_loop3A_368, %parallel_loop3A_402 : i32
            %parallel_loop3A_404 = arith.constant 0 : i32
            %parallel_loop3A_405 = arith.cmpi ne, %parallel_loop3A_403, %parallel_loop3A_404 : i32
            %parallel_loop3A_406 = arith.constant 0 : i32
            %parallel_loop3A_407 = arith.cmpi slt, %parallel_loop3A_403, %parallel_loop3A_406 : i32
            %parallel_loop3A_408 = arith.constant 0 : i32
            %parallel_loop3A_409 = arith.cmpi slt, %parallel_loop3A_402, %parallel_loop3A_408 : i32
            %parallel_loop3A_410 = arith.xori %parallel_loop3A_407, %parallel_loop3A_409 : i1
            %parallel_loop3A_411 = arith.andi %parallel_loop3A_410, %parallel_loop3A_405 : i1
            %parallel_loop3A_412 = arith.addi %parallel_loop3A_403, %parallel_loop3A_402 : i32
            %parallel_loop3A_413 = arith.select %parallel_loop3A_411, %parallel_loop3A_412, %parallel_loop3A_403 : i32
            %parallel_loop3A_414 = arith.constant 1 : i32
            %parallel_loop3A_415 = arith.index_cast %parallel_loop3A_414 : i32 to index
            %parallel_loop3A_416 = arith.index_cast %parallel_loop3A_397 : i32 to index
            %parallel_loop3A_417 = arith.index_cast %parallel_loop3A_413 : i32 to index
            %parallel_loop3A_418 = arith.index_cast %mul3A_322 : i32 to index
            %parallel_loop3A_419 = tpu.vector_load %arg14[%parallel_loop3A_415, %parallel_loop3A_416, %parallel_loop3A_417, %parallel_loop3A_418] {strides = array<i32>} : memref<2x8x8x128xf32, #tpu.memory_space<vmem>>, vector<16xf32>,
            tpu.vector_store %arg14[%parallel_loop3A_415, %parallel_loop3A_416, %parallel_loop3A_417, %parallel_loop3A_418], %parallel_loop3A_373 {add = true, strides = array<i32>} : memref<2x8x8x128xf32, #tpu.memory_space<vmem>>, vector<16xf32>,
          } {sc.loop_unroll_factor = 16 : i64, sc.parallel_access}
        }
        %scan3A_306 = arith.constant 8 : i32
        %mul3A_307 = arith.constant 2 : i32
        %mul3A_308 = arith.muli %mul3A_307, %sub3A_200 : i32
        %add3A_309 = arith.addi %mul3A_32, %mul3A_308 : i32
        %dma_start3A_310 = arith.constant 0 : i32
        %dma_start3A_311 = arith.constant 0 : i32
        %dma_start3A_312 = arith.constant 0 : i32
        %dma_start3A_313 = tpu.memref_slice %arg5[%add3A_309, %dma_start3A_310, %select_n3A_9, %dma_start3A_311, %dma_start3A_312] : memref<200x8x8x8x128xf32, #tpu.memory_space<hbm>> -> memref<2x8x1x8x128xf32, #tpu.memory_space<hbm>>
        %dma_start3A_314 = tpu.memref_squeeze %dma_start3A_313 : memref<2x8x1x8x128xf32, #tpu.memory_space<hbm>> -> memref<2x8x8x128xf32, #tpu.memory_space<hbm>>
        %dma_start3A_315 = arith.constant 0 : i32
        %dma_start3A_316 = arith.constant 0 : i32
        %dma_start3A_317 = arith.constant 0 : i32
        %dma_start3A_318 = tpu.memref_slice %arg5[%add3A_309, %dma_start3A_315, %select_n3A_9, %dma_start3A_316, %dma_start3A_317] : memref<200x8x8x8x128xf32, #tpu.memory_space<hbm>> -> memref<2x8x1x8x128xf32, #tpu.memory_space<hbm>>
        %dma_start3A_319 = tpu.memref_squeeze %dma_start3A_318 : memref<2x8x1x8x128xf32, #tpu.memory_space<hbm>> -> memref<2x8x8x128xf32, #tpu.memory_space<hbm>>
        tpu.enqueue_dma source(%arg14 : memref<2x8x8x128xf32, #tpu.memory_space<vmem>>) target(%dma_start3A_319 : memref<2x8x8x128xf32, #tpu.memory_space<hbm>>) target_semaphore(%arg26 : memref<!tpu.dma_semaphore, #tpu.memory_space<semaphore_mem>>)
      } else {
      }
      %mul3A_209 = arith.constant 6 : i32
      %mul3A_210 = arith.muli %scan3A_154, %mul3A_209 : i32
      %add3A_211 = arith.constant 3 : i32
      %add3A_212 = arith.addi %mul3A_210, %add3A_211 : i32
      %lt3A_213 = arith.constant 25 : i32
      %lt3A_214 = arith.cmpi slt, %add3A_212, %lt3A_213 : i32
      %convert_element_type3A_215 = arith.extui %lt3A_214 : i1 to i32
      %cond3A_216 = arith.constant 0 : i32
      %cond3A_217 = arith.cmpi ne, %convert_element_type3A_215, %cond3A_216 : i32
      scf.if %cond3A_217 {
        %ge3A_266 = arith.constant 6 : i32
        %ge3A_267 = arith.cmpi sge, %add3A_212, %ge3A_266 : i32
        %convert_element_type3A_268 = arith.extui %ge3A_267 : i1 to i32
        %cond3A_269 = arith.constant 0 : i32
        %cond3A_270 = arith.cmpi ne, %convert_element_type3A_268, %cond3A_269 : i32
        scf.if %cond3A_270 {
          %dma_wait3A_284 = arith.constant 0 : i32
          %dma_wait3A_285 = arith.constant 0 : i32
          %dma_wait3A_286 = arith.constant 0 : i32
          %dma_wait3A_287 = arith.constant 0 : i32
          %dma_wait3A_288 = arith.constant 0 : i32
          %dma_wait3A_289 = tpu.memref_slice %arg2[%dma_wait3A_285, %dma_wait3A_286, %dma_wait3A_284, %dma_wait3A_287, %dma_wait3A_288] : memref<200x8x8x8x128xf32, #tpu.memory_space<hbm>> -> memref<2x8x1x8x128xf32, #tpu.memory_space<hbm>>
          %dma_wait3A_290 = tpu.memref_squeeze %dma_wait3A_289 : memref<2x8x1x8x128xf32, #tpu.memory_space<hbm>> -> memref<2x8x8x128xf32, #tpu.memory_space<hbm>>
          %dma_wait3A_291 = arith.constant 0 : i32
          %dma_wait3A_292 = arith.constant 0 : i32
          %dma_wait3A_293 = arith.constant 0 : i32
          %dma_wait3A_294 = arith.constant 0 : i32
          %dma_wait3A_295 = tpu.memref_slice %arg2[%dma_wait3A_291, %dma_wait3A_292, %dma_wait3A_284, %dma_wait3A_293, %dma_wait3A_294] : memref<200x8x8x8x128xf32, #tpu.memory_space<hbm>> -> memref<2x8x1x8x128xf32, #tpu.memory_space<hbm>>
          %dma_wait3A_296 = tpu.memref_squeeze %dma_wait3A_295 : memref<2x8x1x8x128xf32, #tpu.memory_space<hbm>> -> memref<2x8x8x128xf32, #tpu.memory_space<hbm>>
          tpu.wait_dma2 semaphore(%arg24 : memref<!tpu.dma_semaphore, #tpu.memory_space<semaphore_mem>>) src(%dma_wait3A_296 : memref<2x8x8x128xf32, #tpu.memory_space<hbm>>) dst(%arg12 : memref<2x8x8x128xf32, #tpu.memory_space<vmem>>)
        } else {
        }
        %mul3A_271 = arith.constant 2 : i32
        %mul3A_272 = arith.muli %mul3A_271, %add3A_212 : i32
        %add3A_273 = arith.addi %mul3A_32, %mul3A_272 : i32
        %dma_start3A_274 = arith.constant 0 : i32
        %dma_start3A_275 = arith.constant 0 : i32
        %dma_start3A_276 = arith.constant 0 : i32
        %dma_start3A_277 = tpu.memref_slice %arg2[%add3A_273, %dma_start3A_274, %select_n3A_9, %dma_start3A_275, %dma_start3A_276] : memref<200x8x8x8x128xf32, #tpu.memory_space<hbm>> -> memref<2x8x1x8x128xf32, #tpu.memory_space<hbm>>
        %dma_start3A_278 = tpu.memref_squeeze %dma_start3A_277 : memref<2x8x1x8x128xf32, #tpu.memory_space<hbm>> -> memref<2x8x8x128xf32, #tpu.memory_space<hbm>>
        %dma_start3A_279 = arith.constant 0 : i32
        %dma_start3A_280 = arith.constant 0 : i32
        %dma_start3A_281 = arith.constant 0 : i32
        %dma_start3A_282 = tpu.memref_slice %arg2[%add3A_273, %dma_start3A_279, %select_n3A_9, %dma_start3A_280, %dma_start3A_281] : memref<200x8x8x8x128xf32, #tpu.memory_space<hbm>> -> memref<2x8x1x8x128xf32, #tpu.memory_space<hbm>>
        %dma_start3A_283 = tpu.memref_squeeze %dma_start3A_282 : memref<2x8x1x8x128xf32, #tpu.memory_space<hbm>> -> memref<2x8x8x128xf32, #tpu.memory_space<hbm>>
        tpu.enqueue_dma source(%dma_start3A_283 : memref<2x8x8x128xf32, #tpu.memory_space<hbm>>) target(%arg12 : memref<2x8x8x128xf32, #tpu.memory_space<vmem>>) target_semaphore(%arg18 : memref<!tpu.dma_semaphore, #tpu.memory_space<semaphore_mem>>)
      } else {
      }
      %sub3A_218 = arith.constant 3 : i32
      %sub3A_219 = arith.subi %add3A_212, %sub3A_218 : i32
      %ge3A_220 = arith.constant 0 : i32
      %ge3A_221 = arith.cmpi sge, %sub3A_219, %ge3A_220 : i32
      %lt3A_222 = arith.constant 25 : i32
      %lt3A_223 = arith.cmpi slt, %sub3A_219, %lt3A_222 : i32
      %and3A_224 = arith.andi %ge3A_221, %lt3A_223 : i1
      %convert_element_type3A_225 = arith.extui %and3A_224 : i1 to i32
      %cond3A_226 = arith.constant 0 : i32
      %cond3A_227 = arith.cmpi ne, %convert_element_type3A_225, %cond3A_226 : i32
      scf.if %cond3A_227 {
        %dma_wait3A_266 = arith.constant 0 : i32
        %dma_wait3A_267 = arith.constant 0 : i32
        %dma_wait3A_268 = arith.constant 0 : i32
        %dma_wait3A_269 = arith.constant 0 : i32
        %dma_wait3A_270 = arith.constant 0 : i32
        %dma_wait3A_271 = tpu.memref_slice %arg2[%dma_wait3A_267, %dma_wait3A_268, %dma_wait3A_266, %dma_wait3A_269, %dma_wait3A_270] : memref<200x8x8x8x128xf32, #tpu.memory_space<hbm>> -> memref<2x8x1x8x128xf32, #tpu.memory_space<hbm>>
        %dma_wait3A_272 = tpu.memref_squeeze %dma_wait3A_271 : memref<2x8x1x8x128xf32, #tpu.memory_space<hbm>> -> memref<2x8x8x128xf32, #tpu.memory_space<hbm>>
        %dma_wait3A_273 = arith.constant 0 : i32
        %dma_wait3A_274 = arith.constant 0 : i32
        %dma_wait3A_275 = arith.constant 0 : i32
        %dma_wait3A_276 = arith.constant 0 : i32
        %dma_wait3A_277 = tpu.memref_slice %arg2[%dma_wait3A_273, %dma_wait3A_274, %dma_wait3A_266, %dma_wait3A_275, %dma_wait3A_276] : memref<200x8x8x8x128xf32, #tpu.memory_space<hbm>> -> memref<2x8x1x8x128xf32, #tpu.memory_space<hbm>>
        %dma_wait3A_278 = tpu.memref_squeeze %dma_wait3A_277 : memref<2x8x1x8x128xf32, #tpu.memory_space<hbm>> -> memref<2x8x8x128xf32, #tpu.memory_space<hbm>>
        tpu.wait_dma2 semaphore(%arg15 : memref<!tpu.dma_semaphore, #tpu.memory_space<semaphore_mem>>) src(%dma_wait3A_278 : memref<2x8x8x128xf32, #tpu.memory_space<hbm>>) dst(%arg9 : memref<2x8x8x128xf32, #tpu.memory_space<vmem>>)
        %mul3A_279 = arith.constant 2 : i32
        %mul3A_280 = arith.muli %mul3A_279, %sub3A_219 : i32
        %add3A_281 = arith.addi %mul3A_32, %mul3A_280 : i32
        %add3A_282 = arith.constant 0 : i32
        %add3A_283 = arith.addi %add3A_281, %add3A_282 : i32
        %mul3A_284 = arith.constant 8 : i32
        %mul3A_285 = arith.muli %select_n3A_56, %mul3A_284 : i32
        %sub3A_286 = arith.subi %add3A_283, %mul3A_285 : i32
        %scan3A_287 = arith.constant 0 : i32
        %scan3A_288 = arith.constant 0 : i32
        %scan3A_289 = arith.constant 8 : i32
        %scan3A_290 = arith.addi %scan3A_288, %scan3A_289 : i32
        %scan3A_291 = arith.constant 1 : i32
        scf.for %scan3A_320 = %scan3A_288 to %scan3A_290 step %scan3A_291  : i32 {
          %mul3A_321 = arith.constant 16 : i32
          %mul3A_322 = arith.muli %scan3A_320, %mul3A_321 : i32
          %jit3A_323 = arith.constant 8 : i32
          %div3A_324 = arith.divsi %sub3A_286, %jit3A_323 : i32
          %sign3A_325 = arith.constant 0 : i32
          %sign3A_326 = arith.cmpi sgt, %sub3A_286, %sign3A_325 : i32
          %sign3A_327 = arith.extui %sign3A_326 : i1 to i32
          %sign3A_328 = arith.constant 0 : i32
          %sign3A_329 = arith.cmpi slt, %sub3A_286, %sign3A_328 : i32
          %sign3A_330 = arith.extui %sign3A_329 : i1 to i32
          %sign3A_331 = arith.subi %sign3A_327, %sign3A_330 : i32
          %sign3A_332 = arith.constant 0 : i32
          %sign3A_333 = arith.cmpi sgt, %jit3A_323, %sign3A_332 : i32
          %sign3A_334 = arith.extui %sign3A_333 : i1 to i32
          %sign3A_335 = arith.constant 0 : i32
          %sign3A_336 = arith.cmpi slt, %jit3A_323, %sign3A_335 : i32
          %sign3A_337 = arith.extui %sign3A_336 : i1 to i32
          %sign3A_338 = arith.subi %sign3A_334, %sign3A_337 : i32
          %ne3A_339 = arith.cmpi ne, %sign3A_331, %sign3A_338 : i32
          %rem3A_340 = arith.remsi %sub3A_286, %jit3A_323 : i32
          %ne3A_341 = arith.constant 0 : i32
          %ne3A_342 = arith.cmpi ne, %rem3A_340, %ne3A_341 : i32
          %and3A_343 = arith.andi %ne3A_339, %ne3A_342 : i1
          %sub3A_344 = arith.constant 1 : i32
          %sub3A_345 = arith.subi %div3A_324, %sub3A_344 : i32
          %select_n3A_346 = arith.select %and3A_343, %sub3A_345, %div3A_324 : i32
          %jit3A_347 = arith.constant 8 : i32
          %eq3A_348 = arith.constant 0 : i32
          %eq3A_349 = arith.cmpi eq, %jit3A_347, %eq3A_348 : i32
          %jit3A_350 = arith.constant 1 : i32
          %select_n3A_351 = arith.select %eq3A_349, %jit3A_350, %jit3A_347 : i32
          %rem3A_352 = arith.remsi %sub3A_286, %select_n3A_351 : i32
          %ne3A_353 = arith.constant 0 : i32
          %ne3A_354 = arith.cmpi ne, %rem3A_352, %ne3A_353 : i32
          %lt3A_355 = arith.constant 0 : i32
          %lt3A_356 = arith.cmpi slt, %rem3A_352, %lt3A_355 : i32
          %lt3A_357 = arith.constant 0 : i32
          %lt3A_358 = arith.cmpi slt, %select_n3A_351, %lt3A_357 : i32
          %ne3A_359 = arith.xori %lt3A_356, %lt3A_358 : i1
          %and3A_360 = arith.andi %ne3A_359, %ne3A_354 : i1
          %add3A_361 = arith.addi %rem3A_352, %select_n3A_351 : i32
          %select_n3A_362 = arith.select %and3A_360, %add3A_361, %rem3A_352 : i32
          %get3A = arith.index_cast %select_n3A_346 : i32 to index
          %get3A_363 = arith.index_cast %select_n3A_362 : i32 to index
          %get3A_364 = arith.index_cast %mul3A_322 : i32 to index
          %get3A_365 = tpu.vector_load %arg7[%get3A, %get3A_363, %get3A_364] {strides = array<i32>} : memref<7x8x128xi32, #tpu.memory_space<vmem>>, vector<16xi32>,
          %parallel_loop3A = arith.constant 0 : i32
          %parallel_loop3A_366 = arith.constant 64 : i32
          %parallel_loop3A_367 = arith.constant 1 : i32
          scf.for %parallel_loop3A_368 = %parallel_loop3A to %parallel_loop3A_366 step %parallel_loop3A_367  : i32 {
            %parallel_loop3A_369 = arith.constant 200 : i32
            %parallel_loop3A_370 = arith.muli %parallel_loop3A_368, %parallel_loop3A_369 : i32
            %parallel_loop3A_371 = vector.broadcast %parallel_loop3A_370 : i32 to vector<16xi32>
            %parallel_loop3A_372 = arith.addi %get3A_365, %parallel_loop3A_371 : vector<16xi32>
            %parallel_loop3A_373 = tpu.vector_load_idx %arg6[%parallel_loop3A_372] : memref<12800xf32, #tpu.memory_space<vmem>>[vector<16xi32>], vector<16xf32>,
            %parallel_loop3A_374 = arith.constant 8 : i32
            %parallel_loop3A_375 = arith.divsi %parallel_loop3A_368, %parallel_loop3A_374 : i32
            %parallel_loop3A_376 = arith.constant 0 : i32
            %parallel_loop3A_377 = arith.cmpi sgt, %parallel_loop3A_368, %parallel_loop3A_376 : i32
            %parallel_loop3A_378 = arith.extui %parallel_loop3A_377 : i1 to i32
            %parallel_loop3A_379 = arith.constant 0 : i32
            %parallel_loop3A_380 = arith.cmpi slt, %parallel_loop3A_368, %parallel_loop3A_379 : i32
            %parallel_loop3A_381 = arith.extui %parallel_loop3A_380 : i1 to i32
            %parallel_loop3A_382 = arith.subi %parallel_loop3A_378, %parallel_loop3A_381 : i32
            %parallel_loop3A_383 = arith.constant 0 : i32
            %parallel_loop3A_384 = arith.cmpi sgt, %parallel_loop3A_374, %parallel_loop3A_383 : i32
            %parallel_loop3A_385 = arith.extui %parallel_loop3A_384 : i1 to i32
            %parallel_loop3A_386 = arith.constant 0 : i32
            %parallel_loop3A_387 = arith.cmpi slt, %parallel_loop3A_374, %parallel_loop3A_386 : i32
            %parallel_loop3A_388 = arith.extui %parallel_loop3A_387 : i1 to i32
            %parallel_loop3A_389 = arith.subi %parallel_loop3A_385, %parallel_loop3A_388 : i32
            %parallel_loop3A_390 = arith.cmpi ne, %parallel_loop3A_382, %parallel_loop3A_389 : i32
            %parallel_loop3A_391 = arith.remsi %parallel_loop3A_368, %parallel_loop3A_374 : i32
            %parallel_loop3A_392 = arith.constant 0 : i32
            %parallel_loop3A_393 = arith.cmpi ne, %parallel_loop3A_391, %parallel_loop3A_392 : i32
            %parallel_loop3A_394 = arith.andi %parallel_loop3A_390, %parallel_loop3A_393 : i1
            %parallel_loop3A_395 = arith.constant 1 : i32
            %parallel_loop3A_396 = arith.subi %parallel_loop3A_375, %parallel_loop3A_395 : i32
            %parallel_loop3A_397 = arith.select %parallel_loop3A_394, %parallel_loop3A_396, %parallel_loop3A_375 : i32
            %parallel_loop3A_398 = arith.constant 8 : i32
            %parallel_loop3A_399 = arith.constant 0 : i32
            %parallel_loop3A_400 = arith.cmpi eq, %parallel_loop3A_398, %parallel_loop3A_399 : i32
            %parallel_loop3A_401 = arith.constant 1 : i32
            %parallel_loop3A_402 = arith.select %parallel_loop3A_400, %parallel_loop3A_401, %parallel_loop3A_398 : i32
            %parallel_loop3A_403 = arith.remsi %parallel_loop3A_368, %parallel_loop3A_402 : i32
            %parallel_loop3A_404 = arith.constant 0 : i32
            %parallel_loop3A_405 = arith.cmpi ne, %parallel_loop3A_403, %parallel_loop3A_404 : i32
            %parallel_loop3A_406 = arith.constant 0 : i32
            %parallel_loop3A_407 = arith.cmpi slt, %parallel_loop3A_403, %parallel_loop3A_406 : i32
            %parallel_loop3A_408 = arith.constant 0 : i32
            %parallel_loop3A_409 = arith.cmpi slt, %parallel_loop3A_402, %parallel_loop3A_408 : i32
            %parallel_loop3A_410 = arith.xori %parallel_loop3A_407, %parallel_loop3A_409 : i1
            %parallel_loop3A_411 = arith.andi %parallel_loop3A_410, %parallel_loop3A_405 : i1
            %parallel_loop3A_412 = arith.addi %parallel_loop3A_403, %parallel_loop3A_402 : i32
            %parallel_loop3A_413 = arith.select %parallel_loop3A_411, %parallel_loop3A_412, %parallel_loop3A_403 : i32
            %parallel_loop3A_414 = arith.constant 0 : i32
            %parallel_loop3A_415 = arith.index_cast %parallel_loop3A_414 : i32 to index
            %parallel_loop3A_416 = arith.index_cast %parallel_loop3A_397 : i32 to index
            %parallel_loop3A_417 = arith.index_cast %parallel_loop3A_413 : i32 to index
            %parallel_loop3A_418 = arith.index_cast %mul3A_322 : i32 to index
            %parallel_loop3A_419 = tpu.vector_load %arg9[%parallel_loop3A_415, %parallel_loop3A_416, %parallel_loop3A_417, %parallel_loop3A_418] {strides = array<i32>} : memref<2x8x8x128xf32, #tpu.memory_space<vmem>>, vector<16xf32>,
            tpu.vector_store %arg9[%parallel_loop3A_415, %parallel_loop3A_416, %parallel_loop3A_417, %parallel_loop3A_418], %parallel_loop3A_373 {add = true, strides = array<i32>} : memref<2x8x8x128xf32, #tpu.memory_space<vmem>>, vector<16xf32>,
          } {sc.loop_unroll_factor = 16 : i64, sc.parallel_access}
        }
        %scan3A_292 = arith.constant 8 : i32
        %mul3A_293 = arith.constant 2 : i32
        %mul3A_294 = arith.muli %mul3A_293, %sub3A_219 : i32
        %add3A_295 = arith.addi %mul3A_32, %mul3A_294 : i32
        %add3A_296 = arith.constant 1 : i32
        %add3A_297 = arith.addi %add3A_295, %add3A_296 : i32
        %mul3A_298 = arith.constant 8 : i32
        %mul3A_299 = arith.muli %select_n3A_56, %mul3A_298 : i32
        %sub3A_300 = arith.subi %add3A_297, %mul3A_299 : i32
        %scan3A_301 = arith.constant 0 : i32
        %scan3A_302 = arith.constant 0 : i32
        %scan3A_303 = arith.constant 8 : i32
        %scan3A_304 = arith.addi %scan3A_302, %scan3A_303 : i32
        %scan3A_305 = arith.constant 1 : i32
        scf.for %scan3A_320 = %scan3A_302 to %scan3A_304 step %scan3A_305  : i32 {
          %mul3A_321 = arith.constant 16 : i32
          %mul3A_322 = arith.muli %scan3A_320, %mul3A_321 : i32
          %jit3A_323 = arith.constant 8 : i32
          %div3A_324 = arith.divsi %sub3A_300, %jit3A_323 : i32
          %sign3A_325 = arith.constant 0 : i32
          %sign3A_326 = arith.cmpi sgt, %sub3A_300, %sign3A_325 : i32
          %sign3A_327 = arith.extui %sign3A_326 : i1 to i32
          %sign3A_328 = arith.constant 0 : i32
          %sign3A_329 = arith.cmpi slt, %sub3A_300, %sign3A_328 : i32
          %sign3A_330 = arith.extui %sign3A_329 : i1 to i32
          %sign3A_331 = arith.subi %sign3A_327, %sign3A_330 : i32
          %sign3A_332 = arith.constant 0 : i32
          %sign3A_333 = arith.cmpi sgt, %jit3A_323, %sign3A_332 : i32
          %sign3A_334 = arith.extui %sign3A_333 : i1 to i32
          %sign3A_335 = arith.constant 0 : i32
          %sign3A_336 = arith.cmpi slt, %jit3A_323, %sign3A_335 : i32
          %sign3A_337 = arith.extui %sign3A_336 : i1 to i32
          %sign3A_338 = arith.subi %sign3A_334, %sign3A_337 : i32
          %ne3A_339 = arith.cmpi ne, %sign3A_331, %sign3A_338 : i32
          %rem3A_340 = arith.remsi %sub3A_300, %jit3A_323 : i32
          %ne3A_341 = arith.constant 0 : i32
          %ne3A_342 = arith.cmpi ne, %rem3A_340, %ne3A_341 : i32
          %and3A_343 = arith.andi %ne3A_339, %ne3A_342 : i1
          %sub3A_344 = arith.constant 1 : i32
          %sub3A_345 = arith.subi %div3A_324, %sub3A_344 : i32
          %select_n3A_346 = arith.select %and3A_343, %sub3A_345, %div3A_324 : i32
          %jit3A_347 = arith.constant 8 : i32
          %eq3A_348 = arith.constant 0 : i32
          %eq3A_349 = arith.cmpi eq, %jit3A_347, %eq3A_348 : i32
          %jit3A_350 = arith.constant 1 : i32
          %select_n3A_351 = arith.select %eq3A_349, %jit3A_350, %jit3A_347 : i32
          %rem3A_352 = arith.remsi %sub3A_300, %select_n3A_351 : i32
          %ne3A_353 = arith.constant 0 : i32
          %ne3A_354 = arith.cmpi ne, %rem3A_352, %ne3A_353 : i32
          %lt3A_355 = arith.constant 0 : i32
          %lt3A_356 = arith.cmpi slt, %rem3A_352, %lt3A_355 : i32
          %lt3A_357 = arith.constant 0 : i32
          %lt3A_358 = arith.cmpi slt, %select_n3A_351, %lt3A_357 : i32
          %ne3A_359 = arith.xori %lt3A_356, %lt3A_358 : i1
          %and3A_360 = arith.andi %ne3A_359, %ne3A_354 : i1
          %add3A_361 = arith.addi %rem3A_352, %select_n3A_351 : i32
          %select_n3A_362 = arith.select %and3A_360, %add3A_361, %rem3A_352 : i32
          %get3A = arith.index_cast %select_n3A_346 : i32 to index
          %get3A_363 = arith.index_cast %select_n3A_362 : i32 to index
          %get3A_364 = arith.index_cast %mul3A_322 : i32 to index
          %get3A_365 = tpu.vector_load %arg7[%get3A, %get3A_363, %get3A_364] {strides = array<i32>} : memref<7x8x128xi32, #tpu.memory_space<vmem>>, vector<16xi32>,
          %parallel_loop3A = arith.constant 0 : i32
          %parallel_loop3A_366 = arith.constant 64 : i32
          %parallel_loop3A_367 = arith.constant 1 : i32
          scf.for %parallel_loop3A_368 = %parallel_loop3A to %parallel_loop3A_366 step %parallel_loop3A_367  : i32 {
            %parallel_loop3A_369 = arith.constant 200 : i32
            %parallel_loop3A_370 = arith.muli %parallel_loop3A_368, %parallel_loop3A_369 : i32
            %parallel_loop3A_371 = vector.broadcast %parallel_loop3A_370 : i32 to vector<16xi32>
            %parallel_loop3A_372 = arith.addi %get3A_365, %parallel_loop3A_371 : vector<16xi32>
            %parallel_loop3A_373 = tpu.vector_load_idx %arg6[%parallel_loop3A_372] : memref<12800xf32, #tpu.memory_space<vmem>>[vector<16xi32>], vector<16xf32>,
            %parallel_loop3A_374 = arith.constant 8 : i32
            %parallel_loop3A_375 = arith.divsi %parallel_loop3A_368, %parallel_loop3A_374 : i32
            %parallel_loop3A_376 = arith.constant 0 : i32
            %parallel_loop3A_377 = arith.cmpi sgt, %parallel_loop3A_368, %parallel_loop3A_376 : i32
            %parallel_loop3A_378 = arith.extui %parallel_loop3A_377 : i1 to i32
            %parallel_loop3A_379 = arith.constant 0 : i32
            %parallel_loop3A_380 = arith.cmpi slt, %parallel_loop3A_368, %parallel_loop3A_379 : i32
            %parallel_loop3A_381 = arith.extui %parallel_loop3A_380 : i1 to i32
            %parallel_loop3A_382 = arith.subi %parallel_loop3A_378, %parallel_loop3A_381 : i32
            %parallel_loop3A_383 = arith.constant 0 : i32
            %parallel_loop3A_384 = arith.cmpi sgt, %parallel_loop3A_374, %parallel_loop3A_383 : i32
            %parallel_loop3A_385 = arith.extui %parallel_loop3A_384 : i1 to i32
            %parallel_loop3A_386 = arith.constant 0 : i32
            %parallel_loop3A_387 = arith.cmpi slt, %parallel_loop3A_374, %parallel_loop3A_386 : i32
            %parallel_loop3A_388 = arith.extui %parallel_loop3A_387 : i1 to i32
            %parallel_loop3A_389 = arith.subi %parallel_loop3A_385, %parallel_loop3A_388 : i32
            %parallel_loop3A_390 = arith.cmpi ne, %parallel_loop3A_382, %parallel_loop3A_389 : i32
            %parallel_loop3A_391 = arith.remsi %parallel_loop3A_368, %parallel_loop3A_374 : i32
            %parallel_loop3A_392 = arith.constant 0 : i32
            %parallel_loop3A_393 = arith.cmpi ne, %parallel_loop3A_391, %parallel_loop3A_392 : i32
            %parallel_loop3A_394 = arith.andi %parallel_loop3A_390, %parallel_loop3A_393 : i1
            %parallel_loop3A_395 = arith.constant 1 : i32
            %parallel_loop3A_396 = arith.subi %parallel_loop3A_375, %parallel_loop3A_395 : i32
            %parallel_loop3A_397 = arith.select %parallel_loop3A_394, %parallel_loop3A_396, %parallel_loop3A_375 : i32
            %parallel_loop3A_398 = arith.constant 8 : i32
            %parallel_loop3A_399 = arith.constant 0 : i32
            %parallel_loop3A_400 = arith.cmpi eq, %parallel_loop3A_398, %parallel_loop3A_399 : i32
            %parallel_loop3A_401 = arith.constant 1 : i32
            %parallel_loop3A_402 = arith.select %parallel_loop3A_400, %parallel_loop3A_401, %parallel_loop3A_398 : i32
            %parallel_loop3A_403 = arith.remsi %parallel_loop3A_368, %parallel_loop3A_402 : i32
            %parallel_loop3A_404 = arith.constant 0 : i32
            %parallel_loop3A_405 = arith.cmpi ne, %parallel_loop3A_403, %parallel_loop3A_404 : i32
            %parallel_loop3A_406 = arith.constant 0 : i32
            %parallel_loop3A_407 = arith.cmpi slt, %parallel_loop3A_403, %parallel_loop3A_406 : i32
            %parallel_loop3A_408 = arith.constant 0 : i32
            %parallel_loop3A_409 = arith.cmpi slt, %parallel_loop3A_402, %parallel_loop3A_408 : i32
            %parallel_loop3A_410 = arith.xori %parallel_loop3A_407, %parallel_loop3A_409 : i1
            %parallel_loop3A_411 = arith.andi %parallel_loop3A_410, %parallel_loop3A_405 : i1
            %parallel_loop3A_412 = arith.addi %parallel_loop3A_403, %parallel_loop3A_402 : i32
            %parallel_loop3A_413 = arith.select %parallel_loop3A_411, %parallel_loop3A_412, %parallel_loop3A_403 : i32
            %parallel_loop3A_414 = arith.constant 1 : i32
            %parallel_loop3A_415 = arith.index_cast %parallel_loop3A_414 : i32 to index
            %parallel_loop3A_416 = arith.index_cast %parallel_loop3A_397 : i32 to index
            %parallel_loop3A_417 = arith.index_cast %parallel_loop3A_413 : i32 to index
            %parallel_loop3A_418 = arith.index_cast %mul3A_322 : i32 to index
            %parallel_loop3A_419 = tpu.vector_load %arg9[%parallel_loop3A_415, %parallel_loop3A_416, %parallel_loop3A_417, %parallel_loop3A_418] {strides = array<i32>} : memref<2x8x8x128xf32, #tpu.memory_space<vmem>>, vector<16xf32>,
            tpu.vector_store %arg9[%parallel_loop3A_415, %parallel_loop3A_416, %parallel_loop3A_417, %parallel_loop3A_418], %parallel_loop3A_373 {add = true, strides = array<i32>} : memref<2x8x8x128xf32, #tpu.memory_space<vmem>>, vector<16xf32>,
          } {sc.loop_unroll_factor = 16 : i64, sc.parallel_access}
        }
        %scan3A_306 = arith.constant 8 : i32
        %mul3A_307 = arith.constant 2 : i32
        %mul3A_308 = arith.muli %mul3A_307, %sub3A_219 : i32
        %add3A_309 = arith.addi %mul3A_32, %mul3A_308 : i32
        %dma_start3A_310 = arith.constant 0 : i32
        %dma_start3A_311 = arith.constant 0 : i32
        %dma_start3A_312 = arith.constant 0 : i32
        %dma_start3A_313 = tpu.memref_slice %arg5[%add3A_309, %dma_start3A_310, %select_n3A_9, %dma_start3A_311, %dma_start3A_312] : memref<200x8x8x8x128xf32, #tpu.memory_space<hbm>> -> memref<2x8x1x8x128xf32, #tpu.memory_space<hbm>>
        %dma_start3A_314 = tpu.memref_squeeze %dma_start3A_313 : memref<2x8x1x8x128xf32, #tpu.memory_space<hbm>> -> memref<2x8x8x128xf32, #tpu.memory_space<hbm>>
        %dma_start3A_315 = arith.constant 0 : i32
        %dma_start3A_316 = arith.constant 0 : i32
        %dma_start3A_317 = arith.constant 0 : i32
        %dma_start3A_318 = tpu.memref_slice %arg5[%add3A_309, %dma_start3A_315, %select_n3A_9, %dma_start3A_316, %dma_start3A_317] : memref<200x8x8x8x128xf32, #tpu.memory_space<hbm>> -> memref<2x8x1x8x128xf32, #tpu.memory_space<hbm>>
        %dma_start3A_319 = tpu.memref_squeeze %dma_start3A_318 : memref<2x8x1x8x128xf32, #tpu.memory_space<hbm>> -> memref<2x8x8x128xf32, #tpu.memory_space<hbm>>
        tpu.enqueue_dma source(%arg9 : memref<2x8x8x128xf32, #tpu.memory_space<vmem>>) target(%dma_start3A_319 : memref<2x8x8x128xf32, #tpu.memory_space<hbm>>) target_semaphore(%arg21 : memref<!tpu.dma_semaphore, #tpu.memory_space<semaphore_mem>>)
      } else {
      }
      %mul3A_228 = arith.constant 6 : i32
      %mul3A_229 = arith.muli %scan3A_154, %mul3A_228 : i32
      %add3A_230 = arith.constant 4 : i32
      %add3A_231 = arith.addi %mul3A_229, %add3A_230 : i32
      %lt3A_232 = arith.constant 25 : i32
      %lt3A_233 = arith.cmpi slt, %add3A_231, %lt3A_232 : i32
      %convert_element_type3A_234 = arith.extui %lt3A_233 : i1 to i32
      %cond3A_235 = arith.constant 0 : i32
      %cond3A_236 = arith.cmpi ne, %convert_element_type3A_234, %cond3A_235 : i32
      scf.if %cond3A_236 {
        %ge3A_266 = arith.constant 6 : i32
        %ge3A_267 = arith.cmpi sge, %add3A_231, %ge3A_266 : i32
        %convert_element_type3A_268 = arith.extui %ge3A_267 : i1 to i32
        %cond3A_269 = arith.constant 0 : i32
        %cond3A_270 = arith.cmpi ne, %convert_element_type3A_268, %cond3A_269 : i32
        scf.if %cond3A_270 {
          %dma_wait3A_284 = arith.constant 0 : i32
          %dma_wait3A_285 = arith.constant 0 : i32
          %dma_wait3A_286 = arith.constant 0 : i32
          %dma_wait3A_287 = arith.constant 0 : i32
          %dma_wait3A_288 = arith.constant 0 : i32
          %dma_wait3A_289 = tpu.memref_slice %arg2[%dma_wait3A_285, %dma_wait3A_286, %dma_wait3A_284, %dma_wait3A_287, %dma_wait3A_288] : memref<200x8x8x8x128xf32, #tpu.memory_space<hbm>> -> memref<2x8x1x8x128xf32, #tpu.memory_space<hbm>>
          %dma_wait3A_290 = tpu.memref_squeeze %dma_wait3A_289 : memref<2x8x1x8x128xf32, #tpu.memory_space<hbm>> -> memref<2x8x8x128xf32, #tpu.memory_space<hbm>>
          %dma_wait3A_291 = arith.constant 0 : i32
          %dma_wait3A_292 = arith.constant 0 : i32
          %dma_wait3A_293 = arith.constant 0 : i32
          %dma_wait3A_294 = arith.constant 0 : i32
          %dma_wait3A_295 = tpu.memref_slice %arg2[%dma_wait3A_291, %dma_wait3A_292, %dma_wait3A_284, %dma_wait3A_293, %dma_wait3A_294] : memref<200x8x8x8x128xf32, #tpu.memory_space<hbm>> -> memref<2x8x1x8x128xf32, #tpu.memory_space<hbm>>
          %dma_wait3A_296 = tpu.memref_squeeze %dma_wait3A_295 : memref<2x8x1x8x128xf32, #tpu.memory_space<hbm>> -> memref<2x8x8x128xf32, #tpu.memory_space<hbm>>
          tpu.wait_dma2 semaphore(%arg25 : memref<!tpu.dma_semaphore, #tpu.memory_space<semaphore_mem>>) src(%dma_wait3A_296 : memref<2x8x8x128xf32, #tpu.memory_space<hbm>>) dst(%arg13 : memref<2x8x8x128xf32, #tpu.memory_space<vmem>>)
        } else {
        }
        %mul3A_271 = arith.constant 2 : i32
        %mul3A_272 = arith.muli %mul3A_271, %add3A_231 : i32
        %add3A_273 = arith.addi %mul3A_32, %mul3A_272 : i32
        %dma_start3A_274 = arith.constant 0 : i32
        %dma_start3A_275 = arith.constant 0 : i32
        %dma_start3A_276 = arith.constant 0 : i32
        %dma_start3A_277 = tpu.memref_slice %arg2[%add3A_273, %dma_start3A_274, %select_n3A_9, %dma_start3A_275, %dma_start3A_276] : memref<200x8x8x8x128xf32, #tpu.memory_space<hbm>> -> memref<2x8x1x8x128xf32, #tpu.memory_space<hbm>>
        %dma_start3A_278 = tpu.memref_squeeze %dma_start3A_277 : memref<2x8x1x8x128xf32, #tpu.memory_space<hbm>> -> memref<2x8x8x128xf32, #tpu.memory_space<hbm>>
        %dma_start3A_279 = arith.constant 0 : i32
        %dma_start3A_280 = arith.constant 0 : i32
        %dma_start3A_281 = arith.constant 0 : i32
        %dma_start3A_282 = tpu.memref_slice %arg2[%add3A_273, %dma_start3A_279, %select_n3A_9, %dma_start3A_280, %dma_start3A_281] : memref<200x8x8x8x128xf32, #tpu.memory_space<hbm>> -> memref<2x8x1x8x128xf32, #tpu.memory_space<hbm>>
        %dma_start3A_283 = tpu.memref_squeeze %dma_start3A_282 : memref<2x8x1x8x128xf32, #tpu.memory_space<hbm>> -> memref<2x8x8x128xf32, #tpu.memory_space<hbm>>
        tpu.enqueue_dma source(%dma_start3A_283 : memref<2x8x8x128xf32, #tpu.memory_space<hbm>>) target(%arg13 : memref<2x8x8x128xf32, #tpu.memory_space<vmem>>) target_semaphore(%arg19 : memref<!tpu.dma_semaphore, #tpu.memory_space<semaphore_mem>>)
      } else {
      }
      %sub3A_237 = arith.constant 3 : i32
      %sub3A_238 = arith.subi %add3A_231, %sub3A_237 : i32
      %ge3A_239 = arith.constant 0 : i32
      %ge3A_240 = arith.cmpi sge, %sub3A_238, %ge3A_239 : i32
      %lt3A_241 = arith.constant 25 : i32
      %lt3A_242 = arith.cmpi slt, %sub3A_238, %lt3A_241 : i32
      %and3A_243 = arith.andi %ge3A_240, %lt3A_242 : i1
      %convert_element_type3A_244 = arith.extui %and3A_243 : i1 to i32
      %cond3A_245 = arith.constant 0 : i32
      %cond3A_246 = arith.cmpi ne, %convert_element_type3A_244, %cond3A_245 : i32
      scf.if %cond3A_246 {
        %dma_wait3A_266 = arith.constant 0 : i32
        %dma_wait3A_267 = arith.constant 0 : i32
        %dma_wait3A_268 = arith.constant 0 : i32
        %dma_wait3A_269 = arith.constant 0 : i32
        %dma_wait3A_270 = arith.constant 0 : i32
        %dma_wait3A_271 = tpu.memref_slice %arg2[%dma_wait3A_267, %dma_wait3A_268, %dma_wait3A_266, %dma_wait3A_269, %dma_wait3A_270] : memref<200x8x8x8x128xf32, #tpu.memory_space<hbm>> -> memref<2x8x1x8x128xf32, #tpu.memory_space<hbm>>
        %dma_wait3A_272 = tpu.memref_squeeze %dma_wait3A_271 : memref<2x8x1x8x128xf32, #tpu.memory_space<hbm>> -> memref<2x8x8x128xf32, #tpu.memory_space<hbm>>
        %dma_wait3A_273 = arith.constant 0 : i32
        %dma_wait3A_274 = arith.constant 0 : i32
        %dma_wait3A_275 = arith.constant 0 : i32
        %dma_wait3A_276 = arith.constant 0 : i32
        %dma_wait3A_277 = tpu.memref_slice %arg2[%dma_wait3A_273, %dma_wait3A_274, %dma_wait3A_266, %dma_wait3A_275, %dma_wait3A_276] : memref<200x8x8x8x128xf32, #tpu.memory_space<hbm>> -> memref<2x8x1x8x128xf32, #tpu.memory_space<hbm>>
        %dma_wait3A_278 = tpu.memref_squeeze %dma_wait3A_277 : memref<2x8x1x8x128xf32, #tpu.memory_space<hbm>> -> memref<2x8x8x128xf32, #tpu.memory_space<hbm>>
        tpu.wait_dma2 semaphore(%arg16 : memref<!tpu.dma_semaphore, #tpu.memory_space<semaphore_mem>>) src(%dma_wait3A_278 : memref<2x8x8x128xf32, #tpu.memory_space<hbm>>) dst(%arg10 : memref<2x8x8x128xf32, #tpu.memory_space<vmem>>)
        %mul3A_279 = arith.constant 2 : i32
        %mul3A_280 = arith.muli %mul3A_279, %sub3A_238 : i32
        %add3A_281 = arith.addi %mul3A_32, %mul3A_280 : i32
        %add3A_282 = arith.constant 0 : i32
        %add3A_283 = arith.addi %add3A_281, %add3A_282 : i32
        %mul3A_284 = arith.constant 8 : i32
        %mul3A_285 = arith.muli %select_n3A_56, %mul3A_284 : i32
        %sub3A_286 = arith.subi %add3A_283, %mul3A_285 : i32
        %scan3A_287 = arith.constant 0 : i32
        %scan3A_288 = arith.constant 0 : i32
        %scan3A_289 = arith.constant 8 : i32
        %scan3A_290 = arith.addi %scan3A_288, %scan3A_289 : i32
        %scan3A_291 = arith.constant 1 : i32
        scf.for %scan3A_320 = %scan3A_288 to %scan3A_290 step %scan3A_291  : i32 {
          %mul3A_321 = arith.constant 16 : i32
          %mul3A_322 = arith.muli %scan3A_320, %mul3A_321 : i32
          %jit3A_323 = arith.constant 8 : i32
          %div3A_324 = arith.divsi %sub3A_286, %jit3A_323 : i32
          %sign3A_325 = arith.constant 0 : i32
          %sign3A_326 = arith.cmpi sgt, %sub3A_286, %sign3A_325 : i32
          %sign3A_327 = arith.extui %sign3A_326 : i1 to i32
          %sign3A_328 = arith.constant 0 : i32
          %sign3A_329 = arith.cmpi slt, %sub3A_286, %sign3A_328 : i32
          %sign3A_330 = arith.extui %sign3A_329 : i1 to i32
          %sign3A_331 = arith.subi %sign3A_327, %sign3A_330 : i32
          %sign3A_332 = arith.constant 0 : i32
          %sign3A_333 = arith.cmpi sgt, %jit3A_323, %sign3A_332 : i32
          %sign3A_334 = arith.extui %sign3A_333 : i1 to i32
          %sign3A_335 = arith.constant 0 : i32
          %sign3A_336 = arith.cmpi slt, %jit3A_323, %sign3A_335 : i32
          %sign3A_337 = arith.extui %sign3A_336 : i1 to i32
          %sign3A_338 = arith.subi %sign3A_334, %sign3A_337 : i32
          %ne3A_339 = arith.cmpi ne, %sign3A_331, %sign3A_338 : i32
          %rem3A_340 = arith.remsi %sub3A_286, %jit3A_323 : i32
          %ne3A_341 = arith.constant 0 : i32
          %ne3A_342 = arith.cmpi ne, %rem3A_340, %ne3A_341 : i32
          %and3A_343 = arith.andi %ne3A_339, %ne3A_342 : i1
          %sub3A_344 = arith.constant 1 : i32
          %sub3A_345 = arith.subi %div3A_324, %sub3A_344 : i32
          %select_n3A_346 = arith.select %and3A_343, %sub3A_345, %div3A_324 : i32
          %jit3A_347 = arith.constant 8 : i32
          %eq3A_348 = arith.constant 0 : i32
          %eq3A_349 = arith.cmpi eq, %jit3A_347, %eq3A_348 : i32
          %jit3A_350 = arith.constant 1 : i32
          %select_n3A_351 = arith.select %eq3A_349, %jit3A_350, %jit3A_347 : i32
          %rem3A_352 = arith.remsi %sub3A_286, %select_n3A_351 : i32
          %ne3A_353 = arith.constant 0 : i32
          %ne3A_354 = arith.cmpi ne, %rem3A_352, %ne3A_353 : i32
          %lt3A_355 = arith.constant 0 : i32
          %lt3A_356 = arith.cmpi slt, %rem3A_352, %lt3A_355 : i32
          %lt3A_357 = arith.constant 0 : i32
          %lt3A_358 = arith.cmpi slt, %select_n3A_351, %lt3A_357 : i32
          %ne3A_359 = arith.xori %lt3A_356, %lt3A_358 : i1
          %and3A_360 = arith.andi %ne3A_359, %ne3A_354 : i1
          %add3A_361 = arith.addi %rem3A_352, %select_n3A_351 : i32
          %select_n3A_362 = arith.select %and3A_360, %add3A_361, %rem3A_352 : i32
          %get3A = arith.index_cast %select_n3A_346 : i32 to index
          %get3A_363 = arith.index_cast %select_n3A_362 : i32 to index
          %get3A_364 = arith.index_cast %mul3A_322 : i32 to index
          %get3A_365 = tpu.vector_load %arg7[%get3A, %get3A_363, %get3A_364] {strides = array<i32>} : memref<7x8x128xi32, #tpu.memory_space<vmem>>, vector<16xi32>,
          %parallel_loop3A = arith.constant 0 : i32
          %parallel_loop3A_366 = arith.constant 64 : i32
          %parallel_loop3A_367 = arith.constant 1 : i32
          scf.for %parallel_loop3A_368 = %parallel_loop3A to %parallel_loop3A_366 step %parallel_loop3A_367  : i32 {
            %parallel_loop3A_369 = arith.constant 200 : i32
            %parallel_loop3A_370 = arith.muli %parallel_loop3A_368, %parallel_loop3A_369 : i32
            %parallel_loop3A_371 = vector.broadcast %parallel_loop3A_370 : i32 to vector<16xi32>
            %parallel_loop3A_372 = arith.addi %get3A_365, %parallel_loop3A_371 : vector<16xi32>
            %parallel_loop3A_373 = tpu.vector_load_idx %arg6[%parallel_loop3A_372] : memref<12800xf32, #tpu.memory_space<vmem>>[vector<16xi32>], vector<16xf32>,
            %parallel_loop3A_374 = arith.constant 8 : i32
            %parallel_loop3A_375 = arith.divsi %parallel_loop3A_368, %parallel_loop3A_374 : i32
            %parallel_loop3A_376 = arith.constant 0 : i32
            %parallel_loop3A_377 = arith.cmpi sgt, %parallel_loop3A_368, %parallel_loop3A_376 : i32
            %parallel_loop3A_378 = arith.extui %parallel_loop3A_377 : i1 to i32
            %parallel_loop3A_379 = arith.constant 0 : i32
            %parallel_loop3A_380 = arith.cmpi slt, %parallel_loop3A_368, %parallel_loop3A_379 : i32
            %parallel_loop3A_381 = arith.extui %parallel_loop3A_380 : i1 to i32
            %parallel_loop3A_382 = arith.subi %parallel_loop3A_378, %parallel_loop3A_381 : i32
            %parallel_loop3A_383 = arith.constant 0 : i32
            %parallel_loop3A_384 = arith.cmpi sgt, %parallel_loop3A_374, %parallel_loop3A_383 : i32
            %parallel_loop3A_385 = arith.extui %parallel_loop3A_384 : i1 to i32
            %parallel_loop3A_386 = arith.constant 0 : i32
            %parallel_loop3A_387 = arith.cmpi slt, %parallel_loop3A_374, %parallel_loop3A_386 : i32
            %parallel_loop3A_388 = arith.extui %parallel_loop3A_387 : i1 to i32
            %parallel_loop3A_389 = arith.subi %parallel_loop3A_385, %parallel_loop3A_388 : i32
            %parallel_loop3A_390 = arith.cmpi ne, %parallel_loop3A_382, %parallel_loop3A_389 : i32
            %parallel_loop3A_391 = arith.remsi %parallel_loop3A_368, %parallel_loop3A_374 : i32
            %parallel_loop3A_392 = arith.constant 0 : i32
            %parallel_loop3A_393 = arith.cmpi ne, %parallel_loop3A_391, %parallel_loop3A_392 : i32
            %parallel_loop3A_394 = arith.andi %parallel_loop3A_390, %parallel_loop3A_393 : i1
            %parallel_loop3A_395 = arith.constant 1 : i32
            %parallel_loop3A_396 = arith.subi %parallel_loop3A_375, %parallel_loop3A_395 : i32
            %parallel_loop3A_397 = arith.select %parallel_loop3A_394, %parallel_loop3A_396, %parallel_loop3A_375 : i32
            %parallel_loop3A_398 = arith.constant 8 : i32
            %parallel_loop3A_399 = arith.constant 0 : i32
            %parallel_loop3A_400 = arith.cmpi eq, %parallel_loop3A_398, %parallel_loop3A_399 : i32
            %parallel_loop3A_401 = arith.constant 1 : i32
            %parallel_loop3A_402 = arith.select %parallel_loop3A_400, %parallel_loop3A_401, %parallel_loop3A_398 : i32
            %parallel_loop3A_403 = arith.remsi %parallel_loop3A_368, %parallel_loop3A_402 : i32
            %parallel_loop3A_404 = arith.constant 0 : i32
            %parallel_loop3A_405 = arith.cmpi ne, %parallel_loop3A_403, %parallel_loop3A_404 : i32
            %parallel_loop3A_406 = arith.constant 0 : i32
            %parallel_loop3A_407 = arith.cmpi slt, %parallel_loop3A_403, %parallel_loop3A_406 : i32
            %parallel_loop3A_408 = arith.constant 0 : i32
            %parallel_loop3A_409 = arith.cmpi slt, %parallel_loop3A_402, %parallel_loop3A_408 : i32
            %parallel_loop3A_410 = arith.xori %parallel_loop3A_407, %parallel_loop3A_409 : i1
            %parallel_loop3A_411 = arith.andi %parallel_loop3A_410, %parallel_loop3A_405 : i1
            %parallel_loop3A_412 = arith.addi %parallel_loop3A_403, %parallel_loop3A_402 : i32
            %parallel_loop3A_413 = arith.select %parallel_loop3A_411, %parallel_loop3A_412, %parallel_loop3A_403 : i32
            %parallel_loop3A_414 = arith.constant 0 : i32
            %parallel_loop3A_415 = arith.index_cast %parallel_loop3A_414 : i32 to index
            %parallel_loop3A_416 = arith.index_cast %parallel_loop3A_397 : i32 to index
            %parallel_loop3A_417 = arith.index_cast %parallel_loop3A_413 : i32 to index
            %parallel_loop3A_418 = arith.index_cast %mul3A_322 : i32 to index
            %parallel_loop3A_419 = tpu.vector_load %arg10[%parallel_loop3A_415, %parallel_loop3A_416, %parallel_loop3A_417, %parallel_loop3A_418] {strides = array<i32>} : memref<2x8x8x128xf32, #tpu.memory_space<vmem>>, vector<16xf32>,
            tpu.vector_store %arg10[%parallel_loop3A_415, %parallel_loop3A_416, %parallel_loop3A_417, %parallel_loop3A_418], %parallel_loop3A_373 {add = true, strides = array<i32>} : memref<2x8x8x128xf32, #tpu.memory_space<vmem>>, vector<16xf32>,
          } {sc.loop_unroll_factor = 16 : i64, sc.parallel_access}
        }
        %scan3A_292 = arith.constant 8 : i32
        %mul3A_293 = arith.constant 2 : i32
        %mul3A_294 = arith.muli %mul3A_293, %sub3A_238 : i32
        %add3A_295 = arith.addi %mul3A_32, %mul3A_294 : i32
        %add3A_296 = arith.constant 1 : i32
        %add3A_297 = arith.addi %add3A_295, %add3A_296 : i32
        %mul3A_298 = arith.constant 8 : i32
        %mul3A_299 = arith.muli %select_n3A_56, %mul3A_298 : i32
        %sub3A_300 = arith.subi %add3A_297, %mul3A_299 : i32
        %scan3A_301 = arith.constant 0 : i32
        %scan3A_302 = arith.constant 0 : i32
        %scan3A_303 = arith.constant 8 : i32
        %scan3A_304 = arith.addi %scan3A_302, %scan3A_303 : i32
        %scan3A_305 = arith.constant 1 : i32
        scf.for %scan3A_320 = %scan3A_302 to %scan3A_304 step %scan3A_305  : i32 {
          %mul3A_321 = arith.constant 16 : i32
          %mul3A_322 = arith.muli %scan3A_320, %mul3A_321 : i32
          %jit3A_323 = arith.constant 8 : i32
          %div3A_324 = arith.divsi %sub3A_300, %jit3A_323 : i32
          %sign3A_325 = arith.constant 0 : i32
          %sign3A_326 = arith.cmpi sgt, %sub3A_300, %sign3A_325 : i32
          %sign3A_327 = arith.extui %sign3A_326 : i1 to i32
          %sign3A_328 = arith.constant 0 : i32
          %sign3A_329 = arith.cmpi slt, %sub3A_300, %sign3A_328 : i32
          %sign3A_330 = arith.extui %sign3A_329 : i1 to i32
          %sign3A_331 = arith.subi %sign3A_327, %sign3A_330 : i32
          %sign3A_332 = arith.constant 0 : i32
          %sign3A_333 = arith.cmpi sgt, %jit3A_323, %sign3A_332 : i32
          %sign3A_334 = arith.extui %sign3A_333 : i1 to i32
          %sign3A_335 = arith.constant 0 : i32
          %sign3A_336 = arith.cmpi slt, %jit3A_323, %sign3A_335 : i32
          %sign3A_337 = arith.extui %sign3A_336 : i1 to i32
          %sign3A_338 = arith.subi %sign3A_334, %sign3A_337 : i32
          %ne3A_339 = arith.cmpi ne, %sign3A_331, %sign3A_338 : i32
          %rem3A_340 = arith.remsi %sub3A_300, %jit3A_323 : i32
          %ne3A_341 = arith.constant 0 : i32
          %ne3A_342 = arith.cmpi ne, %rem3A_340, %ne3A_341 : i32
          %and3A_343 = arith.andi %ne3A_339, %ne3A_342 : i1
          %sub3A_344 = arith.constant 1 : i32
          %sub3A_345 = arith.subi %div3A_324, %sub3A_344 : i32
          %select_n3A_346 = arith.select %and3A_343, %sub3A_345, %div3A_324 : i32
          %jit3A_347 = arith.constant 8 : i32
          %eq3A_348 = arith.constant 0 : i32
          %eq3A_349 = arith.cmpi eq, %jit3A_347, %eq3A_348 : i32
          %jit3A_350 = arith.constant 1 : i32
          %select_n3A_351 = arith.select %eq3A_349, %jit3A_350, %jit3A_347 : i32
          %rem3A_352 = arith.remsi %sub3A_300, %select_n3A_351 : i32
          %ne3A_353 = arith.constant 0 : i32
          %ne3A_354 = arith.cmpi ne, %rem3A_352, %ne3A_353 : i32
          %lt3A_355 = arith.constant 0 : i32
          %lt3A_356 = arith.cmpi slt, %rem3A_352, %lt3A_355 : i32
          %lt3A_357 = arith.constant 0 : i32
          %lt3A_358 = arith.cmpi slt, %select_n3A_351, %lt3A_357 : i32
          %ne3A_359 = arith.xori %lt3A_356, %lt3A_358 : i1
          %and3A_360 = arith.andi %ne3A_359, %ne3A_354 : i1
          %add3A_361 = arith.addi %rem3A_352, %select_n3A_351 : i32
          %select_n3A_362 = arith.select %and3A_360, %add3A_361, %rem3A_352 : i32
          %get3A = arith.index_cast %select_n3A_346 : i32 to index
          %get3A_363 = arith.index_cast %select_n3A_362 : i32 to index
          %get3A_364 = arith.index_cast %mul3A_322 : i32 to index
          %get3A_365 = tpu.vector_load %arg7[%get3A, %get3A_363, %get3A_364] {strides = array<i32>} : memref<7x8x128xi32, #tpu.memory_space<vmem>>, vector<16xi32>,
          %parallel_loop3A = arith.constant 0 : i32
          %parallel_loop3A_366 = arith.constant 64 : i32
          %parallel_loop3A_367 = arith.constant 1 : i32
          scf.for %parallel_loop3A_368 = %parallel_loop3A to %parallel_loop3A_366 step %parallel_loop3A_367  : i32 {
            %parallel_loop3A_369 = arith.constant 200 : i32
            %parallel_loop3A_370 = arith.muli %parallel_loop3A_368, %parallel_loop3A_369 : i32
            %parallel_loop3A_371 = vector.broadcast %parallel_loop3A_370 : i32 to vector<16xi32>
            %parallel_loop3A_372 = arith.addi %get3A_365, %parallel_loop3A_371 : vector<16xi32>
            %parallel_loop3A_373 = tpu.vector_load_idx %arg6[%parallel_loop3A_372] : memref<12800xf32, #tpu.memory_space<vmem>>[vector<16xi32>], vector<16xf32>,
            %parallel_loop3A_374 = arith.constant 8 : i32
            %parallel_loop3A_375 = arith.divsi %parallel_loop3A_368, %parallel_loop3A_374 : i32
            %parallel_loop3A_376 = arith.constant 0 : i32
            %parallel_loop3A_377 = arith.cmpi sgt, %parallel_loop3A_368, %parallel_loop3A_376 : i32
            %parallel_loop3A_378 = arith.extui %parallel_loop3A_377 : i1 to i32
            %parallel_loop3A_379 = arith.constant 0 : i32
            %parallel_loop3A_380 = arith.cmpi slt, %parallel_loop3A_368, %parallel_loop3A_379 : i32
            %parallel_loop3A_381 = arith.extui %parallel_loop3A_380 : i1 to i32
            %parallel_loop3A_382 = arith.subi %parallel_loop3A_378, %parallel_loop3A_381 : i32
            %parallel_loop3A_383 = arith.constant 0 : i32
            %parallel_loop3A_384 = arith.cmpi sgt, %parallel_loop3A_374, %parallel_loop3A_383 : i32
            %parallel_loop3A_385 = arith.extui %parallel_loop3A_384 : i1 to i32
            %parallel_loop3A_386 = arith.constant 0 : i32
            %parallel_loop3A_387 = arith.cmpi slt, %parallel_loop3A_374, %parallel_loop3A_386 : i32
            %parallel_loop3A_388 = arith.extui %parallel_loop3A_387 : i1 to i32
            %parallel_loop3A_389 = arith.subi %parallel_loop3A_385, %parallel_loop3A_388 : i32
            %parallel_loop3A_390 = arith.cmpi ne, %parallel_loop3A_382, %parallel_loop3A_389 : i32
            %parallel_loop3A_391 = arith.remsi %parallel_loop3A_368, %parallel_loop3A_374 : i32
            %parallel_loop3A_392 = arith.constant 0 : i32
            %parallel_loop3A_393 = arith.cmpi ne, %parallel_loop3A_391, %parallel_loop3A_392 : i32
            %parallel_loop3A_394 = arith.andi %parallel_loop3A_390, %parallel_loop3A_393 : i1
            %parallel_loop3A_395 = arith.constant 1 : i32
            %parallel_loop3A_396 = arith.subi %parallel_loop3A_375, %parallel_loop3A_395 : i32
            %parallel_loop3A_397 = arith.select %parallel_loop3A_394, %parallel_loop3A_396, %parallel_loop3A_375 : i32
            %parallel_loop3A_398 = arith.constant 8 : i32
            %parallel_loop3A_399 = arith.constant 0 : i32
            %parallel_loop3A_400 = arith.cmpi eq, %parallel_loop3A_398, %parallel_loop3A_399 : i32
            %parallel_loop3A_401 = arith.constant 1 : i32
            %parallel_loop3A_402 = arith.select %parallel_loop3A_400, %parallel_loop3A_401, %parallel_loop3A_398 : i32
            %parallel_loop3A_403 = arith.remsi %parallel_loop3A_368, %parallel_loop3A_402 : i32
            %parallel_loop3A_404 = arith.constant 0 : i32
            %parallel_loop3A_405 = arith.cmpi ne, %parallel_loop3A_403, %parallel_loop3A_404 : i32
            %parallel_loop3A_406 = arith.constant 0 : i32
            %parallel_loop3A_407 = arith.cmpi slt, %parallel_loop3A_403, %parallel_loop3A_406 : i32
            %parallel_loop3A_408 = arith.constant 0 : i32
            %parallel_loop3A_409 = arith.cmpi slt, %parallel_loop3A_402, %parallel_loop3A_408 : i32
            %parallel_loop3A_410 = arith.xori %parallel_loop3A_407, %parallel_loop3A_409 : i1
            %parallel_loop3A_411 = arith.andi %parallel_loop3A_410, %parallel_loop3A_405 : i1
            %parallel_loop3A_412 = arith.addi %parallel_loop3A_403, %parallel_loop3A_402 : i32
            %parallel_loop3A_413 = arith.select %parallel_loop3A_411, %parallel_loop3A_412, %parallel_loop3A_403 : i32
            %parallel_loop3A_414 = arith.constant 1 : i32
            %parallel_loop3A_415 = arith.index_cast %parallel_loop3A_414 : i32 to index
            %parallel_loop3A_416 = arith.index_cast %parallel_loop3A_397 : i32 to index
            %parallel_loop3A_417 = arith.index_cast %parallel_loop3A_413 : i32 to index
            %parallel_loop3A_418 = arith.index_cast %mul3A_322 : i32 to index
            %parallel_loop3A_419 = tpu.vector_load %arg10[%parallel_loop3A_415, %parallel_loop3A_416, %parallel_loop3A_417, %parallel_loop3A_418] {strides = array<i32>} : memref<2x8x8x128xf32, #tpu.memory_space<vmem>>, vector<16xf32>,
            tpu.vector_store %arg10[%parallel_loop3A_415, %parallel_loop3A_416, %parallel_loop3A_417, %parallel_loop3A_418], %parallel_loop3A_373 {add = true, strides = array<i32>} : memref<2x8x8x128xf32, #tpu.memory_space<vmem>>, vector<16xf32>,
          } {sc.loop_unroll_factor = 16 : i64, sc.parallel_access}
        }
        %scan3A_306 = arith.constant 8 : i32
        %mul3A_307 = arith.constant 2 : i32
        %mul3A_308 = arith.muli %mul3A_307, %sub3A_238 : i32
        %add3A_309 = arith.addi %mul3A_32, %mul3A_308 : i32
        %dma_start3A_310 = arith.constant 0 : i32
        %dma_start3A_311 = arith.constant 0 : i32
        %dma_start3A_312 = arith.constant 0 : i32
        %dma_start3A_313 = tpu.memref_slice %arg5[%add3A_309, %dma_start3A_310, %select_n3A_9, %dma_start3A_311, %dma_start3A_312] : memref<200x8x8x8x128xf32, #tpu.memory_space<hbm>> -> memref<2x8x1x8x128xf32, #tpu.memory_space<hbm>>
        %dma_start3A_314 = tpu.memref_squeeze %dma_start3A_313 : memref<2x8x1x8x128xf32, #tpu.memory_space<hbm>> -> memref<2x8x8x128xf32, #tpu.memory_space<hbm>>
        %dma_start3A_315 = arith.constant 0 : i32
        %dma_start3A_316 = arith.constant 0 : i32
        %dma_start3A_317 = arith.constant 0 : i32
        %dma_start3A_318 = tpu.memref_slice %arg5[%add3A_309, %dma_start3A_315, %select_n3A_9, %dma_start3A_316, %dma_start3A_317] : memref<200x8x8x8x128xf32, #tpu.memory_space<hbm>> -> memref<2x8x1x8x128xf32, #tpu.memory_space<hbm>>
        %dma_start3A_319 = tpu.memref_squeeze %dma_start3A_318 : memref<2x8x1x8x128xf32, #tpu.memory_space<hbm>> -> memref<2x8x8x128xf32, #tpu.memory_space<hbm>>
        tpu.enqueue_dma source(%arg10 : memref<2x8x8x128xf32, #tpu.memory_space<vmem>>) target(%dma_start3A_319 : memref<2x8x8x128xf32, #tpu.memory_space<hbm>>) target_semaphore(%arg22 : memref<!tpu.dma_semaphore, #tpu.memory_space<semaphore_mem>>)
      } else {
      }
      %mul3A_247 = arith.constant 6 : i32
      %mul3A_248 = arith.muli %scan3A_154, %mul3A_247 : i32
      %add3A_249 = arith.constant 5 : i32
      %add3A_250 = arith.addi %mul3A_248, %add3A_249 : i32
      %lt3A_251 = arith.constant 25 : i32
      %lt3A_252 = arith.cmpi slt, %add3A_250, %lt3A_251 : i32
      %convert_element_type3A_253 = arith.extui %lt3A_252 : i1 to i32
      %cond3A_254 = arith.constant 0 : i32
      %cond3A_255 = arith.cmpi ne, %convert_element_type3A_253, %cond3A_254 : i32
      scf.if %cond3A_255 {
        %ge3A_266 = arith.constant 6 : i32
        %ge3A_267 = arith.cmpi sge, %add3A_250, %ge3A_266 : i32
        %convert_element_type3A_268 = arith.extui %ge3A_267 : i1 to i32
        %cond3A_269 = arith.constant 0 : i32
        %cond3A_270 = arith.cmpi ne, %convert_element_type3A_268, %cond3A_269 : i32
        scf.if %cond3A_270 {
          %dma_wait3A_284 = arith.constant 0 : i32
          %dma_wait3A_285 = arith.constant 0 : i32
          %dma_wait3A_286 = arith.constant 0 : i32
          %dma_wait3A_287 = arith.constant 0 : i32
          %dma_wait3A_288 = arith.constant 0 : i32
          %dma_wait3A_289 = tpu.memref_slice %arg2[%dma_wait3A_285, %dma_wait3A_286, %dma_wait3A_284, %dma_wait3A_287, %dma_wait3A_288] : memref<200x8x8x8x128xf32, #tpu.memory_space<hbm>> -> memref<2x8x1x8x128xf32, #tpu.memory_space<hbm>>
          %dma_wait3A_290 = tpu.memref_squeeze %dma_wait3A_289 : memref<2x8x1x8x128xf32, #tpu.memory_space<hbm>> -> memref<2x8x8x128xf32, #tpu.memory_space<hbm>>
          %dma_wait3A_291 = arith.constant 0 : i32
          %dma_wait3A_292 = arith.constant 0 : i32
          %dma_wait3A_293 = arith.constant 0 : i32
          %dma_wait3A_294 = arith.constant 0 : i32
          %dma_wait3A_295 = tpu.memref_slice %arg2[%dma_wait3A_291, %dma_wait3A_292, %dma_wait3A_284, %dma_wait3A_293, %dma_wait3A_294] : memref<200x8x8x8x128xf32, #tpu.memory_space<hbm>> -> memref<2x8x1x8x128xf32, #tpu.memory_space<hbm>>
          %dma_wait3A_296 = tpu.memref_squeeze %dma_wait3A_295 : memref<2x8x1x8x128xf32, #tpu.memory_space<hbm>> -> memref<2x8x8x128xf32, #tpu.memory_space<hbm>>
          tpu.wait_dma2 semaphore(%arg26 : memref<!tpu.dma_semaphore, #tpu.memory_space<semaphore_mem>>) src(%dma_wait3A_296 : memref<2x8x8x128xf32, #tpu.memory_space<hbm>>) dst(%arg14 : memref<2x8x8x128xf32, #tpu.memory_space<vmem>>)
        } else {
        }
        %mul3A_271 = arith.constant 2 : i32
        %mul3A_272 = arith.muli %mul3A_271, %add3A_250 : i32
        %add3A_273 = arith.addi %mul3A_32, %mul3A_272 : i32
        %dma_start3A_274 = arith.constant 0 : i32
        %dma_start3A_275 = arith.constant 0 : i32
        %dma_start3A_276 = arith.constant 0 : i32
        %dma_start3A_277 = tpu.memref_slice %arg2[%add3A_273, %dma_start3A_274, %select_n3A_9, %dma_start3A_275, %dma_start3A_276] : memref<200x8x8x8x128xf32, #tpu.memory_space<hbm>> -> memref<2x8x1x8x128xf32, #tpu.memory_space<hbm>>
        %dma_start3A_278 = tpu.memref_squeeze %dma_start3A_277 : memref<2x8x1x8x128xf32, #tpu.memory_space<hbm>> -> memref<2x8x8x128xf32, #tpu.memory_space<hbm>>
        %dma_start3A_279 = arith.constant 0 : i32
        %dma_start3A_280 = arith.constant 0 : i32
        %dma_start3A_281 = arith.constant 0 : i32
        %dma_start3A_282 = tpu.memref_slice %arg2[%add3A_273, %dma_start3A_279, %select_n3A_9, %dma_start3A_280, %dma_start3A_281] : memref<200x8x8x8x128xf32, #tpu.memory_space<hbm>> -> memref<2x8x1x8x128xf32, #tpu.memory_space<hbm>>
        %dma_start3A_283 = tpu.memref_squeeze %dma_start3A_282 : memref<2x8x1x8x128xf32, #tpu.memory_space<hbm>> -> memref<2x8x8x128xf32, #tpu.memory_space<hbm>>
        tpu.enqueue_dma source(%dma_start3A_283 : memref<2x8x8x128xf32, #tpu.memory_space<hbm>>) target(%arg14 : memref<2x8x8x128xf32, #tpu.memory_space<vmem>>) target_semaphore(%arg20 : memref<!tpu.dma_semaphore, #tpu.memory_space<semaphore_mem>>)
      } else {
      }
      %sub3A_256 = arith.constant 3 : i32
      %sub3A_257 = arith.subi %add3A_250, %sub3A_256 : i32
      %ge3A_258 = arith.constant 0 : i32
      %ge3A_259 = arith.cmpi sge, %sub3A_257, %ge3A_258 : i32
      %lt3A_260 = arith.constant 25 : i32
      %lt3A_261 = arith.cmpi slt, %sub3A_257, %lt3A_260 : i32
      %and3A_262 = arith.andi %ge3A_259, %lt3A_261 : i1
      %convert_element_type3A_263 = arith.extui %and3A_262 : i1 to i32
      %cond3A_264 = arith.constant 0 : i32
      %cond3A_265 = arith.cmpi ne, %convert_element_type3A_263, %cond3A_264 : i32
      scf.if %cond3A_265 {
        %dma_wait3A_266 = arith.constant 0 : i32
        %dma_wait3A_267 = arith.constant 0 : i32
        %dma_wait3A_268 = arith.constant 0 : i32
        %dma_wait3A_269 = arith.constant 0 : i32
        %dma_wait3A_270 = arith.constant 0 : i32
        %dma_wait3A_271 = tpu.memref_slice %arg2[%dma_wait3A_267, %dma_wait3A_268, %dma_wait3A_266, %dma_wait3A_269, %dma_wait3A_270] : memref<200x8x8x8x128xf32, #tpu.memory_space<hbm>> -> memref<2x8x1x8x128xf32, #tpu.memory_space<hbm>>
        %dma_wait3A_272 = tpu.memref_squeeze %dma_wait3A_271 : memref<2x8x1x8x128xf32, #tpu.memory_space<hbm>> -> memref<2x8x8x128xf32, #tpu.memory_space<hbm>>
        %dma_wait3A_273 = arith.constant 0 : i32
        %dma_wait3A_274 = arith.constant 0 : i32
        %dma_wait3A_275 = arith.constant 0 : i32
        %dma_wait3A_276 = arith.constant 0 : i32
        %dma_wait3A_277 = tpu.memref_slice %arg2[%dma_wait3A_273, %dma_wait3A_274, %dma_wait3A_266, %dma_wait3A_275, %dma_wait3A_276] : memref<200x8x8x8x128xf32, #tpu.memory_space<hbm>> -> memref<2x8x1x8x128xf32, #tpu.memory_space<hbm>>
        %dma_wait3A_278 = tpu.memref_squeeze %dma_wait3A_277 : memref<2x8x1x8x128xf32, #tpu.memory_space<hbm>> -> memref<2x8x8x128xf32, #tpu.memory_space<hbm>>
        tpu.wait_dma2 semaphore(%arg17 : memref<!tpu.dma_semaphore, #tpu.memory_space<semaphore_mem>>) src(%dma_wait3A_278 : memref<2x8x8x128xf32, #tpu.memory_space<hbm>>) dst(%arg11 : memref<2x8x8x128xf32, #tpu.memory_space<vmem>>)
        %mul3A_279 = arith.constant 2 : i32
        %mul3A_280 = arith.muli %mul3A_279, %sub3A_257 : i32
        %add3A_281 = arith.addi %mul3A_32, %mul3A_280 : i32
        %add3A_282 = arith.constant 0 : i32
        %add3A_283 = arith.addi %add3A_281, %add3A_282 : i32
        %mul3A_284 = arith.constant 8 : i32
        %mul3A_285 = arith.muli %select_n3A_56, %mul3A_284 : i32
        %sub3A_286 = arith.subi %add3A_283, %mul3A_285 : i32
        %scan3A_287 = arith.constant 0 : i32
        %scan3A_288 = arith.constant 0 : i32
        %scan3A_289 = arith.constant 8 : i32
        %scan3A_290 = arith.addi %scan3A_288, %scan3A_289 : i32
        %scan3A_291 = arith.constant 1 : i32
        scf.for %scan3A_320 = %scan3A_288 to %scan3A_290 step %scan3A_291  : i32 {
          %mul3A_321 = arith.constant 16 : i32
          %mul3A_322 = arith.muli %scan3A_320, %mul3A_321 : i32
          %jit3A_323 = arith.constant 8 : i32
          %div3A_324 = arith.divsi %sub3A_286, %jit3A_323 : i32
          %sign3A_325 = arith.constant 0 : i32
          %sign3A_326 = arith.cmpi sgt, %sub3A_286, %sign3A_325 : i32
          %sign3A_327 = arith.extui %sign3A_326 : i1 to i32
          %sign3A_328 = arith.constant 0 : i32
          %sign3A_329 = arith.cmpi slt, %sub3A_286, %sign3A_328 : i32
          %sign3A_330 = arith.extui %sign3A_329 : i1 to i32
          %sign3A_331 = arith.subi %sign3A_327, %sign3A_330 : i32
          %sign3A_332 = arith.constant 0 : i32
          %sign3A_333 = arith.cmpi sgt, %jit3A_323, %sign3A_332 : i32
          %sign3A_334 = arith.extui %sign3A_333 : i1 to i32
          %sign3A_335 = arith.constant 0 : i32
          %sign3A_336 = arith.cmpi slt, %jit3A_323, %sign3A_335 : i32
          %sign3A_337 = arith.extui %sign3A_336 : i1 to i32
          %sign3A_338 = arith.subi %sign3A_334, %sign3A_337 : i32
          %ne3A_339 = arith.cmpi ne, %sign3A_331, %sign3A_338 : i32
          %rem3A_340 = arith.remsi %sub3A_286, %jit3A_323 : i32
          %ne3A_341 = arith.constant 0 : i32
          %ne3A_342 = arith.cmpi ne, %rem3A_340, %ne3A_341 : i32
          %and3A_343 = arith.andi %ne3A_339, %ne3A_342 : i1
          %sub3A_344 = arith.constant 1 : i32
          %sub3A_345 = arith.subi %div3A_324, %sub3A_344 : i32
          %select_n3A_346 = arith.select %and3A_343, %sub3A_345, %div3A_324 : i32
          %jit3A_347 = arith.constant 8 : i32
          %eq3A_348 = arith.constant 0 : i32
          %eq3A_349 = arith.cmpi eq, %jit3A_347, %eq3A_348 : i32
          %jit3A_350 = arith.constant 1 : i32
          %select_n3A_351 = arith.select %eq3A_349, %jit3A_350, %jit3A_347 : i32
          %rem3A_352 = arith.remsi %sub3A_286, %select_n3A_351 : i32
          %ne3A_353 = arith.constant 0 : i32
          %ne3A_354 = arith.cmpi ne, %rem3A_352, %ne3A_353 : i32
          %lt3A_355 = arith.constant 0 : i32
          %lt3A_356 = arith.cmpi slt, %rem3A_352, %lt3A_355 : i32
          %lt3A_357 = arith.constant 0 : i32
          %lt3A_358 = arith.cmpi slt, %select_n3A_351, %lt3A_357 : i32
          %ne3A_359 = arith.xori %lt3A_356, %lt3A_358 : i1
          %and3A_360 = arith.andi %ne3A_359, %ne3A_354 : i1
          %add3A_361 = arith.addi %rem3A_352, %select_n3A_351 : i32
          %select_n3A_362 = arith.select %and3A_360, %add3A_361, %rem3A_352 : i32
          %get3A = arith.index_cast %select_n3A_346 : i32 to index
          %get3A_363 = arith.index_cast %select_n3A_362 : i32 to index
          %get3A_364 = arith.index_cast %mul3A_322 : i32 to index
          %get3A_365 = tpu.vector_load %arg7[%get3A, %get3A_363, %get3A_364] {strides = array<i32>} : memref<7x8x128xi32, #tpu.memory_space<vmem>>, vector<16xi32>,
          %parallel_loop3A = arith.constant 0 : i32
          %parallel_loop3A_366 = arith.constant 64 : i32
          %parallel_loop3A_367 = arith.constant 1 : i32
          scf.for %parallel_loop3A_368 = %parallel_loop3A to %parallel_loop3A_366 step %parallel_loop3A_367  : i32 {
            %parallel_loop3A_369 = arith.constant 200 : i32
            %parallel_loop3A_370 = arith.muli %parallel_loop3A_368, %parallel_loop3A_369 : i32
            %parallel_loop3A_371 = vector.broadcast %parallel_loop3A_370 : i32 to vector<16xi32>
            %parallel_loop3A_372 = arith.addi %get3A_365, %parallel_loop3A_371 : vector<16xi32>
            %parallel_loop3A_373 = tpu.vector_load_idx %arg6[%parallel_loop3A_372] : memref<12800xf32, #tpu.memory_space<vmem>>[vector<16xi32>], vector<16xf32>,
            %parallel_loop3A_374 = arith.constant 8 : i32
            %parallel_loop3A_375 = arith.divsi %parallel_loop3A_368, %parallel_loop3A_374 : i32
            %parallel_loop3A_376 = arith.constant 0 : i32
            %parallel_loop3A_377 = arith.cmpi sgt, %parallel_loop3A_368, %parallel_loop3A_376 : i32
            %parallel_loop3A_378 = arith.extui %parallel_loop3A_377 : i1 to i32
            %parallel_loop3A_379 = arith.constant 0 : i32
            %parallel_loop3A_380 = arith.cmpi slt, %parallel_loop3A_368, %parallel_loop3A_379 : i32
            %parallel_loop3A_381 = arith.extui %parallel_loop3A_380 : i1 to i32
            %parallel_loop3A_382 = arith.subi %parallel_loop3A_378, %parallel_loop3A_381 : i32
            %parallel_loop3A_383 = arith.constant 0 : i32
            %parallel_loop3A_384 = arith.cmpi sgt, %parallel_loop3A_374, %parallel_loop3A_383 : i32
            %parallel_loop3A_385 = arith.extui %parallel_loop3A_384 : i1 to i32
            %parallel_loop3A_386 = arith.constant 0 : i32
            %parallel_loop3A_387 = arith.cmpi slt, %parallel_loop3A_374, %parallel_loop3A_386 : i32
            %parallel_loop3A_388 = arith.extui %parallel_loop3A_387 : i1 to i32
            %parallel_loop3A_389 = arith.subi %parallel_loop3A_385, %parallel_loop3A_388 : i32
            %parallel_loop3A_390 = arith.cmpi ne, %parallel_loop3A_382, %parallel_loop3A_389 : i32
            %parallel_loop3A_391 = arith.remsi %parallel_loop3A_368, %parallel_loop3A_374 : i32
            %parallel_loop3A_392 = arith.constant 0 : i32
            %parallel_loop3A_393 = arith.cmpi ne, %parallel_loop3A_391, %parallel_loop3A_392 : i32
            %parallel_loop3A_394 = arith.andi %parallel_loop3A_390, %parallel_loop3A_393 : i1
            %parallel_loop3A_395 = arith.constant 1 : i32
            %parallel_loop3A_396 = arith.subi %parallel_loop3A_375, %parallel_loop3A_395 : i32
            %parallel_loop3A_397 = arith.select %parallel_loop3A_394, %parallel_loop3A_396, %parallel_loop3A_375 : i32
            %parallel_loop3A_398 = arith.constant 8 : i32
            %parallel_loop3A_399 = arith.constant 0 : i32
            %parallel_loop3A_400 = arith.cmpi eq, %parallel_loop3A_398, %parallel_loop3A_399 : i32
            %parallel_loop3A_401 = arith.constant 1 : i32
            %parallel_loop3A_402 = arith.select %parallel_loop3A_400, %parallel_loop3A_401, %parallel_loop3A_398 : i32
            %parallel_loop3A_403 = arith.remsi %parallel_loop3A_368, %parallel_loop3A_402 : i32
            %parallel_loop3A_404 = arith.constant 0 : i32
            %parallel_loop3A_405 = arith.cmpi ne, %parallel_loop3A_403, %parallel_loop3A_404 : i32
            %parallel_loop3A_406 = arith.constant 0 : i32
            %parallel_loop3A_407 = arith.cmpi slt, %parallel_loop3A_403, %parallel_loop3A_406 : i32
            %parallel_loop3A_408 = arith.constant 0 : i32
            %parallel_loop3A_409 = arith.cmpi slt, %parallel_loop3A_402, %parallel_loop3A_408 : i32
            %parallel_loop3A_410 = arith.xori %parallel_loop3A_407, %parallel_loop3A_409 : i1
            %parallel_loop3A_411 = arith.andi %parallel_loop3A_410, %parallel_loop3A_405 : i1
            %parallel_loop3A_412 = arith.addi %parallel_loop3A_403, %parallel_loop3A_402 : i32
            %parallel_loop3A_413 = arith.select %parallel_loop3A_411, %parallel_loop3A_412, %parallel_loop3A_403 : i32
            %parallel_loop3A_414 = arith.constant 0 : i32
            %parallel_loop3A_415 = arith.index_cast %parallel_loop3A_414 : i32 to index
            %parallel_loop3A_416 = arith.index_cast %parallel_loop3A_397 : i32 to index
            %parallel_loop3A_417 = arith.index_cast %parallel_loop3A_413 : i32 to index
            %parallel_loop3A_418 = arith.index_cast %mul3A_322 : i32 to index
            %parallel_loop3A_419 = tpu.vector_load %arg11[%parallel_loop3A_415, %parallel_loop3A_416, %parallel_loop3A_417, %parallel_loop3A_418] {strides = array<i32>} : memref<2x8x8x128xf32, #tpu.memory_space<vmem>>, vector<16xf32>,
            tpu.vector_store %arg11[%parallel_loop3A_415, %parallel_loop3A_416, %parallel_loop3A_417, %parallel_loop3A_418], %parallel_loop3A_373 {add = true, strides = array<i32>} : memref<2x8x8x128xf32, #tpu.memory_space<vmem>>, vector<16xf32>,
          } {sc.loop_unroll_factor = 16 : i64, sc.parallel_access}
        }
        %scan3A_292 = arith.constant 8 : i32
        %mul3A_293 = arith.constant 2 : i32
        %mul3A_294 = arith.muli %mul3A_293, %sub3A_257 : i32
        %add3A_295 = arith.addi %mul3A_32, %mul3A_294 : i32
        %add3A_296 = arith.constant 1 : i32
        %add3A_297 = arith.addi %add3A_295, %add3A_296 : i32
        %mul3A_298 = arith.constant 8 : i32
        %mul3A_299 = arith.muli %select_n3A_56, %mul3A_298 : i32
        %sub3A_300 = arith.subi %add3A_297, %mul3A_299 : i32
        %scan3A_301 = arith.constant 0 : i32
        %scan3A_302 = arith.constant 0 : i32
        %scan3A_303 = arith.constant 8 : i32
        %scan3A_304 = arith.addi %scan3A_302, %scan3A_303 : i32
        %scan3A_305 = arith.constant 1 : i32
        scf.for %scan3A_320 = %scan3A_302 to %scan3A_304 step %scan3A_305  : i32 {
          %mul3A_321 = arith.constant 16 : i32
          %mul3A_322 = arith.muli %scan3A_320, %mul3A_321 : i32
          %jit3A_323 = arith.constant 8 : i32
          %div3A_324 = arith.divsi %sub3A_300, %jit3A_323 : i32
          %sign3A_325 = arith.constant 0 : i32
          %sign3A_326 = arith.cmpi sgt, %sub3A_300, %sign3A_325 : i32
          %sign3A_327 = arith.extui %sign3A_326 : i1 to i32
          %sign3A_328 = arith.constant 0 : i32
          %sign3A_329 = arith.cmpi slt, %sub3A_300, %sign3A_328 : i32
          %sign3A_330 = arith.extui %sign3A_329 : i1 to i32
          %sign3A_331 = arith.subi %sign3A_327, %sign3A_330 : i32
          %sign3A_332 = arith.constant 0 : i32
          %sign3A_333 = arith.cmpi sgt, %jit3A_323, %sign3A_332 : i32
          %sign3A_334 = arith.extui %sign3A_333 : i1 to i32
          %sign3A_335 = arith.constant 0 : i32
          %sign3A_336 = arith.cmpi slt, %jit3A_323, %sign3A_335 : i32
          %sign3A_337 = arith.extui %sign3A_336 : i1 to i32
          %sign3A_338 = arith.subi %sign3A_334, %sign3A_337 : i32
          %ne3A_339 = arith.cmpi ne, %sign3A_331, %sign3A_338 : i32
          %rem3A_340 = arith.remsi %sub3A_300, %jit3A_323 : i32
          %ne3A_341 = arith.constant 0 : i32
          %ne3A_342 = arith.cmpi ne, %rem3A_340, %ne3A_341 : i32
          %and3A_343 = arith.andi %ne3A_339, %ne3A_342 : i1
          %sub3A_344 = arith.constant 1 : i32
          %sub3A_345 = arith.subi %div3A_324, %sub3A_344 : i32
          %select_n3A_346 = arith.select %and3A_343, %sub3A_345, %div3A_324 : i32
          %jit3A_347 = arith.constant 8 : i32
          %eq3A_348 = arith.constant 0 : i32
          %eq3A_349 = arith.cmpi eq, %jit3A_347, %eq3A_348 : i32
          %jit3A_350 = arith.constant 1 : i32
          %select_n3A_351 = arith.select %eq3A_349, %jit3A_350, %jit3A_347 : i32
          %rem3A_352 = arith.remsi %sub3A_300, %select_n3A_351 : i32
          %ne3A_353 = arith.constant 0 : i32
          %ne3A_354 = arith.cmpi ne, %rem3A_352, %ne3A_353 : i32
          %lt3A_355 = arith.constant 0 : i32
          %lt3A_356 = arith.cmpi slt, %rem3A_352, %lt3A_355 : i32
          %lt3A_357 = arith.constant 0 : i32
          %lt3A_358 = arith.cmpi slt, %select_n3A_351, %lt3A_357 : i32
          %ne3A_359 = arith.xori %lt3A_356, %lt3A_358 : i1
          %and3A_360 = arith.andi %ne3A_359, %ne3A_354 : i1
          %add3A_361 = arith.addi %rem3A_352, %select_n3A_351 : i32
          %select_n3A_362 = arith.select %and3A_360, %add3A_361, %rem3A_352 : i32
          %get3A = arith.index_cast %select_n3A_346 : i32 to index
          %get3A_363 = arith.index_cast %select_n3A_362 : i32 to index
          %get3A_364 = arith.index_cast %mul3A_322 : i32 to index
          %get3A_365 = tpu.vector_load %arg7[%get3A, %get3A_363, %get3A_364] {strides = array<i32>} : memref<7x8x128xi32, #tpu.memory_space<vmem>>, vector<16xi32>,
          %parallel_loop3A = arith.constant 0 : i32
          %parallel_loop3A_366 = arith.constant 64 : i32
          %parallel_loop3A_367 = arith.constant 1 : i32
          scf.for %parallel_loop3A_368 = %parallel_loop3A to %parallel_loop3A_366 step %parallel_loop3A_367  : i32 {
            %parallel_loop3A_369 = arith.constant 200 : i32
            %parallel_loop3A_370 = arith.muli %parallel_loop3A_368, %parallel_loop3A_369 : i32
            %parallel_loop3A_371 = vector.broadcast %parallel_loop3A_370 : i32 to vector<16xi32>
            %parallel_loop3A_372 = arith.addi %get3A_365, %parallel_loop3A_371 : vector<16xi32>
            %parallel_loop3A_373 = tpu.vector_load_idx %arg6[%parallel_loop3A_372] : memref<12800xf32, #tpu.memory_space<vmem>>[vector<16xi32>], vector<16xf32>,
            %parallel_loop3A_374 = arith.constant 8 : i32
            %parallel_loop3A_375 = arith.divsi %parallel_loop3A_368, %parallel_loop3A_374 : i32
            %parallel_loop3A_376 = arith.constant 0 : i32
            %parallel_loop3A_377 = arith.cmpi sgt, %parallel_loop3A_368, %parallel_loop3A_376 : i32
            %parallel_loop3A_378 = arith.extui %parallel_loop3A_377 : i1 to i32
            %parallel_loop3A_379 = arith.constant 0 : i32
            %parallel_loop3A_380 = arith.cmpi slt, %parallel_loop3A_368, %parallel_loop3A_379 : i32
            %parallel_loop3A_381 = arith.extui %parallel_loop3A_380 : i1 to i32
            %parallel_loop3A_382 = arith.subi %parallel_loop3A_378, %parallel_loop3A_381 : i32
            %parallel_loop3A_383 = arith.constant 0 : i32
            %parallel_loop3A_384 = arith.cmpi sgt, %parallel_loop3A_374, %parallel_loop3A_383 : i32
            %parallel_loop3A_385 = arith.extui %parallel_loop3A_384 : i1 to i32
            %parallel_loop3A_386 = arith.constant 0 : i32
            %parallel_loop3A_387 = arith.cmpi slt, %parallel_loop3A_374, %parallel_loop3A_386 : i32
            %parallel_loop3A_388 = arith.extui %parallel_loop3A_387 : i1 to i32
            %parallel_loop3A_389 = arith.subi %parallel_loop3A_385, %parallel_loop3A_388 : i32
            %parallel_loop3A_390 = arith.cmpi ne, %parallel_loop3A_382, %parallel_loop3A_389 : i32
            %parallel_loop3A_391 = arith.remsi %parallel_loop3A_368, %parallel_loop3A_374 : i32
            %parallel_loop3A_392 = arith.constant 0 : i32
            %parallel_loop3A_393 = arith.cmpi ne, %parallel_loop3A_391, %parallel_loop3A_392 : i32
            %parallel_loop3A_394 = arith.andi %parallel_loop3A_390, %parallel_loop3A_393 : i1
            %parallel_loop3A_395 = arith.constant 1 : i32
            %parallel_loop3A_396 = arith.subi %parallel_loop3A_375, %parallel_loop3A_395 : i32
            %parallel_loop3A_397 = arith.select %parallel_loop3A_394, %parallel_loop3A_396, %parallel_loop3A_375 : i32
            %parallel_loop3A_398 = arith.constant 8 : i32
            %parallel_loop3A_399 = arith.constant 0 : i32
            %parallel_loop3A_400 = arith.cmpi eq, %parallel_loop3A_398, %parallel_loop3A_399 : i32
            %parallel_loop3A_401 = arith.constant 1 : i32
            %parallel_loop3A_402 = arith.select %parallel_loop3A_400, %parallel_loop3A_401, %parallel_loop3A_398 : i32
            %parallel_loop3A_403 = arith.remsi %parallel_loop3A_368, %parallel_loop3A_402 : i32
            %parallel_loop3A_404 = arith.constant 0 : i32
            %parallel_loop3A_405 = arith.cmpi ne, %parallel_loop3A_403, %parallel_loop3A_404 : i32
            %parallel_loop3A_406 = arith.constant 0 : i32
            %parallel_loop3A_407 = arith.cmpi slt, %parallel_loop3A_403, %parallel_loop3A_406 : i32
            %parallel_loop3A_408 = arith.constant 0 : i32
            %parallel_loop3A_409 = arith.cmpi slt, %parallel_loop3A_402, %parallel_loop3A_408 : i32
            %parallel_loop3A_410 = arith.xori %parallel_loop3A_407, %parallel_loop3A_409 : i1
            %parallel_loop3A_411 = arith.andi %parallel_loop3A_410, %parallel_loop3A_405 : i1
            %parallel_loop3A_412 = arith.addi %parallel_loop3A_403, %parallel_loop3A_402 : i32
            %parallel_loop3A_413 = arith.select %parallel_loop3A_411, %parallel_loop3A_412, %parallel_loop3A_403 : i32
            %parallel_loop3A_414 = arith.constant 1 : i32
            %parallel_loop3A_415 = arith.index_cast %parallel_loop3A_414 : i32 to index
            %parallel_loop3A_416 = arith.index_cast %parallel_loop3A_397 : i32 to index
            %parallel_loop3A_417 = arith.index_cast %parallel_loop3A_413 : i32 to index
            %parallel_loop3A_418 = arith.index_cast %mul3A_322 : i32 to index
            %parallel_loop3A_419 = tpu.vector_load %arg11[%parallel_loop3A_415, %parallel_loop3A_416, %parallel_loop3A_417, %parallel_loop3A_418] {strides = array<i32>} : memref<2x8x8x128xf32, #tpu.memory_space<vmem>>, vector<16xf32>,
            tpu.vector_store %arg11[%parallel_loop3A_415, %parallel_loop3A_416, %parallel_loop3A_417, %parallel_loop3A_418], %parallel_loop3A_373 {add = true, strides = array<i32>} : memref<2x8x8x128xf32, #tpu.memory_space<vmem>>, vector<16xf32>,
          } {sc.loop_unroll_factor = 16 : i64, sc.parallel_access}
        }
        %scan3A_306 = arith.constant 8 : i32
        %mul3A_307 = arith.constant 2 : i32
        %mul3A_308 = arith.muli %mul3A_307, %sub3A_257 : i32
        %add3A_309 = arith.addi %mul3A_32, %mul3A_308 : i32
        %dma_start3A_310 = arith.constant 0 : i32
        %dma_start3A_311 = arith.constant 0 : i32
        %dma_start3A_312 = arith.constant 0 : i32
        %dma_start3A_313 = tpu.memref_slice %arg5[%add3A_309, %dma_start3A_310, %select_n3A_9, %dma_start3A_311, %dma_start3A_312] : memref<200x8x8x8x128xf32, #tpu.memory_space<hbm>> -> memref<2x8x1x8x128xf32, #tpu.memory_space<hbm>>
        %dma_start3A_314 = tpu.memref_squeeze %dma_start3A_313 : memref<2x8x1x8x128xf32, #tpu.memory_space<hbm>> -> memref<2x8x8x128xf32, #tpu.memory_space<hbm>>
        %dma_start3A_315 = arith.constant 0 : i32
        %dma_start3A_316 = arith.constant 0 : i32
        %dma_start3A_317 = arith.constant 0 : i32
        %dma_start3A_318 = tpu.memref_slice %arg5[%add3A_309, %dma_start3A_315, %select_n3A_9, %dma_start3A_316, %dma_start3A_317] : memref<200x8x8x8x128xf32, #tpu.memory_space<hbm>> -> memref<2x8x1x8x128xf32, #tpu.memory_space<hbm>>
        %dma_start3A_319 = tpu.memref_squeeze %dma_start3A_318 : memref<2x8x1x8x128xf32, #tpu.memory_space<hbm>> -> memref<2x8x8x128xf32, #tpu.memory_space<hbm>>
        tpu.enqueue_dma source(%arg11 : memref<2x8x8x128xf32, #tpu.memory_space<vmem>>) target(%dma_start3A_319 : memref<2x8x8x128xf32, #tpu.memory_space<hbm>>) target_semaphore(%arg23 : memref<!tpu.dma_semaphore, #tpu.memory_space<semaphore_mem>>)
      } else {
      }
    }
    %scan3A_75 = arith.constant 5 : i32
    %dma_wait3A_76 = arith.constant 0 : i32
    %dma_wait3A_77 = arith.constant 0 : i32
    %dma_wait3A_78 = arith.constant 0 : i32
    %dma_wait3A_79 = arith.constant 0 : i32
    %dma_wait3A_80 = arith.constant 0 : i32
    %dma_wait3A_81 = tpu.memref_slice %arg2[%dma_wait3A_77, %dma_wait3A_78, %dma_wait3A_76, %dma_wait3A_79, %dma_wait3A_80] : memref<200x8x8x8x128xf32, #tpu.memory_space<hbm>> -> memref<2x8x1x8x128xf32, #tpu.memory_space<hbm>>
    %dma_wait3A_82 = tpu.memref_squeeze %dma_wait3A_81 : memref<2x8x1x8x128xf32, #tpu.memory_space<hbm>> -> memref<2x8x8x128xf32, #tpu.memory_space<hbm>>
    %dma_wait3A_83 = arith.constant 0 : i32
    %dma_wait3A_84 = arith.constant 0 : i32
    %dma_wait3A_85 = arith.constant 0 : i32
    %dma_wait3A_86 = arith.constant 0 : i32
    %dma_wait3A_87 = tpu.memref_slice %arg2[%dma_wait3A_83, %dma_wait3A_84, %dma_wait3A_76, %dma_wait3A_85, %dma_wait3A_86] : memref<200x8x8x8x128xf32, #tpu.memory_space<hbm>> -> memref<2x8x1x8x128xf32, #tpu.memory_space<hbm>>
    %dma_wait3A_88 = tpu.memref_squeeze %dma_wait3A_87 : memref<2x8x1x8x128xf32, #tpu.memory_space<hbm>> -> memref<2x8x8x128xf32, #tpu.memory_space<hbm>>
    tpu.wait_dma2 semaphore(%arg21 : memref<!tpu.dma_semaphore, #tpu.memory_space<semaphore_mem>>) src(%dma_wait3A_88 : memref<2x8x8x128xf32, #tpu.memory_space<hbm>>) dst(%arg9 : memref<2x8x8x128xf32, #tpu.memory_space<vmem>>)
    %dma_wait3A_89 = arith.constant 0 : i32
    %dma_wait3A_90 = arith.constant 0 : i32
    %dma_wait3A_91 = arith.constant 0 : i32
    %dma_wait3A_92 = arith.constant 0 : i32
    %dma_wait3A_93 = arith.constant 0 : i32
    %dma_wait3A_94 = tpu.memref_slice %arg2[%dma_wait3A_90, %dma_wait3A_91, %dma_wait3A_89, %dma_wait3A_92, %dma_wait3A_93] : memref<200x8x8x8x128xf32, #tpu.memory_space<hbm>> -> memref<2x8x1x8x128xf32, #tpu.memory_space<hbm>>
    %dma_wait3A_95 = tpu.memref_squeeze %dma_wait3A_94 : memref<2x8x1x8x128xf32, #tpu.memory_space<hbm>> -> memref<2x8x8x128xf32, #tpu.memory_space<hbm>>
    %dma_wait3A_96 = arith.constant 0 : i32
    %dma_wait3A_97 = arith.constant 0 : i32
    %dma_wait3A_98 = arith.constant 0 : i32
    %dma_wait3A_99 = arith.constant 0 : i32
    %dma_wait3A_100 = tpu.memref_slice %arg2[%dma_wait3A_96, %dma_wait3A_97, %dma_wait3A_89, %dma_wait3A_98, %dma_wait3A_99] : memref<200x8x8x8x128xf32, #tpu.memory_space<hbm>> -> memref<2x8x1x8x128xf32, #tpu.memory_space<hbm>>
    %dma_wait3A_101 = tpu.memref_squeeze %dma_wait3A_100 : memref<2x8x1x8x128xf32, #tpu.memory_space<hbm>> -> memref<2x8x8x128xf32, #tpu.memory_space<hbm>>
    tpu.wait_dma2 semaphore(%arg22 : memref<!tpu.dma_semaphore, #tpu.memory_space<semaphore_mem>>) src(%dma_wait3A_101 : memref<2x8x8x128xf32, #tpu.memory_space<hbm>>) dst(%arg10 : memref<2x8x8x128xf32, #tpu.memory_space<vmem>>)
    %dma_wait3A_102 = arith.constant 0 : i32
    %dma_wait3A_103 = arith.constant 0 : i32
    %dma_wait3A_104 = arith.constant 0 : i32
    %dma_wait3A_105 = arith.constant 0 : i32
    %dma_wait3A_106 = arith.constant 0 : i32
    %dma_wait3A_107 = tpu.memref_slice %arg2[%dma_wait3A_103, %dma_wait3A_104, %dma_wait3A_102, %dma_wait3A_105, %dma_wait3A_106] : memref<200x8x8x8x128xf32, #tpu.memory_space<hbm>> -> memref<2x8x1x8x128xf32, #tpu.memory_space<hbm>>
    %dma_wait3A_108 = tpu.memref_squeeze %dma_wait3A_107 : memref<2x8x1x8x128xf32, #tpu.memory_space<hbm>> -> memref<2x8x8x128xf32, #tpu.memory_space<hbm>>
    %dma_wait3A_109 = arith.constant 0 : i32
    %dma_wait3A_110 = arith.constant 0 : i32
    %dma_wait3A_111 = arith.constant 0 : i32
    %dma_wait3A_112 = arith.constant 0 : i32
    %dma_wait3A_113 = tpu.memref_slice %arg2[%dma_wait3A_109, %dma_wait3A_110, %dma_wait3A_102, %dma_wait3A_111, %dma_wait3A_112] : memref<200x8x8x8x128xf32, #tpu.memory_space<hbm>> -> memref<2x8x1x8x128xf32, #tpu.memory_space<hbm>>
    %dma_wait3A_114 = tpu.memref_squeeze %dma_wait3A_113 : memref<2x8x1x8x128xf32, #tpu.memory_space<hbm>> -> memref<2x8x8x128xf32, #tpu.memory_space<hbm>>
    tpu.wait_dma2 semaphore(%arg23 : memref<!tpu.dma_semaphore, #tpu.memory_space<semaphore_mem>>) src(%dma_wait3A_114 : memref<2x8x8x128xf32, #tpu.memory_space<hbm>>) dst(%arg11 : memref<2x8x8x128xf32, #tpu.memory_space<vmem>>)
    %dma_wait3A_115 = arith.constant 0 : i32
    %dma_wait3A_116 = arith.constant 0 : i32
    %dma_wait3A_117 = arith.constant 0 : i32
    %dma_wait3A_118 = arith.constant 0 : i32
    %dma_wait3A_119 = arith.constant 0 : i32
    %dma_wait3A_120 = tpu.memref_slice %arg2[%dma_wait3A_116, %dma_wait3A_117, %dma_wait3A_115, %dma_wait3A_118, %dma_wait3A_119] : memref<200x8x8x8x128xf32, #tpu.memory_space<hbm>> -> memref<2x8x1x8x128xf32, #tpu.memory_space<hbm>>
    %dma_wait3A_121 = tpu.memref_squeeze %dma_wait3A_120 : memref<2x8x1x8x128xf32, #tpu.memory_space<hbm>> -> memref<2x8x8x128xf32, #tpu.memory_space<hbm>>
    %dma_wait3A_122 = arith.constant 0 : i32
    %dma_wait3A_123 = arith.constant 0 : i32
    %dma_wait3A_124 = arith.constant 0 : i32
    %dma_wait3A_125 = arith.constant 0 : i32
    %dma_wait3A_126 = tpu.memref_slice %arg2[%dma_wait3A_122, %dma_wait3A_123, %dma_wait3A_115, %dma_wait3A_124, %dma_wait3A_125] : memref<200x8x8x8x128xf32, #tpu.memory_space<hbm>> -> memref<2x8x1x8x128xf32, #tpu.memory_space<hbm>>
    %dma_wait3A_127 = tpu.memref_squeeze %dma_wait3A_126 : memref<2x8x1x8x128xf32, #tpu.memory_space<hbm>> -> memref<2x8x8x128xf32, #tpu.memory_space<hbm>>
    tpu.wait_dma2 semaphore(%arg24 : memref<!tpu.dma_semaphore, #tpu.memory_space<semaphore_mem>>) src(%dma_wait3A_127 : memref<2x8x8x128xf32, #tpu.memory_space<hbm>>) dst(%arg12 : memref<2x8x8x128xf32, #tpu.memory_space<vmem>>)
    %dma_wait3A_128 = arith.constant 0 : i32
    %dma_wait3A_129 = arith.constant 0 : i32
    %dma_wait3A_130 = arith.constant 0 : i32
    %dma_wait3A_131 = arith.constant 0 : i32
    %dma_wait3A_132 = arith.constant 0 : i32
    %dma_wait3A_133 = tpu.memref_slice %arg2[%dma_wait3A_129, %dma_wait3A_130, %dma_wait3A_128, %dma_wait3A_131, %dma_wait3A_132] : memref<200x8x8x8x128xf32, #tpu.memory_space<hbm>> -> memref<2x8x1x8x128xf32, #tpu.memory_space<hbm>>
    %dma_wait3A_134 = tpu.memref_squeeze %dma_wait3A_133 : memref<2x8x1x8x128xf32, #tpu.memory_space<hbm>> -> memref<2x8x8x128xf32, #tpu.memory_space<hbm>>
    %dma_wait3A_135 = arith.constant 0 : i32
    %dma_wait3A_136 = arith.constant 0 : i32
    %dma_wait3A_137 = arith.constant 0 : i32
    %dma_wait3A_138 = arith.constant 0 : i32
    %dma_wait3A_139 = tpu.memref_slice %arg2[%dma_wait3A_135, %dma_wait3A_136, %dma_wait3A_128, %dma_wait3A_137, %dma_wait3A_138] : memref<200x8x8x8x128xf32, #tpu.memory_space<hbm>> -> memref<2x8x1x8x128xf32, #tpu.memory_space<hbm>>
    %dma_wait3A_140 = tpu.memref_squeeze %dma_wait3A_139 : memref<2x8x1x8x128xf32, #tpu.memory_space<hbm>> -> memref<2x8x8x128xf32, #tpu.memory_space<hbm>>
    tpu.wait_dma2 semaphore(%arg25 : memref<!tpu.dma_semaphore, #tpu.memory_space<semaphore_mem>>) src(%dma_wait3A_140 : memref<2x8x8x128xf32, #tpu.memory_space<hbm>>) dst(%arg13 : memref<2x8x8x128xf32, #tpu.memory_space<vmem>>)
    %dma_wait3A_141 = arith.constant 0 : i32
    %dma_wait3A_142 = arith.constant 0 : i32
    %dma_wait3A_143 = arith.constant 0 : i32
    %dma_wait3A_144 = arith.constant 0 : i32
    %dma_wait3A_145 = arith.constant 0 : i32
    %dma_wait3A_146 = tpu.memref_slice %arg2[%dma_wait3A_142, %dma_wait3A_143, %dma_wait3A_141, %dma_wait3A_144, %dma_wait3A_145] : memref<200x8x8x8x128xf32, #tpu.memory_space<hbm>> -> memref<2x8x1x8x128xf32, #tpu.memory_space<hbm>>
    %dma_wait3A_147 = tpu.memref_squeeze %dma_wait3A_146 : memref<2x8x1x8x128xf32, #tpu.memory_space<hbm>> -> memref<2x8x8x128xf32, #tpu.memory_space<hbm>>
    %dma_wait3A_148 = arith.constant 0 : i32
    %dma_wait3A_149 = arith.constant 0 : i32
    %dma_wait3A_150 = arith.constant 0 : i32
    %dma_wait3A_151 = arith.constant 0 : i32
    %dma_wait3A_152 = tpu.memref_slice %arg2[%dma_wait3A_148, %dma_wait3A_149, %dma_wait3A_141, %dma_wait3A_150, %dma_wait3A_151] : memref<200x8x8x8x128xf32, #tpu.memory_space<hbm>> -> memref<2x8x1x8x128xf32, #tpu.memory_space<hbm>>
    %dma_wait3A_153 = tpu.memref_squeeze %dma_wait3A_152 : memref<2x8x1x8x128xf32, #tpu.memory_space<hbm>> -> memref<2x8x8x128xf32, #tpu.memory_space<hbm>>
    tpu.wait_dma2 semaphore(%arg26 : memref<!tpu.dma_semaphore, #tpu.memory_space<semaphore_mem>>) src(%dma_wait3A_153 : memref<2x8x8x128xf32, #tpu.memory_space<hbm>>) dst(%arg14 : memref<2x8x8x128xf32, #tpu.memory_space<vmem>>)
    return
  }
}

</mosaic_0001>

<sc_bundles>
// kernel: kernel.3.cloned.1.call-start
scs
__scs_entry_jumppad:
0x0: {  	(pc) =	sbr.rel $0x88, $3  }
0x1: {  	(tag) =	ssettag $0x0;
	lr =	simm.s32 $0x1  }
0x2: {  	[smem:$0x3F9E] =	sst lr;
	_ =	strace $0xD0000000  }
0x3: {  	_ = 	snop  }
0x4: {  	_ = 	snop  }
0x5: {  	_ = 	snop  }
0x6: {  	_ = 	snop  }
0x7: {  	_ = 	snop  }
__scs_overlays_trampoline_lowered:
0x8: {  	[smem:$0x3FAD] =	sst s0  }
0x9: {  	[smem:$0x3FAE] =	sst s1  }
0xa: {  	[smem:$0x3FAF] =	sst s2  }
0xb: {  	[smem:$0x3FB0] =	sst s3  }
0xc: {  	[smem:$0x3FB1] =	sst s4  }
0xd: {  	[smem:$0x3FB2] =	sst s5  }
0xe: {  	[smem:$0x3FB3] =	sst s6  }
0xf: {  	[smem:$0x3FB4] =	sst s7  }
0x10: {  	[smem:$0x3FB5] =	sst s8  }
0x11: {  	[smem:$0x3FB6] =	sst s9;
	s0 =	simm.s32 @!p0 $0x0  }
0x12: {  	s1 =	sld [smem:$0x3F9C];
	s0 =	simm.s32 @p0 $0x1  }
0x13: {  	[smem:$0x3FB7] =	sst s0;
	s0 =	simm.s32 @!p1 $0x0  }
0x14: {  	s2 =	sld [smem:$0x3F9B];
	s0 =	simm.s32 @p1 $0x1  }
0x15: {  	[smem:$0x3FB8] =	sst s0;
	s0 =	simm.s32 @!p2 $0x0  }
0x16: {  	s3 =	sld [smem:$0x3FDB];
	s0 =	simm.s32 @p2 $0x1  }
0x17: {  	s4 =	simm.s32 $0x1BF5;
	[smem:$0x3FBA] =	sst s0  }
0x18: {  	s0 =	sld [smem:$0x3F9D];
	_ =	swait.ge [sflag:s4], $0x0  }
0x19: {  	s7 =	sld [smem:$0x3F9E]  }
0x1a: {  	s8 =	sadd.s32 $0xFFFFE003, lr  }
0x1b: {  	s9 =	sadd.s32 $0xFFFFFEF7, lr;
	s5 =	simm.s32 $0xFFFFFFFF;
	p2 =	slt.u32 s8, $0xFFFFF086  }
0x1c: {  	p1 =	slt.u32 s9, $0xF7A;
	s5 =	simm.s32 @!p2 $0x0  }
0x1d: {  	s5 =	simm.s32 @p1 $0x1;
	p0 =	seq.s32 s7, s2  }
0x1e: {  	s7 =	smul.u32 @!p0 $0xF7A, s2;
	p2 =	seq.s32 @!p0 s5, $0x0  }
0x1f: {  	s9 =	smul.u32 $0xF7A, s1;
	s8 =	simm.s32 @!p0 $0x1BF5;
	p2 =	por !p2, p0  }
0x20: {  	[sflag:s8] =	ssyncset.s32 @!p0 $0xFFFFF086;
	s6 =	sadd.s32 @!p0 s3, s7;
	s7 =	simm.s32 @!p0 $0x108  }
0x21: {  	s3 =	sadd.s32 s3, s9;
	s6 =	sadd.s32 @!p0 $0x88, s6;
	s7 =	simm.s32 @p2 $0x1082  }
0x22: {  	[simem:s7], [sflag:s8] =	dma.local @!p0 [hbm:s6], $0xF7A  }
0x23: {  	s9 =	sor.u32 $0xD0000000, s2;
	s6 =	simm.s32 $0x108;
	_ =	swait.ge @!p0 [sflag:s8], $0x0  }
0x24: {  	s3 =	sadd.s32 $0x88, s3;
	s6 =	simm.s32 @!p1 $0x1082;
	[sflag:s4] =	ssyncset.s32 $0xFFFFF086  }
0x25: {  	[simem:s6], [sflag:s4] =	dma.local [hbm:s3], $0xF7A  }
0x26: {  	[smem:$0x3F9E] =	sst s1;
	(tag) =	ssettag s2;
	_ =	strace s9  }
0x27: {  	s1 =	sld [smem:$0x3FAE]  }
0x28: {  	s2 =	sld [smem:$0x3FAF]  }
0x29: {  	s4 =	sld [smem:$0x3FB1]  }
0x2a: {  	p0 =	seq.s32 s5, $0x0;
	s5 =	sld [smem:$0x3FB2]  }
0x2b: {  	s6 =	sld [smem:$0x3FB3]  }
0x2c: {  	s7 =	sld [smem:$0x3FB4]  }
0x2d: {  	s3 =	simm.s32 $0x108;
	s8 =	sld [smem:$0x3FB5]  }
0x2e: {  	s3 =	simm.s32 @!p0 $0x1082;
	s9 =	sld [smem:$0x3FB6]  }
0x2f: {  	lr =	sadd.s32 s0, s3;
	s0 =	sld [smem:$0x3FAD]  }
0x30: {  	s3 =	sld [smem:$0x3FB0]  }
0x31: {  	[smem:$0x3FB9] =	sst s10  }
0x32: {  	s10 =	sld [smem:$0x3FB7];
	_ =	sdelay $0x3  }
0x33: {  	p0 =	seq.s32 s10, $0x1;
	s10 =	sld [smem:$0x3FB9];
	_ =	sdelay $0x3  }
0x34: {  	[smem:$0x3FB9] =	sst s10  }
0x35: {  	s10 =	sld [smem:$0x3FB8];
	_ =	sdelay $0x3  }
0x36: {  	p1 =	seq.s32 s10, $0x1;
	s10 =	sld [smem:$0x3FB9];
	_ =	sdelay $0x3  }
0x37: {  	[smem:$0x3FB9] =	sst s10  }
0x38: {  	s10 =	sld [smem:$0x3FBA]  }
0x39: {  	_ = 	snop;
	(pc) =	sbr.ind lr, $3  }
0x3a: {  	_ = 	snop  }
0x3b: {  	_ = 	snop  }
0x3c: {  	p2 =	seq.s32 s10, $0x1;
	s10 =	sld [smem:$0x3FB9]  }
0x3d: {  	_ =	shalt  }
0x3e: {  	_ =	shalt  }
0x3f: {  	_ =	shalt  }
0x40: {  	_ =	shalt  }
0x41: {  	_ =	shalt  }
0x42: {  	_ =	shalt  }
0x43: {  	_ =	shalt  }
0x44: {  	_ =	shalt  }
0x45: {  	_ =	shalt  }
0x46: {  	_ =	shalt  }
0x47: {  	_ =	shalt  }
0x48: {  	_ =	shalt  }
0x49: {  	_ =	shalt  }
0x4a: {  	_ =	shalt  }
0x4b: {  	_ =	shalt  }
0x4c: {  	_ =	shalt  }
0x4d: {  	_ =	shalt  }
0x4e: {  	_ =	shalt  }
0x4f: {  	_ =	shalt  }
0x50: {  	_ =	shalt  }
0x51: {  	_ =	shalt  }
0x52: {  	_ =	shalt  }
0x53: {  	_ =	shalt  }
0x54: {  	_ =	shalt  }
0x55: {  	_ =	shalt  }
0x56: {  	_ =	shalt  }
0x57: {  	_ =	shalt  }
0x58: {  	_ =	shalt  }
0x59: {  	_ =	shalt  }
0x5a: {  	_ =	shalt  }
0x5b: {  	_ =	shalt  }
0x5c: {  	_ =	shalt  }
0x5d: {  	_ =	shalt  }
0x5e: {  	_ =	shalt  }
0x5f: {  	_ =	shalt  }
0x60: {  	_ =	shalt  }
0x61: {  	_ =	shalt  }
0x62: {  	_ =	shalt  }
0x63: {  	_ =	shalt  }
0x64: {  	_ =	shalt  }
0x65: {  	_ =	shalt  }
0x66: {  	_ =	shalt  }
0x67: {  	_ =	shalt  }
0x68: {  	_ =	shalt  }
0x69: {  	_ =	shalt  }
0x6a: {  	_ =	shalt  }
0x6b: {  	_ =	shalt  }
0x6c: {  	_ =	shalt  }
0x6d: {  	_ =	shalt  }
0x6e: {  	_ =	shalt  }
0x6f: {  	_ =	shalt  }
0x70: {  	_ =	shalt  }
0x71: {  	_ =	shalt  }
0x72: {  	_ =	shalt  }
0x73: {  	_ =	shalt  }
0x74: {  	_ =	shalt  }
0x75: {  	_ =	shalt  }
0x76: {  	_ =	shalt  }
0x77: {  	_ =	shalt  }
0x78: {  	_ =	shalt  }
0x79: {  	_ =	shalt  }
0x7a: {  	_ =	shalt  }
0x7b: {  	_ =	shalt  }
0x7c: {  	_ =	shalt  }
0x7d: {  	_ =	shalt  }
0x7e: {  	_ =	shalt  }
0x7f: {  	_ =	shalt  }
0x80: {  	_ =	shalt  }
0x81: {  	_ =	shalt  }
0x82: {  	_ =	shalt  }
0x83: {  	_ =	shalt  }
0x84: {  	_ =	shalt  }
0x85: {  	_ =	shalt  }
0x86: {  	_ =	shalt  }
0x87: {  	_ =	shalt  }
.Lfunc_end0:
.L_simem_size_0:
called_computation_lowered:
.L_overlay_start_0:
0x88: {  	s2 =	sld [smem:$0x3FD9]  }
0x89: {  	s3 =	sld [smem:$0x3FFE];
	_ =	sdelay $0x1  }
0x8a: {  	s1 =	srdreg.scid  }
0x8b: {  	s0 =	sand.u32 $0x1, s1  }
0x8c: {  	s17 =	sshll.u32 s0, $0xA;
	s2 =	sadd.s32 s3, s2  }
0x8d: {  	s2 =	sadd.s32 s2, s17  }
0x8e: {  	[smem:$0x3FC5] =	sst s2  }
0x8f: {  	_ = 	snop  }
0x90: {  	s2 =	sld [smem:$0x3FC9]  }
0x91: {  	s18 =	sld [smem:$0x3FC8]  }
0x92: {  	s4 =	sld [smem:$0x3FD0];
	(tm) =	ssettm $0x1  }
0x93: {  	s5 =	sld [smem:$0x3FFB];
	_ =	sdelay $0x3  }
0x94: {  	_ =	strace s5  }
0x95: {  	s5 =	sld [smem:$0x3FFC];
	_ =	sdelay $0x3  }
0x96: {  	_ =	strace s5  }
0x97: {  	s5 =	sld [smem:$0x3FFD];
	_ =	sdelay $0x3  }
0x98: {  	_ =	strace s5  }
0x99: {  	_ =	strace $0x8FFFFFFF  }
0x9a: {  	s19 =	sld [smem:$0x3FDB];
	_ =	sdelay $0x1  }
0x9b: {  	s6 =	simm.s32 $_scs_section_size  }
0x9c: {  	s7 =	simm.s32 $_size__tile_overlayer_lowered;
	s8 =	simm.s32 $_tile_overlayer_lowered  }
0x9d: {  	s22 =	simm.s32 $0x1BFF;
	s21 =	sshll.u32 s8, $0x1;
	s5 =	sadd.s32 s6, s19  }
0x9e: {  	s9 =	simm.s32 $0x0;
	s20 =	sshll.u32 s7, $0x1;
	s7 =	sadd.s32 s21, s5  }
0x9f: {  	[timem:s9], [sflag:s22] =	dma.local [hbm:s7], s20  }
0xa0: {  	_ =	swait.ge [sflag:s22], s20  }
0xa1: {  	s6 =	ssub.s32 $0x0, s20;
	[sflag:s22] =	ssyncset.done $0x0  }
0xa2: {  	[sflag:s22] =	ssyncadd.s32 s6;
	_ =	sdelay $0x1  }
0xa3: {  	s23 =	simm.s32 $0x1B8B  }
0xa4: {  	_ =	swait.ge [sflag:s23], $0x1  }
0xa5: {  	[sflag:s23] =	ssyncset.done $0x0  }
0xa6: {  	s25 =	simm.s32 $0x1B8E;
	s24 =	sld [smem:$0x3FFE];
	[sflag:s23] =	ssyncadd.s32 $0xFFFFFFFF  }
0xa7: {  	s26 =	simm.s32 $execute0_lowered;
	[smem:$0x3FD2] =	sst s25  }
0xa8: {  	s7 =	sshll.u32 s26, $0x1;
	_ =	strace $0x80000046;
	[dreg:$0x1] =	wrdreg $0xFFFFFFFF  }
0xa9: {  	s28 =	simm.s32 $_size_execute0_lowered;
	s5 =	sadd.s32 s5, s7;
	[dreg:$0x0] =	wrdreg $0x0  }
0xaa: {  	s7 =	sshll.u32 s28, $0x1;
	[dreg:$0x2] =	wrdreg s5  }
0xab: {  	[dreg:$0x3] =	wrdreg s7  }
0xac: {  	[dreg:$0x4] =	wrdreg $0xC0  }
0xad: {  	_ =	task [dreg:s9], $0x5FFFF  }
0xae: {  	[dreg:$0x1] =	wrdreg $0xFFFFFFFF  }
0xaf: {  	[dreg:$0x0] =	wrdreg $0x60  }
0xb0: {  	[dreg:$0x2] =	wrdreg s2  }
0xb1: {  	[dreg:$0x3] =	wrdreg s18  }
0xb2: {  	[dreg:$0x4] =	wrdreg s24  }
0xb3: {  	[dreg:$0x5] =	wrdreg s4  }
0xb4: {  	[dreg:$0x6] =	wrdreg $0x9  }
0xb5: {  	_ =	task.clear_ibuf [dreg:s9], $0x7FFFF;
	_ =	strace $0x90000046  }
0xb6: {  	s29 =	simm.s32 $0x9;
	_ =	strace $0x80000048  }
0xb7: {  	_ =	swait.ge [sflag:s29], $0x1  }
0xb8: {  	[sflag:s29] =	ssyncadd.s32 $0xFFFFFFFF  }
0xb9: {  	_ =	strace $0x90000048  }
0xba: {  	_ =	sfence  }
0xbb: {  	s30 =	sld [smem:$0x0];
	_ =	sdelay $0x2  }
0xbc: {  	s31 =	sshll.u32 s1, $0xD;
	s1 =	sshrl.u32 s1, $0x2  }
0xbd: {  	s3 =	sand.u32 $0x4000, s31;
	s1 =	sadd.s32 s1, s30  }
0xbe: {  	s0 =	sor.u32 s3, s0;
	s1 =	sshll.u32 s1, $0x11  }
0xbf: {  	s0 =	sor.u32 s1, s0  }
0xc0: {  	s0 =	sadd.s32 $0x8F2B, s0  }
0xc1: {  	[sflag:s0] =	ssyncadd.remote.s32 $0x1  }
0xc2: {  	_ =	sfence.sel $0xFFFF  }
0xc3: {  	[dreg:$0x0] =	wrdreg $0xFFFFFFFF;
	(pc) =	sbr.abs _section_cstart, $3  }
0xc4: {  	[dreg:$0x1] =	wrdreg $0xFFFFFFFF  }
0xc5: {  	_ =	task.clear_ibuf [dreg:s9], $0x2FFFF;
	_ =	strace $0x9FFFFFFF  }
0xc6: {  	(tm) =	ssettm $0x7FFFFFFF  }
0xc7: {  	_ =	shalt  }
tec
execute0_lowered:
.L_overlay_start_1:
0x0: {  	(tag) =	ssettag $0x1  }
0x1: {  	s1 =	rddreg [dreg:$0x0]  }
0x2: {  	s0 =	rddreg [dreg:$0x1]  }
0x3: {  	s2 =	rddreg [dreg:$0x2]  }
0x4: {  	s3 =	rddreg [dreg:$0x3];
	s4 =	simm.s32 $0x0  }
0x5: {  	s7 =	stileid.u32;
	s5 =	srdreg.scid;
	s15 =	simm.s32 $0x400  }
0x6: {  	s16 =	simm.s32 $0x2000;
	s19 =	simm.s32 $0x4E00;
	s24 =	simm.s32 $0xCE00  }
0x7: {  	s28 =	simm.s32 $0x2;
	s31 =	simm.s32 $0x4;
	[smem:$0x7FF] =	sst s4  }
0x8: {  	s6 =	sshll.u32 s7, $0x1;
	s7 =	sshrl.u32 s7, $0x2;
	s5 =	sand.u32 $0x1, s5  }
0x9: {  	s2 =	sadd.s32 $0x400, s2;
	s6 =	sand.u32 $0x6, s6;
	s8 =	smul.u32 $0xC800, s7  }
0xa: {  	_ =	strace $0x80000047;
	s9 =	ssub.s32 $0x2, s5;
	[dreg:$0x5] =	wrdreg s2  }
0xb: {  	s6 =	sor.u32 s5, s6;
	s5 =	smul.u32 $0x32, s7;
	s10 =	sshrl.u32 s9, $0x1  }
0xc: {  	s7 =	smul.u32 $0x320000, s7;
	s6 =	sshll.u32 s6, $0xA;
	s8 =	sand.u32 $0x3E000, s8  }
0xd: {  	s25 =	ssub.s32 s9, s10;
	s8 =	sor.u32 s8, s6;
	s9 =	sand.u32 $0xF8, s5  }
.Ltmp0:
0xe: {  	s10 =	sor.u32 s6, s7;
	s30 =	smax.u32 s25, $0x1;
	(pc) =	sbr.rel .LBB2_1-.Ltmp0, $4  }
0xf: {  	s25 =	simm.s32 $0x7;
	s26 =	sadd.s32 $0x60000, s10;
	[dreg:$0x9] =	wrdreg s30  }
0x10: {  	s8 =	sshrl.u32 s8, $0x3;
	s29 =	sadd.s32 $0x80000, s10;
	[dreg:$0x7] =	wrdreg s26  }
0x11: {  	s7 =	simm.s32 $0x0;
	s0 =	sadd.s32 s0, s8;
	[dreg:$0x8] =	wrdreg s29  }
0x12: {  	s13 =	sadd.s32 $0xA0000, s10;
	s26 =	simm.s32 $0x18E00;
	[dreg:$0x6] =	wrdreg s0  }
.LBB2_73:
0x13: {  	s0 =	simm.s32 $0x8  }
0x14: {  	_ =	swait.ge [sflag:s0], $0x4000  }
0x15: {  	[sflag:s0] =	ssyncset.done $0x0  }
0x16: {  	s21 =	simm.s32 $0x9;
	[sflag:s0] =	ssyncadd.s32 $0xFFFFC000  }
0x17: {  	_ =	swait.ge [sflag:s21], $0x4000  }
0x18: {  	[sflag:s21] =	ssyncset.done $0x0  }
0x19: {  	s22 =	simm.s32 $0xA;
	[sflag:s21] =	ssyncadd.s32 $0xFFFFC000  }
0x1a: {  	_ =	swait.ge [sflag:s22], $0x4000  }
0x1b: {  	[sflag:s22] =	ssyncset.done $0x0  }
0x1c: {  	s23 =	simm.s32 $0xB;
	[sflag:s22] =	ssyncadd.s32 $0xFFFFC000  }
0x1d: {  	_ =	swait.ge [sflag:s23], $0x4000  }
0x1e: {  	[sflag:s23] =	ssyncset.done $0x0  }
0x1f: {  	s29 =	simm.s32 $0xC;
	[sflag:s23] =	ssyncadd.s32 $0xFFFFC000  }
0x20: {  	_ =	swait.ge [sflag:s29], $0x4000  }
0x21: {  	[sflag:s29] =	ssyncset.done $0x0  }
0x22: {  	s2 =	simm.s32 $0xD;
	[sflag:s29] =	ssyncadd.s32 $0xFFFFC000  }
0x23: {  	_ =	swait.ge [sflag:s2], $0x4000  }
0x24: {  	s7 =	rddreg [dreg:$0xa]  }
0x25: {  	s30 =	rddreg [dreg:$0x9];
	s7 =	sadd.s32 $0x1, s7  }
0x26: {  	p0 =	sne.s32 s7, s30  }
.Ltmp1:
0x27: {  	_ = 	snop;
	(pc) =	sbr.rel @!p0 .LBB2_74-.Ltmp1, $3  }
0x28: {  	_ =	sdelay $0x1  }
0x29: {  	[sflag:s2] =	ssyncset.done $0x0  }
0x2a: {  	[sflag:s2] =	ssyncadd.s32 $0xFFFFC000  }
.LBB2_1:
0x2b: {  	[dreg:$0xa] =	wrdreg s7  }
0x2c: {  	s0 =	rddreg [dreg:$0x5]  }
0x2d: {  	[tilespmem:s4], [sflag:$0x1] =	stream.linear.gather [hbm4b:s0+s4], $0x3200, $0x38;
	[tilespmem:$0x1CE00] =	vst v63  }
0x2e: {  	s29 =	rddreg [dreg:$0x6];
	s2 =	simm.s32 $0x3200;
	s30 =	simm.s32 $0x1  }
0x2f: {  	[tilespmem:s2], [sflag:$0x1] =	stream.strided.gather [hbm4b:s29+s15], $0x1C00, s16, s15, $0x38;
	[tilespmem:$0x1CE00] =	vst v63  }
0x30: {  	_ =	swait.ge [sflag:s30], $0x3200  }
0x31: {  	[sflag:s30] =	ssyncset.done $0x0  }
0x32: {  	[sflag:s30] =	ssyncadd.s32 $0xFFFFCE00  }
0x33: {  	_ =	swait.ge [sflag:s30], $0x1C00  }
0x34: {  	[sflag:s30] =	ssyncset.done $0x0  }
0x35: {  	s2 =	simm.s32 $0x0;
	[sflag:s30] =	ssyncadd.s32 $0xFFFFE400  }
.LBB2_2:
0x36: {  	s0 =	smul.u32 $0xC, s2;
	_ =	sdelay $0x1  }
0x37: {  	s30 =	sadd.s32 s5, s0  }
0x38: {  	p0 =	seq.s32 s2, $0x0;
	s7 =	sshll.u32 s30, $0x10  }
0x39: {  	s0 =	simm.s32 @!p0 $0x8;
	s7 =	sor.u32 s6, s7  }
0x3a: {  	_ =	swait.ge @!p0 [sflag:s0], $0x4000;
	s18 =	sshrl.u32 s7, $0x3;
	s7 =	smul.u32 $0x6, s2  }
0x3b: {  	[sflag:s0] =	ssyncset.done @!p0 $0x0  }
0x3c: {  	[sflag:s0] =	ssyncadd.s32 @!p0 $0xFFFFC000;
	s0 =	sadd.s32 $0xFFFFFFFD, s7  }
0x3d: {  	p1 =	sgt.u32 s0, $0x18  }
.Ltmp2:
0x3e: {  	_ = 	snop;
	(pc) =	sbr.rel @p1 .LBB2_12-.Ltmp2, $3  }
0x3f: {  	_ =	sdelay $0x1  }
0x40: {  	s29 =	sadd.s32 s1, s18  }
0x41: {  	[tilespmem:s19], [sflag:$0x2] =	stream.strided.gather [hbm4b:s29+s15], $0x4000, s16, s15, $0x38;
	[tilespmem:$0x1CE00] =	vst v63  }
0x42: {  	s0 =	sshll.u32 s0, $0x1  }
0x43: {  	s0 =	sadd.s32 s5, s0  }
0x44: {  	s8 =	ssub.s32 s0, s9  }
0x45: {  	s11 =	sshra.s32 s8, $0x1F  }
0x46: {  	s17 =	simm.s32 $0x1;
	p1 =	sne.s32 s0, s9;
	s12 =	sshrl.u32 s11, $0x1D  }
0x47: {  	s17 =	simm.s32 @!p1 $0x0;
	s12 =	sadd.s32 s12, s8  }
0x48: {  	s11 =	sor.u32 s17, s11;
	s23 =	sand.u32 $0xFFFFFFF8, s12  }
0x49: {  	p6 =	sne.s32 s11, $0x1;
	p2 =	sne.s32 s8, s23  }
0x4a: {  	p1 =	por !p2, !p6  }
0x4b: {  	s11 =	simm.s32 $0x1;
	p1 =	por !p1, !p1  }
0x4c: {  	s12 =	sshrl.u32 s12, $0x3;
	s11 =	simm.s32 @!p1 $0x0  }
0x4d: {  	s8 =	sshll.u32 s8, $0x7;
	s11 =	ssub.s32 s12, s11  }
0x4e: {  	s8 =	sadd.s32 $0x400, s8;
	s11 =	sshll.u32 s11, $0xC  }
0x4f: {  	s29 =	simm.s32 $0x5;
	s8 =	sand.u32 $0x300, s8;
	s11 =	sshra.s32 s11, $0x2  }
0x50: {  	_ =	swait.ge [sflag:s29], $0x4000;
	s8 =	sor.u32 s8, s11  }
0x51: {  	[sflag:s29] =	ssyncset.done $0x0;
	s11 =	sadd.s32 $0x3200, s8  }
0x52: {  	[sflag:s29] =	ssyncadd.s32 $0xFFFFC000;
	s17 =	simm.s32 $0x0;
	s8 =	simm.s32 $0x11580;
	v0 =	vmov s11  }
.LBB2_4:
0x53: {  	_ =	sdelay $0x2  }
0x54: {  	s11 =	sshll.u32 s17, $0x4  }
0x55: {  	v1 =	vld.idx.msk [tilespmem:v0+s11+$0x0 ss:$0x1], $0xffff;
	_ =	sdelay $0x3  }
0x56: {  	s23 =	simm.s32 $0xBB8  }
0x57: {  	s12 =	simm.s32 $0xAF0;
	v2 =	vadd.s32 s23, v1  }
0x58: {  	s29 =	simm.s32 $0xC8;
	v3 =	vadd.s32 s12, v1  }
0x59: {  	s14 =	simm.s32 $0x190;
	v4 =	vadd.s32 s29, v1  }
0x5a: {  	s20 =	simm.s32 $0x258;
	v5 =	vadd.s32 s14, v1  }
0x5b: {  	s21 =	simm.s32 $0x320;
	v6 =	vadd.s32 s20, v1  }
0x5c: {  	s22 =	simm.s32 $0x0;
	v7 =	vadd.s32 s21, v1;
	v2 =	vld.idx.msk [tilespmem:v2+s4+$0x0], $0xffff  }
0x5d: {  	v8 =	vadd.s32 s22, v1;
	s14 =	simm.s32 $0x640;
	v3 =	vld.idx.msk [tilespmem:v3+s4+$0x0], $0xffff  }
0x5e: {  	s20 =	simm.s32 $0x708;
	v12 =	vadd.s32 s14, v1;
	v9 =	vld.idx.msk [tilespmem:v4+s4+$0x0], $0xffff  }
0x5f: {  	v13 =	vadd.s32 s20, v1;
	v10 =	vld.idx.msk [tilespmem:v5+s4+$0x0], $0xffff  }
0x60: {  	s23 =	simm.s32 $0x3E8;
	v11 =	vld.idx.msk [tilespmem:v6+s4+$0x0], $0xffff  }
0x61: {  	s29 =	simm.s32 $0x4B0;
	v4 =	vadd.s32 s23, v1;
	v7 =	vld.idx.msk [tilespmem:v7+s4+$0x0], $0xffff  }
0x62: {  	s12 =	simm.s32 $0x578;
	v5 =	vadd.s32 s29, v1;
	v8 =	vld.idx.msk [tilespmem:v8+s4+$0x0], $0xffff  }
0x63: {  	v6 =	vadd.s32 s12, v1;
	v12 =	vld.idx.msk [tilespmem:v12+s4+$0x0], $0xffff  }
0x64: {  	v13 =	vld.idx.msk [tilespmem:v13+s4+$0x0], $0xffff  }
0x65: {  	[tilespmem:s8+$0xFFFFFF80] =	vst.add.f32.msk $0xffff, v3  }
0x66: {  	v14 =	vld.idx.msk [tilespmem:v4+s4+$0x0], $0xffff  }
0x67: {  	v15 =	vld.idx.msk [tilespmem:v5+s4+$0x0], $0xffff  }
0x68: {  	v17 =	vld.idx.msk [tilespmem:v6+s4+$0x0], $0xffff  }
0x69: {  	[tilespmem:s8+$0xFFFFF880] =	vst.add.f32.msk $0xffff, v8  }
0x6a: {  	s21 =	simm.s32 $0x7D0;
	[tilespmem:s8+$0xFFFFF900] =	vst.add.f32.msk $0xffff, v9  }
0x6b: {  	s22 =	simm.s32 $0x898;
	v3 =	vadd.s32 s21, v1;
	[tilespmem:s8+$0xFFFFF980] =	vst.add.f32.msk $0xffff, v10  }
0x6c: {  	s23 =	simm.s32 $0x960;
	v4 =	vadd.s32 s22, v1;
	[tilespmem:s8+$0xFFFFFA00] =	vst.add.f32.msk $0xffff, v11  }
0x6d: {  	s29 =	simm.s32 $0xA28;
	v16 =	vadd.s32 s23, v1;
	[tilespmem:s8+$0xFFFFFA80] =	vst.add.f32.msk $0xffff, v7  }
0x6e: {  	v18 =	vadd.s32 s29, v1;
	[tilespmem:s8+$0xFFFFFC80] =	vst.add.f32.msk $0xffff, v12  }
0x6f: {  	[tilespmem:s8+$0xFFFFFD00] =	vst.add.f32.msk $0xffff, v13  }
0x70: {  	v6 =	vld.idx.msk [tilespmem:v3+s4+$0x0], $0xffff  }
0x71: {  	v5 =	vld.idx.msk [tilespmem:v4+s4+$0x0], $0xffff  }
0x72: {  	v4 =	vld.idx.msk [tilespmem:v16+s4+$0x0], $0xffff  }
0x73: {  	v3 =	vld.idx.msk [tilespmem:v18+s4+$0x0], $0xffff  }
0x74: {  	[tilespmem:s8+$0xFFFFFB00] =	vst.add.f32.msk $0xffff, v14  }
0x75: {  	[tilespmem:s8+$0xFFFFFB80] =	vst.add.f32.msk $0xffff, v15  }
0x76: {  	s11 =	simm.s32 $0x1838;
	s23 =	simm.s32 $0x0;
	s21 =	smov.u32 s8;
	[tilespmem:s8+$0xFFFFFC00] =	vst.add.f32.msk $0xffff, v17  }
.LBB2_5:
0x77: {  	s12 =	sadd.s32 $0xFFFFF510, s11;
	s20 =	sadd.s32 $0xFFFFFF38, s11;
	v7 =	vadd.s32 s11, v1;
	s23 =	sadd.s32 $0x10, s23;
	[tilespmem:s21+$0xFFFFFD80] =	vst.add.f32.msk $0xffff, v6  }
0x78: {  	s22 =	sadd.s32 $0xFFFFF6A0, s11;
	v6 =	vadd.s32 s12, v1;
	s12 =	sadd.s32 $0xFFFFF5D8, s11;
	v8 =	vadd.s32 s20, v1;
	p1 =	slt.u32 s23, $0x30;
	[tilespmem:s21+$0xFFFFFE00] =	vst.add.f32.msk $0xffff, v5  }
0x79: {  	v9 =	vadd.s32 s22, v1;
	s20 =	sadd.s32 $0xFFFFF830, s11;
	s22 =	sadd.s32 $0xFFFFF8F8, s11;
	v5 =	vadd.s32 s12, v1;
	s12 =	sadd.s32 $0xFFFFF768, s11;
	[tilespmem:s21+$0xFFFFFE80] =	vst.add.f32.msk $0xffff, v4  }
0x7a: {  	v10 =	vadd.s32 s20, v1;
	v11 =	vadd.s32 s22, v1;
	s20 =	sadd.s32 $0xFFFFFA88, s11;
	s22 =	sadd.s32 $0xFFFFFB50, s11;
	v4 =	vadd.s32 s12, v1;
	s12 =	sadd.s32 $0xFFFFF9C0, s11;
	[tilespmem:s21+$0xFFFFFF00] =	vst.add.f32.msk $0xffff, v3  }
0x7b: {  	v12 =	vadd.s32 s20, v1;
	v13 =	vadd.s32 s22, v1;
	s20 =	sadd.s32 $0xFFFFFCE0, s11;
	s22 =	sadd.s32 $0xFFFFFDA8, s11;
	v3 =	vadd.s32 s12, v1;
	s12 =	sadd.s32 $0xFFFFFC18, s11;
	[tilespmem:s21+$0x0] =	vst.add.f32.msk $0xffff, v2  }
0x7c: {  	s29 =	sadd.s32 $0xFFFFF448, s11;
	v15 =	vadd.s32 s20, v1;
	v16 =	vadd.s32 s22, v1;
	v14 =	vadd.s32 s12, v1;
	s12 =	sadd.s32 $0xFFFFFE70, s11;
	v2 =	vld.idx.msk [tilespmem:v7+s4+$0x0], $0xffff  }
0x7d: {  	v7 =	vadd.s32 s29, v1;
	v17 =	vadd.s32 s12, v1;
	v8 =	vld.idx.msk [tilespmem:v8+s4+$0x0], $0xffff  }
0x7e: {  	v18 =	vld.idx.msk [tilespmem:v6+s4+$0x0], $0xffff  }
0x7f: {  	v19 =	vld.idx.msk [tilespmem:v5+s4+$0x0], $0xffff  }
0x80: {  	v9 =	vld.idx.msk [tilespmem:v9+s4+$0x0], $0xffff  }
0x81: {  	v20 =	vld.idx.msk [tilespmem:v4+s4+$0x0], $0xffff  }
0x82: {  	s21 =	sadd.s32 $0x800, s21;
	v7 =	vld.idx.msk [tilespmem:v7+s4+$0x0], $0xffff  }
0x83: {  	[tilespmem:s21+$0xFFFFFF80] =	vst.add.f32.msk $0xffff, v8  }
0x84: {  	v8 =	vld.idx.msk [tilespmem:v10+s4+$0x0], $0xffff  }
0x85: {  	v10 =	vld.idx.msk [tilespmem:v11+s4+$0x0], $0xffff  }
0x86: {  	v11 =	vld.idx.msk [tilespmem:v3+s4+$0x0], $0xffff  }
0x87: {  	v12 =	vld.idx.msk [tilespmem:v12+s4+$0x0], $0xffff  }
0x88: {  	v13 =	vld.idx.msk [tilespmem:v13+s4+$0x0], $0xffff  }
0x89: {  	v6 =	vld.idx.msk [tilespmem:v14+s4+$0x0], $0xffff  }
0x8a: {  	v5 =	vld.idx.msk [tilespmem:v15+s4+$0x0], $0xffff  }
0x8b: {  	v4 =	vld.idx.msk [tilespmem:v16+s4+$0x0], $0xffff  }
0x8c: {  	v3 =	vld.idx.msk [tilespmem:v17+s4+$0x0], $0xffff  }
0x8d: {  	[tilespmem:s21+$0xFFFFF880] =	vst.add.f32.msk $0xffff, v7  }
0x8e: {  	[tilespmem:s21+$0xFFFFF900] =	vst.add.f32.msk $0xffff, v18  }
0x8f: {  	[tilespmem:s21+$0xFFFFF980] =	vst.add.f32.msk $0xffff, v19  }
0x90: {  	[tilespmem:s21+$0xFFFFFA00] =	vst.add.f32.msk $0xffff, v9  }
0x91: {  	[tilespmem:s21+$0xFFFFFA80] =	vst.add.f32.msk $0xffff, v20  }
.Ltmp3:
0x92: {  	[tilespmem:s21+$0xFFFFFB00] =	vst.add.f32.msk $0xffff, v8;
	(pc) =	sbr.rel @p1 .LBB2_5-.Ltmp3, $4  }
0x93: {  	[tilespmem:s21+$0xFFFFFB80] =	vst.add.f32.msk $0xffff, v10  }
0x94: {  	[tilespmem:s21+$0xFFFFFC00] =	vst.add.f32.msk $0xffff, v11  }
0x95: {  	[tilespmem:s21+$0xFFFFFC80] =	vst.add.f32.msk $0xffff, v12  }
0x96: {  	s11 =	sadd.s32 $0xC80, s11;
	[tilespmem:s21+$0xFFFFFD00] =	vst.add.f32.msk $0xffff, v13  }
0x97: {  	s17 =	sadd.s32 $0x1, s17  }
0x98: {  	p1 =	sne.s32 s17, $0x8  }
.Ltmp4:
0x99: {  	[tilespmem:s21+$0xFFFFFD80] =	vst.add.f32.msk $0xffff, v6;
	(pc) =	sbr.rel @p1 .LBB2_4-.Ltmp4, $4  }
0x9a: {  	[tilespmem:s21+$0xFFFFFE00] =	vst.add.f32.msk $0xffff, v5  }
0x9b: {  	[tilespmem:s21+$0xFFFFFE80] =	vst.add.f32.msk $0xffff, v4  }
0x9c: {  	[tilespmem:s21+$0xFFFFFF00] =	vst.add.f32.msk $0xffff, v3  }
0x9d: {  	[tilespmem:s21+$0x0] =	vst.add.f32.msk $0xffff, v2;
	s8 =	sadd.s32 $0x10, s8  }
0x9e: {  	s8 =	sor.u32 $0x1, s0  }
0x9f: {  	s11 =	ssub.s32 s8, s9  }
0xa0: {  	s12 =	sshra.s32 s11, $0x1F  }
0xa1: {  	s17 =	sshrl.u32 s12, $0x1D  }
0xa2: {  	s11 =	sadd.s32 s17, s11  }
0xa3: {  	s11 =	sshrl.u32 s11, $0x3  }
0xa4: {  	s11 =	sadd.s32 s12, s11  }
0xa5: {  	s8 =	sshll.u32 s8, $0x7;
	s11 =	sshll.u32 s11, $0xC  }
0xa6: {  	s8 =	sand.u32 $0x380, s8;
	s11 =	sshra.s32 s11, $0x2  }
0xa7: {  	s8 =	sor.u32 s8, s11  }
0xa8: {  	s11 =	sadd.s32 $0x3200, s8  }
0xa9: {  	s17 =	simm.s32 $0x0;
	s8 =	simm.s32 $0x13580;
	v0 =	vmov s11  }
.LBB2_8:
0xaa: {  	_ =	sdelay $0x2  }
0xab: {  	s11 =	sshll.u32 s17, $0x4  }
0xac: {  	v1 =	vld.idx.msk [tilespmem:v0+s11+$0x0 ss:$0x1], $0xffff;
	_ =	sdelay $0x3  }
0xad: {  	s23 =	simm.s32 $0xBB8  }
0xae: {  	s12 =	simm.s32 $0xAF0;
	v2 =	vadd.s32 s23, v1  }
0xaf: {  	s29 =	simm.s32 $0xC8;
	v3 =	vadd.s32 s12, v1  }
0xb0: {  	s14 =	simm.s32 $0x190;
	v4 =	vadd.s32 s29, v1  }
0xb1: {  	s20 =	simm.s32 $0x258;
	v5 =	vadd.s32 s14, v1  }
0xb2: {  	s21 =	simm.s32 $0x320;
	v6 =	vadd.s32 s20, v1  }
0xb3: {  	s22 =	simm.s32 $0x0;
	v7 =	vadd.s32 s21, v1;
	v2 =	vld.idx.msk [tilespmem:v2+s4+$0x0], $0xffff  }
0xb4: {  	v8 =	vadd.s32 s22, v1;
	s14 =	simm.s32 $0x640;
	v3 =	vld.idx.msk [tilespmem:v3+s4+$0x0], $0xffff  }
0xb5: {  	s20 =	simm.s32 $0x708;
	v12 =	vadd.s32 s14, v1;
	v9 =	vld.idx.msk [tilespmem:v4+s4+$0x0], $0xffff  }
0xb6: {  	v13 =	vadd.s32 s20, v1;
	v10 =	vld.idx.msk [tilespmem:v5+s4+$0x0], $0xffff  }
0xb7: {  	s23 =	simm.s32 $0x3E8;
	v11 =	vld.idx.msk [tilespmem:v6+s4+$0x0], $0xffff  }
0xb8: {  	s29 =	simm.s32 $0x4B0;
	v4 =	vadd.s32 s23, v1;
	v7 =	vld.idx.msk [tilespmem:v7+s4+$0x0], $0xffff  }
0xb9: {  	s12 =	simm.s32 $0x578;
	v5 =	vadd.s32 s29, v1;
	v8 =	vld.idx.msk [tilespmem:v8+s4+$0x0], $0xffff  }
0xba: {  	v6 =	vadd.s32 s12, v1;
	v12 =	vld.idx.msk [tilespmem:v12+s4+$0x0], $0xffff  }
0xbb: {  	v13 =	vld.idx.msk [tilespmem:v13+s4+$0x0], $0xffff  }
0xbc: {  	[tilespmem:s8+$0xFFFFFF80] =	vst.add.f32.msk $0xffff, v3  }
0xbd: {  	v14 =	vld.idx.msk [tilespmem:v4+s4+$0x0], $0xffff  }
0xbe: {  	v15 =	vld.idx.msk [tilespmem:v5+s4+$0x0], $0xffff  }
0xbf: {  	v17 =	vld.idx.msk [tilespmem:v6+s4+$0x0], $0xffff  }
0xc0: {  	[tilespmem:s8+$0xFFFFF880] =	vst.add.f32.msk $0xffff, v8  }
0xc1: {  	s21 =	simm.s32 $0x7D0;
	[tilespmem:s8+$0xFFFFF900] =	vst.add.f32.msk $0xffff, v9  }
0xc2: {  	s22 =	simm.s32 $0x898;
	v3 =	vadd.s32 s21, v1;
	[tilespmem:s8+$0xFFFFF980] =	vst.add.f32.msk $0xffff, v10  }
0xc3: {  	s23 =	simm.s32 $0x960;
	v4 =	vadd.s32 s22, v1;
	[tilespmem:s8+$0xFFFFFA00] =	vst.add.f32.msk $0xffff, v11  }
0xc4: {  	s29 =	simm.s32 $0xA28;
	v16 =	vadd.s32 s23, v1;
	[tilespmem:s8+$0xFFFFFA80] =	vst.add.f32.msk $0xffff, v7  }
0xc5: {  	v18 =	vadd.s32 s29, v1;
	[tilespmem:s8+$0xFFFFFC80] =	vst.add.f32.msk $0xffff, v12  }
0xc6: {  	[tilespmem:s8+$0xFFFFFD00] =	vst.add.f32.msk $0xffff, v13  }
0xc7: {  	v6 =	vld.idx.msk [tilespmem:v3+s4+$0x0], $0xffff  }
0xc8: {  	v5 =	vld.idx.msk [tilespmem:v4+s4+$0x0], $0xffff  }
0xc9: {  	v4 =	vld.idx.msk [tilespmem:v16+s4+$0x0], $0xffff  }
0xca: {  	v3 =	vld.idx.msk [tilespmem:v18+s4+$0x0], $0xffff  }
0xcb: {  	[tilespmem:s8+$0xFFFFFB00] =	vst.add.f32.msk $0xffff, v14  }
0xcc: {  	[tilespmem:s8+$0xFFFFFB80] =	vst.add.f32.msk $0xffff, v15  }
0xcd: {  	s11 =	simm.s32 $0x1838;
	s23 =	simm.s32 $0x0;
	s21 =	smov.u32 s8;
	[tilespmem:s8+$0xFFFFFC00] =	vst.add.f32.msk $0xffff, v17  }
.LBB2_9:
0xce: {  	s12 =	sadd.s32 $0xFFFFF510, s11;
	s20 =	sadd.s32 $0xFFFFFF38, s11;
	v7 =	vadd.s32 s11, v1;
	s23 =	sadd.s32 $0x10, s23;
	[tilespmem:s21+$0xFFFFFD80] =	vst.add.f32.msk $0xffff, v6  }
0xcf: {  	s22 =	sadd.s32 $0xFFFFF6A0, s11;
	v6 =	vadd.s32 s12, v1;
	s12 =	sadd.s32 $0xFFFFF5D8, s11;
	v8 =	vadd.s32 s20, v1;
	p1 =	slt.u32 s23, $0x30;
	[tilespmem:s21+$0xFFFFFE00] =	vst.add.f32.msk $0xffff, v5  }
0xd0: {  	v9 =	vadd.s32 s22, v1;
	s20 =	sadd.s32 $0xFFFFF830, s11;
	s22 =	sadd.s32 $0xFFFFF8F8, s11;
	v5 =	vadd.s32 s12, v1;
	s12 =	sadd.s32 $0xFFFFF768, s11;
	[tilespmem:s21+$0xFFFFFE80] =	vst.add.f32.msk $0xffff, v4  }
0xd1: {  	v10 =	vadd.s32 s20, v1;
	v11 =	vadd.s32 s22, v1;
	s20 =	sadd.s32 $0xFFFFFA88, s11;
	s22 =	sadd.s32 $0xFFFFFB50, s11;
	v4 =	vadd.s32 s12, v1;
	s12 =	sadd.s32 $0xFFFFF9C0, s11;
	[tilespmem:s21+$0xFFFFFF00] =	vst.add.f32.msk $0xffff, v3  }
0xd2: {  	v12 =	vadd.s32 s20, v1;
	v13 =	vadd.s32 s22, v1;
	s20 =	sadd.s32 $0xFFFFFCE0, s11;
	s22 =	sadd.s32 $0xFFFFFDA8, s11;
	v3 =	vadd.s32 s12, v1;
	s12 =	sadd.s32 $0xFFFFFC18, s11;
	[tilespmem:s21+$0x0] =	vst.add.f32.msk $0xffff, v2  }
0xd3: {  	s29 =	sadd.s32 $0xFFFFF448, s11;
	v15 =	vadd.s32 s20, v1;
	v16 =	vadd.s32 s22, v1;
	v14 =	vadd.s32 s12, v1;
	s12 =	sadd.s32 $0xFFFFFE70, s11;
	v2 =	vld.idx.msk [tilespmem:v7+s4+$0x0], $0xffff  }
0xd4: {  	v7 =	vadd.s32 s29, v1;
	v17 =	vadd.s32 s12, v1;
	v8 =	vld.idx.msk [tilespmem:v8+s4+$0x0], $0xffff  }
0xd5: {  	v18 =	vld.idx.msk [tilespmem:v6+s4+$0x0], $0xffff  }
0xd6: {  	v19 =	vld.idx.msk [tilespmem:v5+s4+$0x0], $0xffff  }
0xd7: {  	v9 =	vld.idx.msk [tilespmem:v9+s4+$0x0], $0xffff  }
0xd8: {  	v20 =	vld.idx.msk [tilespmem:v4+s4+$0x0], $0xffff  }
0xd9: {  	s21 =	sadd.s32 $0x800, s21;
	v7 =	vld.idx.msk [tilespmem:v7+s4+$0x0], $0xffff  }
0xda: {  	[tilespmem:s21+$0xFFFFFF80] =	vst.add.f32.msk $0xffff, v8  }
0xdb: {  	v8 =	vld.idx.msk [tilespmem:v10+s4+$0x0], $0xffff  }
0xdc: {  	v10 =	vld.idx.msk [tilespmem:v11+s4+$0x0], $0xffff  }
0xdd: {  	v11 =	vld.idx.msk [tilespmem:v3+s4+$0x0], $0xffff  }
0xde: {  	v12 =	vld.idx.msk [tilespmem:v12+s4+$0x0], $0xffff  }
0xdf: {  	v13 =	vld.idx.msk [tilespmem:v13+s4+$0x0], $0xffff  }
0xe0: {  	v6 =	vld.idx.msk [tilespmem:v14+s4+$0x0], $0xffff  }
0xe1: {  	v5 =	vld.idx.msk [tilespmem:v15+s4+$0x0], $0xffff  }
0xe2: {  	v4 =	vld.idx.msk [tilespmem:v16+s4+$0x0], $0xffff  }
0xe3: {  	v3 =	vld.idx.msk [tilespmem:v17+s4+$0x0], $0xffff  }
0xe4: {  	[tilespmem:s21+$0xFFFFF880] =	vst.add.f32.msk $0xffff, v7  }
0xe5: {  	[tilespmem:s21+$0xFFFFF900] =	vst.add.f32.msk $0xffff, v18  }
0xe6: {  	[tilespmem:s21+$0xFFFFF980] =	vst.add.f32.msk $0xffff, v19  }
0xe7: {  	[tilespmem:s21+$0xFFFFFA00] =	vst.add.f32.msk $0xffff, v9  }
0xe8: {  	[tilespmem:s21+$0xFFFFFA80] =	vst.add.f32.msk $0xffff, v20  }
.Ltmp5:
0xe9: {  	[tilespmem:s21+$0xFFFFFB00] =	vst.add.f32.msk $0xffff, v8;
	(pc) =	sbr.rel @p1 .LBB2_9-.Ltmp5, $4  }
0xea: {  	[tilespmem:s21+$0xFFFFFB80] =	vst.add.f32.msk $0xffff, v10  }
0xeb: {  	[tilespmem:s21+$0xFFFFFC00] =	vst.add.f32.msk $0xffff, v11  }
0xec: {  	[tilespmem:s21+$0xFFFFFC80] =	vst.add.f32.msk $0xffff, v12  }
0xed: {  	s11 =	sadd.s32 $0xC80, s11;
	[tilespmem:s21+$0xFFFFFD00] =	vst.add.f32.msk $0xffff, v13  }
0xee: {  	s17 =	sadd.s32 $0x1, s17  }
0xef: {  	p1 =	sne.s32 s17, $0x8  }
.Ltmp6:
0xf0: {  	[tilespmem:s21+$0xFFFFFD80] =	vst.add.f32.msk $0xffff, v6;
	(pc) =	sbr.rel @p1 .LBB2_8-.Ltmp6, $4  }
0xf1: {  	[tilespmem:s21+$0xFFFFFE00] =	vst.add.f32.msk $0xffff, v5  }
0xf2: {  	[tilespmem:s21+$0xFFFFFE80] =	vst.add.f32.msk $0xffff, v4  }
0xf3: {  	[tilespmem:s21+$0xFFFFFF00] =	vst.add.f32.msk $0xffff, v3  }
0xf4: {  	[tilespmem:s21+$0x0] =	vst.add.f32.msk $0xffff, v2;
	s8 =	sadd.s32 $0x10, s8  }
0xf5: {  	s0 =	sshll.u32 s0, $0x10  }
0xf6: {  	s0 =	sor.u32 s6, s0  }
0xf7: {  	s0 =	sshrl.u32 s0, $0x3  }
0xf8: {  	s8 =	simm.s32 $0x10E00;
	s0 =	sadd.s32 s3, s0  }
0xf9: {  	[hbm4b:s0+s15] =	stream.strided.scatter [tilespmem:s8], [sflag:$0xB], $0x4000, s16, s15, $0x38;
	[tilespmem:$0x1CE00] =	vst v63  }
.LBB2_12:
0xfa: {  	s0 =	sor.u32 $0x1, s7  }
0xfb: {  	p1 =	sgt.u32 s0, $0x18  }
0xfc: {  	p2 =	seq.s32 @!p1 s2, $0x0  }
0xfd: {  	p2 =	por p2, p1  }
0xfe: {  	s11 =	sshll.u32 @!p1 s0, $0x11;
	s8 =	simm.s32 @!p2 $0x9  }
0xff: {  	s12 =	simm.s32 @!p1 $0x2000;
	s11 =	sadd.s32 @!p1 s10, s11;
	_ =	swait.ge @!p2 [sflag:s8], $0x4000  }
0x100: {  	s17 =	simm.s32 @!p1 $0x8E00;
	s11 =	sshrl.u32 @!p1 s11, $0x3;
	[sflag:s8] =	ssyncset.done @!p2 $0x0  }
0x101: {  	[sflag:s8] =	ssyncadd.s32 @!p2 $0xFFFFC000;
	s8 =	sadd.s32 @!p1 s1, s11;
	s11 =	simm.s32 @!p1 $0x400  }
0x102: {  	[tilespmem:s17], [sflag:$0x3] =	stream.strided.gather @!p1 [hbm4b:s8+s11], $0x4000, s12, s11, $0x38;
	[tilespmem:$0x1CE00] =	vst v63  }
0x103: {  	s8 =	sadd.s32 $0xFFFFFFFE, s7  }
0x104: {  	p2 =	sgt.u32 s8, $0x18  }
.Ltmp7:
0x105: {  	_ = 	snop;
	(pc) =	sbr.rel @p2 .LBB2_22-.Ltmp7, $1  }
0x106: {  	_ =	sdelay $0x3  }
0x107: {  	s8 =	sshll.u32 s8, $0x1  }
0x108: {  	s17 =	sadd.s32 s5, s8  }
0x109: {  	s8 =	ssub.s32 s17, s9  }
0x10a: {  	s11 =	sshra.s32 s8, $0x1F  }
0x10b: {  	s20 =	simm.s32 $0x1;
	p2 =	sne.s32 s17, s9;
	s12 =	sshrl.u32 s11, $0x1D  }
0x10c: {  	s20 =	simm.s32 @!p2 $0x0;
	s12 =	sadd.s32 s12, s8  }
0x10d: {  	s11 =	sor.u32 s20, s11;
	s23 =	sand.u32 $0xFFFFFFF8, s12  }
0x10e: {  	p6 =	sne.s32 s11, $0x1;
	p3 =	sne.s32 s8, s23  }
0x10f: {  	p2 =	por !p3, !p6  }
0x110: {  	s11 =	simm.s32 $0x1;
	p2 =	por !p2, !p2  }
0x111: {  	s12 =	sshrl.u32 s12, $0x3;
	s11 =	simm.s32 @!p2 $0x0  }
0x112: {  	s8 =	sshll.u32 s8, $0x7;
	s11 =	ssub.s32 s12, s11  }
0x113: {  	s8 =	sadd.s32 $0x400, s8;
	s11 =	sshll.u32 s11, $0xC  }
0x114: {  	s29 =	simm.s32 $0x6;
	s8 =	sand.u32 $0x300, s8;
	s11 =	sshra.s32 s11, $0x2  }
0x115: {  	_ =	swait.ge [sflag:s29], $0x4000;
	s8 =	sor.u32 s8, s11  }
0x116: {  	[sflag:s29] =	ssyncset.done $0x0;
	s11 =	sadd.s32 $0x3200, s8  }
0x117: {  	[sflag:s29] =	ssyncadd.s32 $0xFFFFC000;
	s23 =	simm.s32 $0x15580;
	s8 =	simm.s32 $0x0;
	v0 =	vmov s11  }
.LBB2_14:
0x118: {  	_ =	sdelay $0x2  }
0x119: {  	s11 =	sshll.u32 s8, $0x4  }
0x11a: {  	v1 =	vld.idx.msk [tilespmem:v0+s11+$0x0 ss:$0x1], $0xffff;
	_ =	sdelay $0x3  }
0x11b: {  	s20 =	simm.s32 $0xBB8  }
0x11c: {  	s12 =	simm.s32 $0xAF0;
	v2 =	vadd.s32 s20, v1  }
0x11d: {  	s21 =	simm.s32 $0xC8;
	v3 =	vadd.s32 s12, v1  }
0x11e: {  	s22 =	simm.s32 $0x190;
	v4 =	vadd.s32 s21, v1  }
0x11f: {  	s29 =	simm.s32 $0x258;
	v5 =	vadd.s32 s22, v1  }
0x120: {  	s14 =	simm.s32 $0x0;
	v6 =	vadd.s32 s29, v1  }
0x121: {  	s12 =	simm.s32 $0x320;
	v8 =	vadd.s32 s14, v1;
	v2 =	vld.idx.msk [tilespmem:v2+s4+$0x0], $0xffff  }
0x122: {  	s29 =	simm.s32 $0x640;
	v7 =	vadd.s32 s12, v1;
	v3 =	vld.idx.msk [tilespmem:v3+s4+$0x0], $0xffff  }
0x123: {  	s14 =	simm.s32 $0x708;
	v12 =	vadd.s32 s29, v1;
	v9 =	vld.idx.msk [tilespmem:v4+s4+$0x0], $0xffff  }
0x124: {  	v13 =	vadd.s32 s14, v1;
	v10 =	vld.idx.msk [tilespmem:v5+s4+$0x0], $0xffff  }
0x125: {  	s20 =	simm.s32 $0x3E8;
	v11 =	vld.idx.msk [tilespmem:v6+s4+$0x0], $0xffff  }
0x126: {  	s21 =	simm.s32 $0x4B0;
	v4 =	vadd.s32 s20, v1;
	v8 =	vld.idx.msk [tilespmem:v8+s4+$0x0], $0xffff  }
0x127: {  	s22 =	simm.s32 $0x578;
	v5 =	vadd.s32 s21, v1;
	v7 =	vld.idx.msk [tilespmem:v7+s4+$0x0], $0xffff  }
0x128: {  	v6 =	vadd.s32 s22, v1;
	v12 =	vld.idx.msk [tilespmem:v12+s4+$0x0], $0xffff  }
0x129: {  	v13 =	vld.idx.msk [tilespmem:v13+s4+$0x0], $0xffff  }
0x12a: {  	[tilespmem:s23+$0xFFFFFF80] =	vst.add.f32.msk $0xffff, v3  }
0x12b: {  	v14 =	vld.idx.msk [tilespmem:v4+s4+$0x0], $0xffff  }
0x12c: {  	v15 =	vld.idx.msk [tilespmem:v5+s4+$0x0], $0xffff  }
0x12d: {  	v17 =	vld.idx.msk [tilespmem:v6+s4+$0x0], $0xffff  }
0x12e: {  	[tilespmem:s23+$0xFFFFF880] =	vst.add.f32.msk $0xffff, v8  }
0x12f: {  	s20 =	simm.s32 $0x7D0;
	[tilespmem:s23+$0xFFFFF900] =	vst.add.f32.msk $0xffff, v9  }
0x130: {  	s21 =	simm.s32 $0x898;
	v3 =	vadd.s32 s20, v1;
	[tilespmem:s23+$0xFFFFF980] =	vst.add.f32.msk $0xffff, v10  }
0x131: {  	s22 =	simm.s32 $0x960;
	v4 =	vadd.s32 s21, v1;
	[tilespmem:s23+$0xFFFFFA00] =	vst.add.f32.msk $0xffff, v11  }
0x132: {  	s29 =	simm.s32 $0xA28;
	v16 =	vadd.s32 s22, v1;
	[tilespmem:s23+$0xFFFFFA80] =	vst.add.f32.msk $0xffff, v7  }
0x133: {  	v18 =	vadd.s32 s29, v1;
	[tilespmem:s23+$0xFFFFFC80] =	vst.add.f32.msk $0xffff, v12  }
0x134: {  	[tilespmem:s23+$0xFFFFFD00] =	vst.add.f32.msk $0xffff, v13  }
0x135: {  	v6 =	vld.idx.msk [tilespmem:v3+s4+$0x0], $0xffff  }
0x136: {  	v5 =	vld.idx.msk [tilespmem:v4+s4+$0x0], $0xffff  }
0x137: {  	v4 =	vld.idx.msk [tilespmem:v16+s4+$0x0], $0xffff  }
0x138: {  	v3 =	vld.idx.msk [tilespmem:v18+s4+$0x0], $0xffff  }
0x139: {  	[tilespmem:s23+$0xFFFFFB00] =	vst.add.f32.msk $0xffff, v14  }
0x13a: {  	[tilespmem:s23+$0xFFFFFB80] =	vst.add.f32.msk $0xffff, v15  }
0x13b: {  	s11 =	simm.s32 $0x0;
	s12 =	simm.s32 $0x1838;
	s21 =	smov.u32 s23;
	[tilespmem:s23+$0xFFFFFC00] =	vst.add.f32.msk $0xffff, v17  }
.LBB2_15:
0x13c: {  	s20 =	sadd.s32 $0xFFFFF510, s12;
	s22 =	sadd.s32 $0xFFFFFF38, s12;
	v7 =	vadd.s32 s12, v1;
	s11 =	sadd.s32 $0x10, s11;
	[tilespmem:s21+$0xFFFFFD80] =	vst.add.f32.msk $0xffff, v6  }
0x13d: {  	s29 =	sadd.s32 $0xFFFFF6A0, s12;
	v6 =	vadd.s32 s20, v1;
	s20 =	sadd.s32 $0xFFFFF5D8, s12;
	v8 =	vadd.s32 s22, v1;
	p2 =	slt.u32 s11, $0x30;
	[tilespmem:s21+$0xFFFFFE00] =	vst.add.f32.msk $0xffff, v5  }
0x13e: {  	v9 =	vadd.s32 s29, v1;
	s22 =	sadd.s32 $0xFFFFF830, s12;
	s29 =	sadd.s32 $0xFFFFF8F8, s12;
	v5 =	vadd.s32 s20, v1;
	s20 =	sadd.s32 $0xFFFFF768, s12;
	[tilespmem:s21+$0xFFFFFE80] =	vst.add.f32.msk $0xffff, v4  }
0x13f: {  	v10 =	vadd.s32 s22, v1;
	v11 =	vadd.s32 s29, v1;
	s22 =	sadd.s32 $0xFFFFFA88, s12;
	s29 =	sadd.s32 $0xFFFFFB50, s12;
	v4 =	vadd.s32 s20, v1;
	s20 =	sadd.s32 $0xFFFFF9C0, s12;
	[tilespmem:s21+$0xFFFFFF00] =	vst.add.f32.msk $0xffff, v3  }
0x140: {  	v12 =	vadd.s32 s22, v1;
	v13 =	vadd.s32 s29, v1;
	s22 =	sadd.s32 $0xFFFFFCE0, s12;
	s29 =	sadd.s32 $0xFFFFFDA8, s12;
	v3 =	vadd.s32 s20, v1;
	s20 =	sadd.s32 $0xFFFFFC18, s12;
	[tilespmem:s21+$0x0] =	vst.add.f32.msk $0xffff, v2  }
0x141: {  	s14 =	sadd.s32 $0xFFFFF448, s12;
	v15 =	vadd.s32 s22, v1;
	v16 =	vadd.s32 s29, v1;
	v14 =	vadd.s32 s20, v1;
	s20 =	sadd.s32 $0xFFFFFE70, s12;
	v2 =	vld.idx.msk [tilespmem:v7+s4+$0x0], $0xffff  }
0x142: {  	v7 =	vadd.s32 s14, v1;
	v17 =	vadd.s32 s20, v1;
	v8 =	vld.idx.msk [tilespmem:v8+s4+$0x0], $0xffff  }
0x143: {  	v18 =	vld.idx.msk [tilespmem:v6+s4+$0x0], $0xffff  }
0x144: {  	v19 =	vld.idx.msk [tilespmem:v5+s4+$0x0], $0xffff  }
0x145: {  	v9 =	vld.idx.msk [tilespmem:v9+s4+$0x0], $0xffff  }
0x146: {  	v20 =	vld.idx.msk [tilespmem:v4+s4+$0x0], $0xffff  }
0x147: {  	s21 =	sadd.s32 $0x800, s21;
	v7 =	vld.idx.msk [tilespmem:v7+s4+$0x0], $0xffff  }
0x148: {  	[tilespmem:s21+$0xFFFFFF80] =	vst.add.f32.msk $0xffff, v8  }
0x149: {  	v8 =	vld.idx.msk [tilespmem:v10+s4+$0x0], $0xffff  }
0x14a: {  	v10 =	vld.idx.msk [tilespmem:v11+s4+$0x0], $0xffff  }
0x14b: {  	v11 =	vld.idx.msk [tilespmem:v3+s4+$0x0], $0xffff  }
0x14c: {  	v12 =	vld.idx.msk [tilespmem:v12+s4+$0x0], $0xffff  }
0x14d: {  	v13 =	vld.idx.msk [tilespmem:v13+s4+$0x0], $0xffff  }
0x14e: {  	v6 =	vld.idx.msk [tilespmem:v14+s4+$0x0], $0xffff  }
0x14f: {  	v5 =	vld.idx.msk [tilespmem:v15+s4+$0x0], $0xffff  }
0x150: {  	v4 =	vld.idx.msk [tilespmem:v16+s4+$0x0], $0xffff  }
0x151: {  	v3 =	vld.idx.msk [tilespmem:v17+s4+$0x0], $0xffff  }
0x152: {  	[tilespmem:s21+$0xFFFFF880] =	vst.add.f32.msk $0xffff, v7  }
0x153: {  	[tilespmem:s21+$0xFFFFF900] =	vst.add.f32.msk $0xffff, v18  }
0x154: {  	[tilespmem:s21+$0xFFFFF980] =	vst.add.f32.msk $0xffff, v19  }
0x155: {  	[tilespmem:s21+$0xFFFFFA00] =	vst.add.f32.msk $0xffff, v9  }
0x156: {  	[tilespmem:s21+$0xFFFFFA80] =	vst.add.f32.msk $0xffff, v20  }
.Ltmp8:
0x157: {  	[tilespmem:s21+$0xFFFFFB00] =	vst.add.f32.msk $0xffff, v8;
	(pc) =	sbr.rel @p2 .LBB2_15-.Ltmp8, $4  }
0x158: {  	[tilespmem:s21+$0xFFFFFB80] =	vst.add.f32.msk $0xffff, v10  }
0x159: {  	[tilespmem:s21+$0xFFFFFC00] =	vst.add.f32.msk $0xffff, v11  }
0x15a: {  	[tilespmem:s21+$0xFFFFFC80] =	vst.add.f32.msk $0xffff, v12  }
0x15b: {  	s12 =	sadd.s32 $0xC80, s12;
	[tilespmem:s21+$0xFFFFFD00] =	vst.add.f32.msk $0xffff, v13  }
0x15c: {  	s8 =	sadd.s32 $0x1, s8  }
0x15d: {  	p2 =	sne.s32 s8, $0x8  }
.Ltmp9:
0x15e: {  	[tilespmem:s21+$0xFFFFFD80] =	vst.add.f32.msk $0xffff, v6;
	(pc) =	sbr.rel @p2 .LBB2_14-.Ltmp9, $4  }
0x15f: {  	[tilespmem:s21+$0xFFFFFE00] =	vst.add.f32.msk $0xffff, v5  }
0x160: {  	[tilespmem:s21+$0xFFFFFE80] =	vst.add.f32.msk $0xffff, v4  }
0x161: {  	[tilespmem:s21+$0xFFFFFF00] =	vst.add.f32.msk $0xffff, v3  }
0x162: {  	[tilespmem:s21+$0x0] =	vst.add.f32.msk $0xffff, v2;
	s23 =	sadd.s32 $0x10, s23  }
0x163: {  	s8 =	sor.u32 $0x1, s17  }
0x164: {  	s11 =	ssub.s32 s8, s9  }
0x165: {  	s12 =	sshra.s32 s11, $0x1F  }
0x166: {  	s14 =	sshrl.u32 s12, $0x1D  }
0x167: {  	s11 =	sadd.s32 s14, s11  }
0x168: {  	s11 =	sshrl.u32 s11, $0x3  }
0x169: {  	s11 =	sadd.s32 s12, s11  }
0x16a: {  	s8 =	sshll.u32 s8, $0x7;
	s11 =	sshll.u32 s11, $0xC  }
0x16b: {  	s8 =	sand.u32 $0x380, s8;
	s11 =	sshra.s32 s11, $0x2  }
0x16c: {  	s8 =	sor.u32 s8, s11  }
0x16d: {  	s11 =	sadd.s32 $0x3200, s8  }
0x16e: {  	s21 =	simm.s32 $0x17580;
	s8 =	simm.s32 $0x0;
	v0 =	vmov s11  }
.LBB2_18:
0x16f: {  	_ =	sdelay $0x2  }
0x170: {  	s11 =	sshll.u32 s8, $0x4  }
0x171: {  	v1 =	vld.idx.msk [tilespmem:v0+s11+$0x0 ss:$0x1], $0xffff;
	_ =	sdelay $0x3  }
0x172: {  	s20 =	simm.s32 $0xBB8  }
0x173: {  	s12 =	simm.s32 $0xAF0;
	v2 =	vadd.s32 s20, v1  }
0x174: {  	s22 =	simm.s32 $0xC8;
	v3 =	vadd.s32 s12, v1  }
0x175: {  	s23 =	simm.s32 $0x190;
	v4 =	vadd.s32 s22, v1  }
0x176: {  	s29 =	simm.s32 $0x258;
	v5 =	vadd.s32 s23, v1  }
0x177: {  	s14 =	simm.s32 $0x0;
	v6 =	vadd.s32 s29, v1  }
0x178: {  	s12 =	simm.s32 $0x320;
	v8 =	vadd.s32 s14, v1;
	v2 =	vld.idx.msk [tilespmem:v2+s4+$0x0], $0xffff  }
0x179: {  	s29 =	simm.s32 $0x640;
	v7 =	vadd.s32 s12, v1;
	v3 =	vld.idx.msk [tilespmem:v3+s4+$0x0], $0xffff  }
0x17a: {  	s14 =	simm.s32 $0x708;
	v12 =	vadd.s32 s29, v1;
	v9 =	vld.idx.msk [tilespmem:v4+s4+$0x0], $0xffff  }
0x17b: {  	v13 =	vadd.s32 s14, v1;
	v10 =	vld.idx.msk [tilespmem:v5+s4+$0x0], $0xffff  }
0x17c: {  	s20 =	simm.s32 $0x3E8;
	v11 =	vld.idx.msk [tilespmem:v6+s4+$0x0], $0xffff  }
0x17d: {  	s22 =	simm.s32 $0x4B0;
	v4 =	vadd.s32 s20, v1;
	v8 =	vld.idx.msk [tilespmem:v8+s4+$0x0], $0xffff  }
0x17e: {  	s23 =	simm.s32 $0x578;
	v5 =	vadd.s32 s22, v1;
	v7 =	vld.idx.msk [tilespmem:v7+s4+$0x0], $0xffff  }
0x17f: {  	v6 =	vadd.s32 s23, v1;
	v12 =	vld.idx.msk [tilespmem:v12+s4+$0x0], $0xffff  }
0x180: {  	v13 =	vld.idx.msk [tilespmem:v13+s4+$0x0], $0xffff  }
0x181: {  	[tilespmem:s21+$0xFFFFFF80] =	vst.add.f32.msk $0xffff, v3  }
0x182: {  	v14 =	vld.idx.msk [tilespmem:v4+s4+$0x0], $0xffff  }
0x183: {  	v15 =	vld.idx.msk [tilespmem:v5+s4+$0x0], $0xffff  }
0x184: {  	v17 =	vld.idx.msk [tilespmem:v6+s4+$0x0], $0xffff  }
0x185: {  	[tilespmem:s21+$0xFFFFF880] =	vst.add.f32.msk $0xffff, v8  }
0x186: {  	s20 =	simm.s32 $0x7D0;
	[tilespmem:s21+$0xFFFFF900] =	vst.add.f32.msk $0xffff, v9  }
0x187: {  	s22 =	simm.s32 $0x898;
	v3 =	vadd.s32 s20, v1;
	[tilespmem:s21+$0xFFFFF980] =	vst.add.f32.msk $0xffff, v10  }
0x188: {  	s23 =	simm.s32 $0x960;
	v4 =	vadd.s32 s22, v1;
	[tilespmem:s21+$0xFFFFFA00] =	vst.add.f32.msk $0xffff, v11  }
0x189: {  	s29 =	simm.s32 $0xA28;
	v16 =	vadd.s32 s23, v1;
	[tilespmem:s21+$0xFFFFFA80] =	vst.add.f32.msk $0xffff, v7  }
0x18a: {  	v18 =	vadd.s32 s29, v1;
	[tilespmem:s21+$0xFFFFFC80] =	vst.add.f32.msk $0xffff, v12  }
0x18b: {  	[tilespmem:s21+$0xFFFFFD00] =	vst.add.f32.msk $0xffff, v13  }
0x18c: {  	v6 =	vld.idx.msk [tilespmem:v3+s4+$0x0], $0xffff  }
0x18d: {  	v5 =	vld.idx.msk [tilespmem:v4+s4+$0x0], $0xffff  }
0x18e: {  	v4 =	vld.idx.msk [tilespmem:v16+s4+$0x0], $0xffff  }
0x18f: {  	v3 =	vld.idx.msk [tilespmem:v18+s4+$0x0], $0xffff  }
0x190: {  	[tilespmem:s21+$0xFFFFFB00] =	vst.add.f32.msk $0xffff, v14  }
0x191: {  	[tilespmem:s21+$0xFFFFFB80] =	vst.add.f32.msk $0xffff, v15  }
0x192: {  	s11 =	simm.s32 $0x0;
	s12 =	simm.s32 $0x1838;
	s23 =	smov.u32 s21;
	[tilespmem:s21+$0xFFFFFC00] =	vst.add.f32.msk $0xffff, v17  }
.LBB2_19:
0x193: {  	s14 =	sadd.s32 $0xFFFFF510, s12;
	s20 =	sadd.s32 $0xFFFFFF38, s12;
	v7 =	vadd.s32 s12, v1;
	s11 =	sadd.s32 $0x10, s11;
	[tilespmem:s23+$0xFFFFFD80] =	vst.add.f32.msk $0xffff, v6  }
0x194: {  	s22 =	sadd.s32 $0xFFFFF6A0, s12;
	v6 =	vadd.s32 s14, v1;
	s14 =	sadd.s32 $0xFFFFF5D8, s12;
	v8 =	vadd.s32 s20, v1;
	p2 =	slt.u32 s11, $0x30;
	[tilespmem:s23+$0xFFFFFE00] =	vst.add.f32.msk $0xffff, v5  }
0x195: {  	v9 =	vadd.s32 s22, v1;
	s20 =	sadd.s32 $0xFFFFF830, s12;
	s22 =	sadd.s32 $0xFFFFF8F8, s12;
	v5 =	vadd.s32 s14, v1;
	s14 =	sadd.s32 $0xFFFFF768, s12;
	[tilespmem:s23+$0xFFFFFE80] =	vst.add.f32.msk $0xffff, v4  }
0x196: {  	v10 =	vadd.s32 s20, v1;
	v11 =	vadd.s32 s22, v1;
	s20 =	sadd.s32 $0xFFFFFA88, s12;
	s22 =	sadd.s32 $0xFFFFFB50, s12;
	v4 =	vadd.s32 s14, v1;
	s14 =	sadd.s32 $0xFFFFF9C0, s12;
	[tilespmem:s23+$0xFFFFFF00] =	vst.add.f32.msk $0xffff, v3  }
0x197: {  	v12 =	vadd.s32 s20, v1;
	v13 =	vadd.s32 s22, v1;
	s20 =	sadd.s32 $0xFFFFFCE0, s12;
	s22 =	sadd.s32 $0xFFFFFDA8, s12;
	v3 =	vadd.s32 s14, v1;
	s14 =	sadd.s32 $0xFFFFFC18, s12;
	[tilespmem:s23+$0x0] =	vst.add.f32.msk $0xffff, v2  }
0x198: {  	s29 =	sadd.s32 $0xFFFFF448, s12;
	v15 =	vadd.s32 s20, v1;
	v16 =	vadd.s32 s22, v1;
	v14 =	vadd.s32 s14, v1;
	s14 =	sadd.s32 $0xFFFFFE70, s12;
	v2 =	vld.idx.msk [tilespmem:v7+s4+$0x0], $0xffff  }
0x199: {  	v7 =	vadd.s32 s29, v1;
	v17 =	vadd.s32 s14, v1;
	v8 =	vld.idx.msk [tilespmem:v8+s4+$0x0], $0xffff  }
0x19a: {  	v18 =	vld.idx.msk [tilespmem:v6+s4+$0x0], $0xffff  }
0x19b: {  	v19 =	vld.idx.msk [tilespmem:v5+s4+$0x0], $0xffff  }
0x19c: {  	v9 =	vld.idx.msk [tilespmem:v9+s4+$0x0], $0xffff  }
0x19d: {  	v20 =	vld.idx.msk [tilespmem:v4+s4+$0x0], $0xffff  }
0x19e: {  	s23 =	sadd.s32 $0x800, s23;
	v7 =	vld.idx.msk [tilespmem:v7+s4+$0x0], $0xffff  }
0x19f: {  	[tilespmem:s23+$0xFFFFFF80] =	vst.add.f32.msk $0xffff, v8  }
0x1a0: {  	v8 =	vld.idx.msk [tilespmem:v10+s4+$0x0], $0xffff  }
0x1a1: {  	v10 =	vld.idx.msk [tilespmem:v11+s4+$0x0], $0xffff  }
0x1a2: {  	v11 =	vld.idx.msk [tilespmem:v3+s4+$0x0], $0xffff  }
0x1a3: {  	v12 =	vld.idx.msk [tilespmem:v12+s4+$0x0], $0xffff  }
0x1a4: {  	v13 =	vld.idx.msk [tilespmem:v13+s4+$0x0], $0xffff  }
0x1a5: {  	v6 =	vld.idx.msk [tilespmem:v14+s4+$0x0], $0xffff  }
0x1a6: {  	v5 =	vld.idx.msk [tilespmem:v15+s4+$0x0], $0xffff  }
0x1a7: {  	v4 =	vld.idx.msk [tilespmem:v16+s4+$0x0], $0xffff  }
0x1a8: {  	v3 =	vld.idx.msk [tilespmem:v17+s4+$0x0], $0xffff  }
0x1a9: {  	[tilespmem:s23+$0xFFFFF880] =	vst.add.f32.msk $0xffff, v7  }
0x1aa: {  	[tilespmem:s23+$0xFFFFF900] =	vst.add.f32.msk $0xffff, v18  }
0x1ab: {  	[tilespmem:s23+$0xFFFFF980] =	vst.add.f32.msk $0xffff, v19  }
0x1ac: {  	[tilespmem:s23+$0xFFFFFA00] =	vst.add.f32.msk $0xffff, v9  }
0x1ad: {  	[tilespmem:s23+$0xFFFFFA80] =	vst.add.f32.msk $0xffff, v20  }
.Ltmp10:
0x1ae: {  	[tilespmem:s23+$0xFFFFFB00] =	vst.add.f32.msk $0xffff, v8;
	(pc) =	sbr.rel @p2 .LBB2_19-.Ltmp10, $4  }
0x1af: {  	[tilespmem:s23+$0xFFFFFB80] =	vst.add.f32.msk $0xffff, v10  }
0x1b0: {  	[tilespmem:s23+$0xFFFFFC00] =	vst.add.f32.msk $0xffff, v11  }
0x1b1: {  	[tilespmem:s23+$0xFFFFFC80] =	vst.add.f32.msk $0xffff, v12  }
0x1b2: {  	s12 =	sadd.s32 $0xC80, s12;
	[tilespmem:s23+$0xFFFFFD00] =	vst.add.f32.msk $0xffff, v13  }
0x1b3: {  	s8 =	sadd.s32 $0x1, s8  }
0x1b4: {  	p2 =	sne.s32 s8, $0x8  }
.Ltmp11:
0x1b5: {  	[tilespmem:s23+$0xFFFFFD80] =	vst.add.f32.msk $0xffff, v6;
	(pc) =	sbr.rel @p2 .LBB2_18-.Ltmp11, $4  }
0x1b6: {  	[tilespmem:s23+$0xFFFFFE00] =	vst.add.f32.msk $0xffff, v5  }
0x1b7: {  	[tilespmem:s23+$0xFFFFFE80] =	vst.add.f32.msk $0xffff, v4  }
0x1b8: {  	[tilespmem:s23+$0xFFFFFF00] =	vst.add.f32.msk $0xffff, v3  }
0x1b9: {  	[tilespmem:s23+$0x0] =	vst.add.f32.msk $0xffff, v2;
	s21 =	sadd.s32 $0x10, s21  }
0x1ba: {  	s8 =	sshll.u32 s17, $0x10  }
0x1bb: {  	s8 =	sor.u32 s6, s8  }
0x1bc: {  	s8 =	sshrl.u32 s8, $0x3  }
0x1bd: {  	s11 =	simm.s32 $0x14E00;
	s8 =	sadd.s32 s3, s8  }
0x1be: {  	[hbm4b:s8+s15] =	stream.strided.scatter [tilespmem:s11], [sflag:$0xC], $0x4000, s16, s15, $0x38;
	[tilespmem:$0x1CE00] =	vst v63  }
.LBB2_22:
.Ltmp12:
0x1bf: {  	(pc) =	sbr.rel @p0 .LBB2_25-.Ltmp12, $2  }
0x1c0: {  	_ =	sdelay $0x2  }
0x1c1: {  	s17 =	sadd.s32 $0x2, s7  }
0x1c2: {  	p2 =	seq.s32 s2, $0x4  }
.Ltmp13:
0x1c3: {  	_ = 	snop;
	(pc) =	sbr.rel @p2 .LBB2_26-.Ltmp13, $2  }
0x1c4: {  	_ =	sdelay $0x2  }
0x1c5: {  	s8 =	simm.s32 $0x17  }
0x1c6: {  	s8 =	simm.s32 $0xA  }
0x1c7: {  	_ =	swait.ge [sflag:s8], $0x4000  }
0x1c8: {  	[sflag:s8] =	ssyncset.done $0x0  }
0x1c9: {  	[sflag:s8] =	ssyncadd.s32 $0xFFFFC000  }
.LBB2_25:
0x1ca: {  	s8 =	sshll.u32 s17, $0x11  }
0x1cb: {  	s8 =	sadd.s32 s10, s8  }
0x1cc: {  	s8 =	sshrl.u32 s8, $0x3  }
0x1cd: {  	s8 =	sadd.s32 s1, s8  }
0x1ce: {  	[tilespmem:s24], [sflag:$0x4] =	stream.strided.gather [hbm4b:s8+s15], $0x4000, s16, s15, $0x38;
	[tilespmem:$0x1CE00] =	vst v63  }
0x1cf: {  	s8 =	sadd.s32 $0xFFFFFFFF, s7  }
0x1d0: {  	p2 =	sgt.u32 s8, $0x18  }
.Ltmp14:
0x1d1: {  	_ = 	snop;
	(pc) =	sbr.rel @p2 .LBB2_35-.Ltmp14, $1  }
0x1d2: {  	_ =	sdelay $0x3  }
.LBB2_26:
0x1d3: {  	s7 =	sshll.u32 s8, $0x1  }
0x1d4: {  	s7 =	sadd.s32 s5, s7  }
0x1d5: {  	s23 =	ssub.s32 s7, s9  }
0x1d6: {  	s11 =	sshra.s32 s23, $0x1F  }
0x1d7: {  	s14 =	simm.s32 $0x1;
	p2 =	sne.s32 s7, s9;
	s12 =	sshrl.u32 s11, $0x1D  }
0x1d8: {  	s14 =	simm.s32 @!p2 $0x0;
	s12 =	sadd.s32 s12, s23  }
0x1d9: {  	s11 =	sor.u32 s14, s11;
	s29 =	sand.u32 $0xFFFFFFF8, s12  }
0x1da: {  	p6 =	sne.s32 s11, $0x1;
	p3 =	sne.s32 s23, s29  }
0x1db: {  	p2 =	por !p3, !p6  }
0x1dc: {  	s11 =	simm.s32 $0x1;
	p2 =	por !p2, !p2  }
0x1dd: {  	s12 =	sshrl.u32 s12, $0x3;
	s11 =	simm.s32 @!p2 $0x0  }
0x1de: {  	s8 =	sshll.u32 s23, $0x7;
	s11 =	ssub.s32 s12, s11  }
0x1df: {  	s8 =	sadd.s32 $0x400, s8;
	s11 =	sshll.u32 s11, $0xC  }
0x1e0: {  	s8 =	sand.u32 $0x300, s8;
	s11 =	sshra.s32 s11, $0x2  }
0x1e1: {  	_ =	swait.ge [sflag:s25], $0x4000;
	s8 =	sor.u32 s8, s11  }
0x1e2: {  	[sflag:s25] =	ssyncset.done $0x0;
	s11 =	sadd.s32 $0x3200, s8  }
0x1e3: {  	s21 =	simm.s32 $0x19580;
	[sflag:s25] =	ssyncadd.s32 $0xFFFFC000;
	s8 =	simm.s32 $0x0;
	v0 =	vmov s11  }
.LBB2_27:
0x1e4: {  	_ =	sdelay $0x2  }
0x1e5: {  	s11 =	sshll.u32 s8, $0x4  }
0x1e6: {  	v1 =	vld.idx.msk [tilespmem:v0+s11+$0x0 ss:$0x1], $0xffff;
	_ =	sdelay $0x3  }
0x1e7: {  	s20 =	simm.s32 $0xBB8  }
0x1e8: {  	s12 =	simm.s32 $0xAF0;
	v2 =	vadd.s32 s20, v1  }
0x1e9: {  	s22 =	simm.s32 $0xC8;
	v3 =	vadd.s32 s12, v1  }
0x1ea: {  	s23 =	simm.s32 $0x190;
	v4 =	vadd.s32 s22, v1  }
0x1eb: {  	s29 =	simm.s32 $0x258;
	v5 =	vadd.s32 s23, v1  }
0x1ec: {  	s14 =	simm.s32 $0x0;
	v6 =	vadd.s32 s29, v1  }
0x1ed: {  	s12 =	simm.s32 $0x320;
	v8 =	vadd.s32 s14, v1;
	v2 =	vld.idx.msk [tilespmem:v2+s4+$0x0], $0xffff  }
0x1ee: {  	s29 =	simm.s32 $0x640;
	v7 =	vadd.s32 s12, v1;
	v3 =	vld.idx.msk [tilespmem:v3+s4+$0x0], $0xffff  }
0x1ef: {  	s14 =	simm.s32 $0x708;
	v12 =	vadd.s32 s29, v1;
	v9 =	vld.idx.msk [tilespmem:v4+s4+$0x0], $0xffff  }
0x1f0: {  	v13 =	vadd.s32 s14, v1;
	v10 =	vld.idx.msk [tilespmem:v5+s4+$0x0], $0xffff  }
0x1f1: {  	s20 =	simm.s32 $0x3E8;
	v11 =	vld.idx.msk [tilespmem:v6+s4+$0x0], $0xffff  }
0x1f2: {  	s22 =	simm.s32 $0x4B0;
	v4 =	vadd.s32 s20, v1;
	v8 =	vld.idx.msk [tilespmem:v8+s4+$0x0], $0xffff  }
0x1f3: {  	s23 =	simm.s32 $0x578;
	v5 =	vadd.s32 s22, v1;
	v7 =	vld.idx.msk [tilespmem:v7+s4+$0x0], $0xffff  }
0x1f4: {  	v6 =	vadd.s32 s23, v1;
	v12 =	vld.idx.msk [tilespmem:v12+s4+$0x0], $0xffff  }
0x1f5: {  	v13 =	vld.idx.msk [tilespmem:v13+s4+$0x0], $0xffff  }
0x1f6: {  	[tilespmem:s21+$0xFFFFFF80] =	vst.add.f32.msk $0xffff, v3  }
0x1f7: {  	v14 =	vld.idx.msk [tilespmem:v4+s4+$0x0], $0xffff  }
0x1f8: {  	v15 =	vld.idx.msk [tilespmem:v5+s4+$0x0], $0xffff  }
0x1f9: {  	v17 =	vld.idx.msk [tilespmem:v6+s4+$0x0], $0xffff  }
0x1fa: {  	[tilespmem:s21+$0xFFFFF880] =	vst.add.f32.msk $0xffff, v8  }
0x1fb: {  	s20 =	simm.s32 $0x7D0;
	[tilespmem:s21+$0xFFFFF900] =	vst.add.f32.msk $0xffff, v9  }
0x1fc: {  	s22 =	simm.s32 $0x898;
	v3 =	vadd.s32 s20, v1;
	[tilespmem:s21+$0xFFFFF980] =	vst.add.f32.msk $0xffff, v10  }
0x1fd: {  	s23 =	simm.s32 $0x960;
	v4 =	vadd.s32 s22, v1;
	[tilespmem:s21+$0xFFFFFA00] =	vst.add.f32.msk $0xffff, v11  }
0x1fe: {  	s29 =	simm.s32 $0xA28;
	v16 =	vadd.s32 s23, v1;
	[tilespmem:s21+$0xFFFFFA80] =	vst.add.f32.msk $0xffff, v7  }
0x1ff: {  	v18 =	vadd.s32 s29, v1;
	[tilespmem:s21+$0xFFFFFC80] =	vst.add.f32.msk $0xffff, v12  }
0x200: {  	[tilespmem:s21+$0xFFFFFD00] =	vst.add.f32.msk $0xffff, v13  }
0x201: {  	v6 =	vld.idx.msk [tilespmem:v3+s4+$0x0], $0xffff  }
0x202: {  	v5 =	vld.idx.msk [tilespmem:v4+s4+$0x0], $0xffff  }
0x203: {  	v4 =	vld.idx.msk [tilespmem:v16+s4+$0x0], $0xffff  }
0x204: {  	v3 =	vld.idx.msk [tilespmem:v18+s4+$0x0], $0xffff  }
0x205: {  	[tilespmem:s21+$0xFFFFFB00] =	vst.add.f32.msk $0xffff, v14  }
0x206: {  	[tilespmem:s21+$0xFFFFFB80] =	vst.add.f32.msk $0xffff, v15  }
0x207: {  	s11 =	simm.s32 $0x0;
	s12 =	simm.s32 $0x1838;
	s23 =	smov.u32 s21;
	[tilespmem:s21+$0xFFFFFC00] =	vst.add.f32.msk $0xffff, v17  }
.LBB2_28:
0x208: {  	s14 =	sadd.s32 $0xFFFFF510, s12;
	s20 =	sadd.s32 $0xFFFFFF38, s12;
	v7 =	vadd.s32 s12, v1;
	s11 =	sadd.s32 $0x10, s11;
	[tilespmem:s23+$0xFFFFFD80] =	vst.add.f32.msk $0xffff, v6  }
0x209: {  	s22 =	sadd.s32 $0xFFFFF6A0, s12;
	v6 =	vadd.s32 s14, v1;
	s14 =	sadd.s32 $0xFFFFF5D8, s12;
	v8 =	vadd.s32 s20, v1;
	p2 =	slt.u32 s11, $0x30;
	[tilespmem:s23+$0xFFFFFE00] =	vst.add.f32.msk $0xffff, v5  }
0x20a: {  	v9 =	vadd.s32 s22, v1;
	s20 =	sadd.s32 $0xFFFFF830, s12;
	s22 =	sadd.s32 $0xFFFFF8F8, s12;
	v5 =	vadd.s32 s14, v1;
	s14 =	sadd.s32 $0xFFFFF768, s12;
	[tilespmem:s23+$0xFFFFFE80] =	vst.add.f32.msk $0xffff, v4  }
0x20b: {  	v10 =	vadd.s32 s20, v1;
	v11 =	vadd.s32 s22, v1;
	s20 =	sadd.s32 $0xFFFFFA88, s12;
	s22 =	sadd.s32 $0xFFFFFB50, s12;
	v4 =	vadd.s32 s14, v1;
	s14 =	sadd.s32 $0xFFFFF9C0, s12;
	[tilespmem:s23+$0xFFFFFF00] =	vst.add.f32.msk $0xffff, v3  }
0x20c: {  	v12 =	vadd.s32 s20, v1;
	v13 =	vadd.s32 s22, v1;
	s20 =	sadd.s32 $0xFFFFFCE0, s12;
	s22 =	sadd.s32 $0xFFFFFDA8, s12;
	v3 =	vadd.s32 s14, v1;
	s14 =	sadd.s32 $0xFFFFFC18, s12;
	[tilespmem:s23+$0x0] =	vst.add.f32.msk $0xffff, v2  }
0x20d: {  	s29 =	sadd.s32 $0xFFFFF448, s12;
	v15 =	vadd.s32 s20, v1;
	v16 =	vadd.s32 s22, v1;
	v14 =	vadd.s32 s14, v1;
	s14 =	sadd.s32 $0xFFFFFE70, s12;
	v2 =	vld.idx.msk [tilespmem:v7+s4+$0x0], $0xffff  }
0x20e: {  	v7 =	vadd.s32 s29, v1;
	v17 =	vadd.s32 s14, v1;
	v8 =	vld.idx.msk [tilespmem:v8+s4+$0x0], $0xffff  }
0x20f: {  	v18 =	vld.idx.msk [tilespmem:v6+s4+$0x0], $0xffff  }
0x210: {  	v19 =	vld.idx.msk [tilespmem:v5+s4+$0x0], $0xffff  }
0x211: {  	v9 =	vld.idx.msk [tilespmem:v9+s4+$0x0], $0xffff  }
0x212: {  	v20 =	vld.idx.msk [tilespmem:v4+s4+$0x0], $0xffff  }
0x213: {  	s23 =	sadd.s32 $0x800, s23;
	v7 =	vld.idx.msk [tilespmem:v7+s4+$0x0], $0xffff  }
0x214: {  	[tilespmem:s23+$0xFFFFFF80] =	vst.add.f32.msk $0xffff, v8  }
0x215: {  	v8 =	vld.idx.msk [tilespmem:v10+s4+$0x0], $0xffff  }
0x216: {  	v10 =	vld.idx.msk [tilespmem:v11+s4+$0x0], $0xffff  }
0x217: {  	v11 =	vld.idx.msk [tilespmem:v3+s4+$0x0], $0xffff  }
0x218: {  	v12 =	vld.idx.msk [tilespmem:v12+s4+$0x0], $0xffff  }
0x219: {  	v13 =	vld.idx.msk [tilespmem:v13+s4+$0x0], $0xffff  }
0x21a: {  	v6 =	vld.idx.msk [tilespmem:v14+s4+$0x0], $0xffff  }
0x21b: {  	v5 =	vld.idx.msk [tilespmem:v15+s4+$0x0], $0xffff  }
0x21c: {  	v4 =	vld.idx.msk [tilespmem:v16+s4+$0x0], $0xffff  }
0x21d: {  	v3 =	vld.idx.msk [tilespmem:v17+s4+$0x0], $0xffff  }
0x21e: {  	[tilespmem:s23+$0xFFFFF880] =	vst.add.f32.msk $0xffff, v7  }
0x21f: {  	[tilespmem:s23+$0xFFFFF900] =	vst.add.f32.msk $0xffff, v18  }
0x220: {  	[tilespmem:s23+$0xFFFFF980] =	vst.add.f32.msk $0xffff, v19  }
0x221: {  	[tilespmem:s23+$0xFFFFFA00] =	vst.add.f32.msk $0xffff, v9  }
0x222: {  	[tilespmem:s23+$0xFFFFFA80] =	vst.add.f32.msk $0xffff, v20  }
.Ltmp15:
0x223: {  	[tilespmem:s23+$0xFFFFFB00] =	vst.add.f32.msk $0xffff, v8;
	(pc) =	sbr.rel @p2 .LBB2_28-.Ltmp15, $4  }
0x224: {  	[tilespmem:s23+$0xFFFFFB80] =	vst.add.f32.msk $0xffff, v10  }
0x225: {  	[tilespmem:s23+$0xFFFFFC00] =	vst.add.f32.msk $0xffff, v11  }
0x226: {  	[tilespmem:s23+$0xFFFFFC80] =	vst.add.f32.msk $0xffff, v12  }
0x227: {  	s12 =	sadd.s32 $0xC80, s12;
	[tilespmem:s23+$0xFFFFFD00] =	vst.add.f32.msk $0xffff, v13  }
0x228: {  	s8 =	sadd.s32 $0x1, s8  }
0x229: {  	p2 =	sne.s32 s8, $0x8  }
.Ltmp16:
0x22a: {  	[tilespmem:s23+$0xFFFFFD80] =	vst.add.f32.msk $0xffff, v6;
	(pc) =	sbr.rel @p2 .LBB2_27-.Ltmp16, $4  }
0x22b: {  	[tilespmem:s23+$0xFFFFFE00] =	vst.add.f32.msk $0xffff, v5  }
0x22c: {  	[tilespmem:s23+$0xFFFFFE80] =	vst.add.f32.msk $0xffff, v4  }
0x22d: {  	[tilespmem:s23+$0xFFFFFF00] =	vst.add.f32.msk $0xffff, v3  }
0x22e: {  	[tilespmem:s23+$0x0] =	vst.add.f32.msk $0xffff, v2;
	s21 =	sadd.s32 $0x10, s21  }
0x22f: {  	s8 =	sor.u32 $0x1, s7  }
0x230: {  	s11 =	ssub.s32 s8, s9  }
0x231: {  	s12 =	sshra.s32 s11, $0x1F  }
0x232: {  	s14 =	sshrl.u32 s12, $0x1D  }
0x233: {  	s11 =	sadd.s32 s14, s11  }
0x234: {  	s11 =	sshrl.u32 s11, $0x3  }
0x235: {  	s11 =	sadd.s32 s12, s11  }
0x236: {  	s8 =	sshll.u32 s8, $0x7;
	s11 =	sshll.u32 s11, $0xC  }
0x237: {  	s8 =	sand.u32 $0x380, s8;
	s11 =	sshra.s32 s11, $0x2  }
0x238: {  	s8 =	sor.u32 s8, s11  }
0x239: {  	s11 =	sadd.s32 $0x3200, s8  }
0x23a: {  	s21 =	simm.s32 $0x1B580;
	s8 =	simm.s32 $0x0;
	v0 =	vmov s11  }
.LBB2_31:
0x23b: {  	_ =	sdelay $0x2  }
0x23c: {  	s11 =	sshll.u32 s8, $0x4  }
0x23d: {  	v1 =	vld.idx.msk [tilespmem:v0+s11+$0x0 ss:$0x1], $0xffff;
	_ =	sdelay $0x3  }
0x23e: {  	s20 =	simm.s32 $0xBB8  }
0x23f: {  	s12 =	simm.s32 $0xAF0;
	v2 =	vadd.s32 s20, v1  }
0x240: {  	s22 =	simm.s32 $0xC8;
	v3 =	vadd.s32 s12, v1  }
0x241: {  	s23 =	simm.s32 $0x190;
	v4 =	vadd.s32 s22, v1  }
0x242: {  	s29 =	simm.s32 $0x258;
	v5 =	vadd.s32 s23, v1  }
0x243: {  	s14 =	simm.s32 $0x0;
	v6 =	vadd.s32 s29, v1  }
0x244: {  	s12 =	simm.s32 $0x320;
	v8 =	vadd.s32 s14, v1;
	v2 =	vld.idx.msk [tilespmem:v2+s4+$0x0], $0xffff  }
0x245: {  	s29 =	simm.s32 $0x640;
	v7 =	vadd.s32 s12, v1;
	v3 =	vld.idx.msk [tilespmem:v3+s4+$0x0], $0xffff  }
0x246: {  	s14 =	simm.s32 $0x708;
	v12 =	vadd.s32 s29, v1;
	v9 =	vld.idx.msk [tilespmem:v4+s4+$0x0], $0xffff  }
0x247: {  	v13 =	vadd.s32 s14, v1;
	v10 =	vld.idx.msk [tilespmem:v5+s4+$0x0], $0xffff  }
0x248: {  	s20 =	simm.s32 $0x3E8;
	v11 =	vld.idx.msk [tilespmem:v6+s4+$0x0], $0xffff  }
0x249: {  	s22 =	simm.s32 $0x4B0;
	v4 =	vadd.s32 s20, v1;
	v8 =	vld.idx.msk [tilespmem:v8+s4+$0x0], $0xffff  }
0x24a: {  	s23 =	simm.s32 $0x578;
	v5 =	vadd.s32 s22, v1;
	v7 =	vld.idx.msk [tilespmem:v7+s4+$0x0], $0xffff  }
0x24b: {  	v6 =	vadd.s32 s23, v1;
	v12 =	vld.idx.msk [tilespmem:v12+s4+$0x0], $0xffff  }
0x24c: {  	v13 =	vld.idx.msk [tilespmem:v13+s4+$0x0], $0xffff  }
0x24d: {  	[tilespmem:s21+$0xFFFFFF80] =	vst.add.f32.msk $0xffff, v3  }
0x24e: {  	v14 =	vld.idx.msk [tilespmem:v4+s4+$0x0], $0xffff  }
0x24f: {  	v15 =	vld.idx.msk [tilespmem:v5+s4+$0x0], $0xffff  }
0x250: {  	v17 =	vld.idx.msk [tilespmem:v6+s4+$0x0], $0xffff  }
0x251: {  	[tilespmem:s21+$0xFFFFF880] =	vst.add.f32.msk $0xffff, v8  }
0x252: {  	s20 =	simm.s32 $0x7D0;
	[tilespmem:s21+$0xFFFFF900] =	vst.add.f32.msk $0xffff, v9  }
0x253: {  	s22 =	simm.s32 $0x898;
	v3 =	vadd.s32 s20, v1;
	[tilespmem:s21+$0xFFFFF980] =	vst.add.f32.msk $0xffff, v10  }
0x254: {  	s23 =	simm.s32 $0x960;
	v4 =	vadd.s32 s22, v1;
	[tilespmem:s21+$0xFFFFFA00] =	vst.add.f32.msk $0xffff, v11  }
0x255: {  	s29 =	simm.s32 $0xA28;
	v16 =	vadd.s32 s23, v1;
	[tilespmem:s21+$0xFFFFFA80] =	vst.add.f32.msk $0xffff, v7  }
0x256: {  	v18 =	vadd.s32 s29, v1;
	[tilespmem:s21+$0xFFFFFC80] =	vst.add.f32.msk $0xffff, v12  }
0x257: {  	[tilespmem:s21+$0xFFFFFD00] =	vst.add.f32.msk $0xffff, v13  }
0x258: {  	v6 =	vld.idx.msk [tilespmem:v3+s4+$0x0], $0xffff  }
0x259: {  	v5 =	vld.idx.msk [tilespmem:v4+s4+$0x0], $0xffff  }
0x25a: {  	v4 =	vld.idx.msk [tilespmem:v16+s4+$0x0], $0xffff  }
0x25b: {  	v3 =	vld.idx.msk [tilespmem:v18+s4+$0x0], $0xffff  }
0x25c: {  	[tilespmem:s21+$0xFFFFFB00] =	vst.add.f32.msk $0xffff, v14  }
0x25d: {  	[tilespmem:s21+$0xFFFFFB80] =	vst.add.f32.msk $0xffff, v15  }
0x25e: {  	s11 =	simm.s32 $0x0;
	s12 =	simm.s32 $0x1838;
	s23 =	smov.u32 s21;
	[tilespmem:s21+$0xFFFFFC00] =	vst.add.f32.msk $0xffff, v17  }
.LBB2_32:
0x25f: {  	s14 =	sadd.s32 $0xFFFFF510, s12;
	s20 =	sadd.s32 $0xFFFFFF38, s12;
	v7 =	vadd.s32 s12, v1;
	s11 =	sadd.s32 $0x10, s11;
	[tilespmem:s23+$0xFFFFFD80] =	vst.add.f32.msk $0xffff, v6  }
0x260: {  	s22 =	sadd.s32 $0xFFFFF6A0, s12;
	v6 =	vadd.s32 s14, v1;
	s14 =	sadd.s32 $0xFFFFF5D8, s12;
	v8 =	vadd.s32 s20, v1;
	p2 =	slt.u32 s11, $0x30;
	[tilespmem:s23+$0xFFFFFE00] =	vst.add.f32.msk $0xffff, v5  }
0x261: {  	v9 =	vadd.s32 s22, v1;
	s20 =	sadd.s32 $0xFFFFF830, s12;
	s22 =	sadd.s32 $0xFFFFF8F8, s12;
	v5 =	vadd.s32 s14, v1;
	s14 =	sadd.s32 $0xFFFFF768, s12;
	[tilespmem:s23+$0xFFFFFE80] =	vst.add.f32.msk $0xffff, v4  }
0x262: {  	v10 =	vadd.s32 s20, v1;
	v11 =	vadd.s32 s22, v1;
	s20 =	sadd.s32 $0xFFFFFA88, s12;
	s22 =	sadd.s32 $0xFFFFFB50, s12;
	v4 =	vadd.s32 s14, v1;
	s14 =	sadd.s32 $0xFFFFF9C0, s12;
	[tilespmem:s23+$0xFFFFFF00] =	vst.add.f32.msk $0xffff, v3  }
0x263: {  	v12 =	vadd.s32 s20, v1;
	v13 =	vadd.s32 s22, v1;
	s20 =	sadd.s32 $0xFFFFFCE0, s12;
	s22 =	sadd.s32 $0xFFFFFDA8, s12;
	v3 =	vadd.s32 s14, v1;
	s14 =	sadd.s32 $0xFFFFFC18, s12;
	[tilespmem:s23+$0x0] =	vst.add.f32.msk $0xffff, v2  }
0x264: {  	s29 =	sadd.s32 $0xFFFFF448, s12;
	v15 =	vadd.s32 s20, v1;
	v16 =	vadd.s32 s22, v1;
	v14 =	vadd.s32 s14, v1;
	s14 =	sadd.s32 $0xFFFFFE70, s12;
	v2 =	vld.idx.msk [tilespmem:v7+s4+$0x0], $0xffff  }
0x265: {  	v7 =	vadd.s32 s29, v1;
	v17 =	vadd.s32 s14, v1;
	v8 =	vld.idx.msk [tilespmem:v8+s4+$0x0], $0xffff  }
0x266: {  	v18 =	vld.idx.msk [tilespmem:v6+s4+$0x0], $0xffff  }
0x267: {  	v19 =	vld.idx.msk [tilespmem:v5+s4+$0x0], $0xffff  }
0x268: {  	v9 =	vld.idx.msk [tilespmem:v9+s4+$0x0], $0xffff  }
0x269: {  	v20 =	vld.idx.msk [tilespmem:v4+s4+$0x0], $0xffff  }
0x26a: {  	s23 =	sadd.s32 $0x800, s23;
	v7 =	vld.idx.msk [tilespmem:v7+s4+$0x0], $0xffff  }
0x26b: {  	[tilespmem:s23+$0xFFFFFF80] =	vst.add.f32.msk $0xffff, v8  }
0x26c: {  	v8 =	vld.idx.msk [tilespmem:v10+s4+$0x0], $0xffff  }
0x26d: {  	v10 =	vld.idx.msk [tilespmem:v11+s4+$0x0], $0xffff  }
0x26e: {  	v11 =	vld.idx.msk [tilespmem:v3+s4+$0x0], $0xffff  }
0x26f: {  	v12 =	vld.idx.msk [tilespmem:v12+s4+$0x0], $0xffff  }
0x270: {  	v13 =	vld.idx.msk [tilespmem:v13+s4+$0x0], $0xffff  }
0x271: {  	v6 =	vld.idx.msk [tilespmem:v14+s4+$0x0], $0xffff  }
0x272: {  	v5 =	vld.idx.msk [tilespmem:v15+s4+$0x0], $0xffff  }
0x273: {  	v4 =	vld.idx.msk [tilespmem:v16+s4+$0x0], $0xffff  }
0x274: {  	v3 =	vld.idx.msk [tilespmem:v17+s4+$0x0], $0xffff  }
0x275: {  	[tilespmem:s23+$0xFFFFF880] =	vst.add.f32.msk $0xffff, v7  }
0x276: {  	[tilespmem:s23+$0xFFFFF900] =	vst.add.f32.msk $0xffff, v18  }
0x277: {  	[tilespmem:s23+$0xFFFFF980] =	vst.add.f32.msk $0xffff, v19  }
0x278: {  	[tilespmem:s23+$0xFFFFFA00] =	vst.add.f32.msk $0xffff, v9  }
0x279: {  	[tilespmem:s23+$0xFFFFFA80] =	vst.add.f32.msk $0xffff, v20  }
.Ltmp17:
0x27a: {  	[tilespmem:s23+$0xFFFFFB00] =	vst.add.f32.msk $0xffff, v8;
	(pc) =	sbr.rel @p2 .LBB2_32-.Ltmp17, $4  }
0x27b: {  	[tilespmem:s23+$0xFFFFFB80] =	vst.add.f32.msk $0xffff, v10  }
0x27c: {  	[tilespmem:s23+$0xFFFFFC00] =	vst.add.f32.msk $0xffff, v11  }
0x27d: {  	[tilespmem:s23+$0xFFFFFC80] =	vst.add.f32.msk $0xffff, v12  }
0x27e: {  	s12 =	sadd.s32 $0xC80, s12;
	[tilespmem:s23+$0xFFFFFD00] =	vst.add.f32.msk $0xffff, v13  }
0x27f: {  	s8 =	sadd.s32 $0x1, s8  }
0x280: {  	p2 =	sne.s32 s8, $0x8  }
.Ltmp18:
0x281: {  	[tilespmem:s23+$0xFFFFFD80] =	vst.add.f32.msk $0xffff, v6;
	(pc) =	sbr.rel @p2 .LBB2_31-.Ltmp18, $4  }
0x282: {  	[tilespmem:s23+$0xFFFFFE00] =	vst.add.f32.msk $0xffff, v5  }
0x283: {  	[tilespmem:s23+$0xFFFFFE80] =	vst.add.f32.msk $0xffff, v4  }
0x284: {  	[tilespmem:s23+$0xFFFFFF00] =	vst.add.f32.msk $0xffff, v3  }
0x285: {  	[tilespmem:s23+$0x0] =	vst.add.f32.msk $0xffff, v2;
	s21 =	sadd.s32 $0x10, s21  }
0x286: {  	s7 =	sshll.u32 s7, $0x10  }
0x287: {  	s7 =	sor.u32 s6, s7  }
0x288: {  	s7 =	sshrl.u32 s7, $0x3  }
0x289: {  	s7 =	sadd.s32 s3, s7  }
0x28a: {  	[hbm4b:s7+s15] =	stream.strided.scatter [tilespmem:s26], [sflag:$0xD], $0x4000, s16, s15, $0x38;
	[tilespmem:$0x1CE00] =	vst v63  }
.LBB2_35:
.Ltmp19:
0x28b: {  	(pc) =	sbr.rel @p0 .LBB2_38-.Ltmp19, $1  }
0x28c: {  	_ =	sdelay $0x3  }
0x28d: {  	p2 =	seq.s32 s2, $0x4  }
.Ltmp20:
0x28e: {  	_ = 	snop;
	(pc) =	sbr.rel @p2 .LBB2_39-.Ltmp20, $1  }
0x28f: {  	_ =	sdelay $0x3  }
0x290: {  	s7 =	simm.s32 $0xB  }
0x291: {  	_ =	swait.ge [sflag:s7], $0x4000  }
0x292: {  	[sflag:s7] =	ssyncset.done $0x0  }
0x293: {  	[sflag:s7] =	ssyncadd.s32 $0xFFFFC000  }
.LBB2_38:
0x294: {  	s7 =	smul.u32 $0xC0000, s2  }
0x295: {  	s8 =	rddreg [dreg:$0x7]  }
0x296: {  	s7 =	sadd.s32 s7, s8  }
0x297: {  	s7 =	sshrl.u32 s7, $0x3  }
0x298: {  	s29 =	simm.s32 $0x10E00;
	s7 =	sadd.s32 s1, s7  }
0x299: {  	[tilespmem:s29], [sflag:$0x5] =	stream.strided.gather [hbm4b:s7+s15], $0x4000, s16, s15, $0x38;
	[tilespmem:$0x1CE00] =	vst v63  }
.LBB2_39:
0x29a: {  	s7 =	ssub.s32 s30, s9  }
0x29b: {  	s8 =	sshra.s32 s7, $0x1F  }
0x29c: {  	p2 =	sne.s32 s30, s9;
	s12 =	simm.s32 $0x1;
	s11 =	sshrl.u32 s8, $0x1D  }
0x29d: {  	s12 =	simm.s32 @!p2 $0x0;
	s11 =	sadd.s32 s11, s7  }
0x29e: {  	s8 =	sor.u32 s12, s8;
	s23 =	sand.u32 $0xFFFFFFF8, s11  }
0x29f: {  	p6 =	sne.s32 s8, $0x1;
	p3 =	sne.s32 s7, s23  }
0x2a0: {  	p2 =	por !p3, !p6  }
0x2a1: {  	s8 =	simm.s32 $0x1;
	p2 =	por !p2, !p2  }
0x2a2: {  	s11 =	sshrl.u32 s11, $0x3;
	s8 =	simm.s32 @!p2 $0x0  }
0x2a3: {  	s7 =	sshll.u32 s7, $0x7;
	s8 =	ssub.s32 s11, s8  }
0x2a4: {  	s7 =	sadd.s32 $0x400, s7;
	s8 =	sshll.u32 s8, $0xC  }
0x2a5: {  	s7 =	sand.u32 $0x300, s7;
	s8 =	sshra.s32 s8, $0x2  }
0x2a6: {  	_ =	swait.ge [sflag:s28], $0x4000;
	s7 =	sor.u32 s7, s8  }
0x2a7: {  	[sflag:s28] =	ssyncset.done $0x0;
	s29 =	sadd.s32 $0x3200, s7  }
0x2a8: {  	[sflag:s28] =	ssyncadd.s32 $0xFFFFC000;
	s8 =	simm.s32 $0x5580;
	s7 =	simm.s32 $0x0;
	v0 =	vmov s29  }
.LBB2_40:
0x2a9: {  	_ =	sdelay $0x2  }
0x2aa: {  	s11 =	sshll.u32 s7, $0x4  }
0x2ab: {  	v1 =	vld.idx.msk [tilespmem:v0+s11+$0x0 ss:$0x1], $0xffff;
	_ =	sdelay $0x3  }
0x2ac: {  	s23 =	simm.s32 $0xBB8  }
0x2ad: {  	s12 =	simm.s32 $0xAF0;
	v2 =	vadd.s32 s23, v1  }
0x2ae: {  	s29 =	simm.s32 $0xC8;
	v3 =	vadd.s32 s12, v1  }
0x2af: {  	s14 =	simm.s32 $0x190;
	v4 =	vadd.s32 s29, v1  }
0x2b0: {  	s20 =	simm.s32 $0x258;
	v5 =	vadd.s32 s14, v1  }
0x2b1: {  	s21 =	simm.s32 $0x320;
	v6 =	vadd.s32 s20, v1  }
0x2b2: {  	s22 =	simm.s32 $0x0;
	v7 =	vadd.s32 s21, v1;
	v2 =	vld.idx.msk [tilespmem:v2+s4+$0x0], $0xffff  }
0x2b3: {  	v8 =	vadd.s32 s22, v1;
	s14 =	simm.s32 $0x640;
	v3 =	vld.idx.msk [tilespmem:v3+s4+$0x0], $0xffff  }
0x2b4: {  	s20 =	simm.s32 $0x708;
	v12 =	vadd.s32 s14, v1;
	v9 =	vld.idx.msk [tilespmem:v4+s4+$0x0], $0xffff  }
0x2b5: {  	v13 =	vadd.s32 s20, v1;
	v10 =	vld.idx.msk [tilespmem:v5+s4+$0x0], $0xffff  }
0x2b6: {  	s23 =	simm.s32 $0x3E8;
	v11 =	vld.idx.msk [tilespmem:v6+s4+$0x0], $0xffff  }
0x2b7: {  	s29 =	simm.s32 $0x4B0;
	v4 =	vadd.s32 s23, v1;
	v7 =	vld.idx.msk [tilespmem:v7+s4+$0x0], $0xffff  }
0x2b8: {  	s12 =	simm.s32 $0x578;
	v5 =	vadd.s32 s29, v1;
	v8 =	vld.idx.msk [tilespmem:v8+s4+$0x0], $0xffff  }
0x2b9: {  	v6 =	vadd.s32 s12, v1;
	v12 =	vld.idx.msk [tilespmem:v12+s4+$0x0], $0xffff  }
0x2ba: {  	v13 =	vld.idx.msk [tilespmem:v13+s4+$0x0], $0xffff  }
0x2bb: {  	[tilespmem:s8+$0xFFFFFF80] =	vst.add.f32.msk $0xffff, v3  }
0x2bc: {  	v14 =	vld.idx.msk [tilespmem:v4+s4+$0x0], $0xffff  }
0x2bd: {  	v15 =	vld.idx.msk [tilespmem:v5+s4+$0x0], $0xffff  }
0x2be: {  	v17 =	vld.idx.msk [tilespmem:v6+s4+$0x0], $0xffff  }
0x2bf: {  	[tilespmem:s8+$0xFFFFF880] =	vst.add.f32.msk $0xffff, v8  }
0x2c0: {  	s21 =	simm.s32 $0x7D0;
	[tilespmem:s8+$0xFFFFF900] =	vst.add.f32.msk $0xffff, v9  }
0x2c1: {  	s22 =	simm.s32 $0x898;
	v3 =	vadd.s32 s21, v1;
	[tilespmem:s8+$0xFFFFF980] =	vst.add.f32.msk $0xffff, v10  }
0x2c2: {  	s23 =	simm.s32 $0x960;
	v4 =	vadd.s32 s22, v1;
	[tilespmem:s8+$0xFFFFFA00] =	vst.add.f32.msk $0xffff, v11  }
0x2c3: {  	s29 =	simm.s32 $0xA28;
	v16 =	vadd.s32 s23, v1;
	[tilespmem:s8+$0xFFFFFA80] =	vst.add.f32.msk $0xffff, v7  }
0x2c4: {  	v18 =	vadd.s32 s29, v1;
	[tilespmem:s8+$0xFFFFFC80] =	vst.add.f32.msk $0xffff, v12  }
0x2c5: {  	[tilespmem:s8+$0xFFFFFD00] =	vst.add.f32.msk $0xffff, v13  }
0x2c6: {  	v6 =	vld.idx.msk [tilespmem:v3+s4+$0x0], $0xffff  }
0x2c7: {  	v5 =	vld.idx.msk [tilespmem:v4+s4+$0x0], $0xffff  }
0x2c8: {  	v4 =	vld.idx.msk [tilespmem:v16+s4+$0x0], $0xffff  }
0x2c9: {  	v3 =	vld.idx.msk [tilespmem:v18+s4+$0x0], $0xffff  }
0x2ca: {  	[tilespmem:s8+$0xFFFFFB00] =	vst.add.f32.msk $0xffff, v14  }
0x2cb: {  	[tilespmem:s8+$0xFFFFFB80] =	vst.add.f32.msk $0xffff, v15  }
0x2cc: {  	s11 =	simm.s32 $0x0;
	s12 =	simm.s32 $0x1838;
	s21 =	smov.u32 s8;
	[tilespmem:s8+$0xFFFFFC00] =	vst.add.f32.msk $0xffff, v17  }
.LBB2_41:
0x2cd: {  	s14 =	sadd.s32 $0xFFFFF510, s12;
	s20 =	sadd.s32 $0xFFFFFF38, s12;
	v7 =	vadd.s32 s12, v1;
	s11 =	sadd.s32 $0x10, s11;
	[tilespmem:s21+$0xFFFFFD80] =	vst.add.f32.msk $0xffff, v6  }
0x2ce: {  	s22 =	sadd.s32 $0xFFFFF6A0, s12;
	v6 =	vadd.s32 s14, v1;
	s14 =	sadd.s32 $0xFFFFF5D8, s12;
	v8 =	vadd.s32 s20, v1;
	p2 =	slt.u32 s11, $0x30;
	[tilespmem:s21+$0xFFFFFE00] =	vst.add.f32.msk $0xffff, v5  }
0x2cf: {  	v9 =	vadd.s32 s22, v1;
	s20 =	sadd.s32 $0xFFFFF830, s12;
	s22 =	sadd.s32 $0xFFFFF8F8, s12;
	v5 =	vadd.s32 s14, v1;
	s14 =	sadd.s32 $0xFFFFF768, s12;
	[tilespmem:s21+$0xFFFFFE80] =	vst.add.f32.msk $0xffff, v4  }
0x2d0: {  	v10 =	vadd.s32 s20, v1;
	v11 =	vadd.s32 s22, v1;
	s20 =	sadd.s32 $0xFFFFFA88, s12;
	s22 =	sadd.s32 $0xFFFFFB50, s12;
	v4 =	vadd.s32 s14, v1;
	s14 =	sadd.s32 $0xFFFFF9C0, s12;
	[tilespmem:s21+$0xFFFFFF00] =	vst.add.f32.msk $0xffff, v3  }
0x2d1: {  	v12 =	vadd.s32 s20, v1;
	v13 =	vadd.s32 s22, v1;
	s20 =	sadd.s32 $0xFFFFFCE0, s12;
	s22 =	sadd.s32 $0xFFFFFDA8, s12;
	v3 =	vadd.s32 s14, v1;
	s14 =	sadd.s32 $0xFFFFFC18, s12;
	[tilespmem:s21+$0x0] =	vst.add.f32.msk $0xffff, v2  }
0x2d2: {  	s23 =	sadd.s32 $0xFFFFF448, s12;
	v15 =	vadd.s32 s20, v1;
	v16 =	vadd.s32 s22, v1;
	v14 =	vadd.s32 s14, v1;
	s14 =	sadd.s32 $0xFFFFFE70, s12;
	v2 =	vld.idx.msk [tilespmem:v7+s4+$0x0], $0xffff  }
0x2d3: {  	v7 =	vadd.s32 s23, v1;
	v17 =	vadd.s32 s14, v1;
	v8 =	vld.idx.msk [tilespmem:v8+s4+$0x0], $0xffff  }
0x2d4: {  	v18 =	vld.idx.msk [tilespmem:v6+s4+$0x0], $0xffff  }
0x2d5: {  	v19 =	vld.idx.msk [tilespmem:v5+s4+$0x0], $0xffff  }
0x2d6: {  	v9 =	vld.idx.msk [tilespmem:v9+s4+$0x0], $0xffff  }
0x2d7: {  	v20 =	vld.idx.msk [tilespmem:v4+s4+$0x0], $0xffff  }
0x2d8: {  	s21 =	sadd.s32 $0x800, s21;
	v7 =	vld.idx.msk [tilespmem:v7+s4+$0x0], $0xffff  }
0x2d9: {  	[tilespmem:s21+$0xFFFFFF80] =	vst.add.f32.msk $0xffff, v8  }
0x2da: {  	v8 =	vld.idx.msk [tilespmem:v10+s4+$0x0], $0xffff  }
0x2db: {  	v10 =	vld.idx.msk [tilespmem:v11+s4+$0x0], $0xffff  }
0x2dc: {  	v11 =	vld.idx.msk [tilespmem:v3+s4+$0x0], $0xffff  }
0x2dd: {  	v12 =	vld.idx.msk [tilespmem:v12+s4+$0x0], $0xffff  }
0x2de: {  	v13 =	vld.idx.msk [tilespmem:v13+s4+$0x0], $0xffff  }
0x2df: {  	v6 =	vld.idx.msk [tilespmem:v14+s4+$0x0], $0xffff  }
0x2e0: {  	v5 =	vld.idx.msk [tilespmem:v15+s4+$0x0], $0xffff  }
0x2e1: {  	v4 =	vld.idx.msk [tilespmem:v16+s4+$0x0], $0xffff  }
0x2e2: {  	v3 =	vld.idx.msk [tilespmem:v17+s4+$0x0], $0xffff  }
0x2e3: {  	[tilespmem:s21+$0xFFFFF880] =	vst.add.f32.msk $0xffff, v7  }
0x2e4: {  	[tilespmem:s21+$0xFFFFF900] =	vst.add.f32.msk $0xffff, v18  }
0x2e5: {  	[tilespmem:s21+$0xFFFFF980] =	vst.add.f32.msk $0xffff, v19  }
0x2e6: {  	[tilespmem:s21+$0xFFFFFA00] =	vst.add.f32.msk $0xffff, v9  }
0x2e7: {  	[tilespmem:s21+$0xFFFFFA80] =	vst.add.f32.msk $0xffff, v20  }
.Ltmp21:
0x2e8: {  	[tilespmem:s21+$0xFFFFFB00] =	vst.add.f32.msk $0xffff, v8;
	(pc) =	sbr.rel @p2 .LBB2_41-.Ltmp21, $4  }
0x2e9: {  	[tilespmem:s21+$0xFFFFFB80] =	vst.add.f32.msk $0xffff, v10  }
0x2ea: {  	[tilespmem:s21+$0xFFFFFC00] =	vst.add.f32.msk $0xffff, v11  }
0x2eb: {  	[tilespmem:s21+$0xFFFFFC80] =	vst.add.f32.msk $0xffff, v12  }
0x2ec: {  	s12 =	sadd.s32 $0xC80, s12;
	[tilespmem:s21+$0xFFFFFD00] =	vst.add.f32.msk $0xffff, v13  }
0x2ed: {  	s7 =	sadd.s32 $0x1, s7  }
0x2ee: {  	p2 =	sne.s32 s7, $0x8  }
.Ltmp22:
0x2ef: {  	[tilespmem:s21+$0xFFFFFD80] =	vst.add.f32.msk $0xffff, v6;
	(pc) =	sbr.rel @p2 .LBB2_40-.Ltmp22, $4  }
0x2f0: {  	[tilespmem:s21+$0xFFFFFE00] =	vst.add.f32.msk $0xffff, v5  }
0x2f1: {  	[tilespmem:s21+$0xFFFFFE80] =	vst.add.f32.msk $0xffff, v4  }
0x2f2: {  	[tilespmem:s21+$0xFFFFFF00] =	vst.add.f32.msk $0xffff, v3  }
0x2f3: {  	[tilespmem:s21+$0x0] =	vst.add.f32.msk $0xffff, v2;
	s8 =	sadd.s32 $0x10, s8  }
0x2f4: {  	s7 =	sor.u32 $0x1, s30  }
0x2f5: {  	s8 =	ssub.s32 s7, s9  }
0x2f6: {  	s11 =	sshra.s32 s8, $0x1F  }
0x2f7: {  	s12 =	sshrl.u32 s11, $0x1D  }
0x2f8: {  	s8 =	sadd.s32 s12, s8  }
0x2f9: {  	s8 =	sshrl.u32 s8, $0x3  }
0x2fa: {  	s8 =	sadd.s32 s11, s8  }
0x2fb: {  	s7 =	sshll.u32 s7, $0x7;
	s8 =	sshll.u32 s8, $0xC  }
0x2fc: {  	s7 =	sand.u32 $0x380, s7;
	s8 =	sshra.s32 s8, $0x2  }
0x2fd: {  	s7 =	sor.u32 s7, s8  }
0x2fe: {  	s30 =	sadd.s32 $0x3200, s7  }
0x2ff: {  	s8 =	simm.s32 $0x7580;
	s7 =	simm.s32 $0x0;
	v0 =	vmov s30  }
.LBB2_44:
0x300: {  	_ =	sdelay $0x2  }
0x301: {  	s11 =	sshll.u32 s7, $0x4  }
0x302: {  	v1 =	vld.idx.msk [tilespmem:v0+s11+$0x0 ss:$0x1], $0xffff;
	_ =	sdelay $0x3  }
0x303: {  	s30 =	simm.s32 $0xBB8  }
0x304: {  	s12 =	simm.s32 $0xAF0;
	v2 =	vadd.s32 s30, v1  }
0x305: {  	s14 =	simm.s32 $0xC8;
	v3 =	vadd.s32 s12, v1  }
0x306: {  	s20 =	simm.s32 $0x190;
	v4 =	vadd.s32 s14, v1  }
0x307: {  	s21 =	simm.s32 $0x258;
	v5 =	vadd.s32 s20, v1  }
0x308: {  	s22 =	simm.s32 $0x320;
	v6 =	vadd.s32 s21, v1  }
0x309: {  	s23 =	simm.s32 $0x0;
	v7 =	vadd.s32 s22, v1;
	v2 =	vld.idx.msk [tilespmem:v2+s4+$0x0], $0xffff  }
0x30a: {  	v8 =	vadd.s32 s23, v1;
	s20 =	simm.s32 $0x640;
	v3 =	vld.idx.msk [tilespmem:v3+s4+$0x0], $0xffff  }
0x30b: {  	s21 =	simm.s32 $0x708;
	v12 =	vadd.s32 s20, v1;
	v9 =	vld.idx.msk [tilespmem:v4+s4+$0x0], $0xffff  }
0x30c: {  	v13 =	vadd.s32 s21, v1;
	v10 =	vld.idx.msk [tilespmem:v5+s4+$0x0], $0xffff  }
0x30d: {  	s29 =	simm.s32 $0x3E8;
	v11 =	vld.idx.msk [tilespmem:v6+s4+$0x0], $0xffff  }
0x30e: {  	s30 =	simm.s32 $0x4B0;
	v4 =	vadd.s32 s29, v1;
	v7 =	vld.idx.msk [tilespmem:v7+s4+$0x0], $0xffff  }
0x30f: {  	s14 =	simm.s32 $0x578;
	v5 =	vadd.s32 s30, v1;
	v8 =	vld.idx.msk [tilespmem:v8+s4+$0x0], $0xffff  }
0x310: {  	v6 =	vadd.s32 s14, v1;
	v12 =	vld.idx.msk [tilespmem:v12+s4+$0x0], $0xffff  }
0x311: {  	v13 =	vld.idx.msk [tilespmem:v13+s4+$0x0], $0xffff  }
0x312: {  	[tilespmem:s8+$0xFFFFFF80] =	vst.add.f32.msk $0xffff, v3  }
0x313: {  	v14 =	vld.idx.msk [tilespmem:v4+s4+$0x0], $0xffff  }
0x314: {  	v15 =	vld.idx.msk [tilespmem:v5+s4+$0x0], $0xffff  }
0x315: {  	v17 =	vld.idx.msk [tilespmem:v6+s4+$0x0], $0xffff  }
0x316: {  	[tilespmem:s8+$0xFFFFF880] =	vst.add.f32.msk $0xffff, v8  }
0x317: {  	s22 =	simm.s32 $0x7D0;
	[tilespmem:s8+$0xFFFFF900] =	vst.add.f32.msk $0xffff, v9  }
0x318: {  	s23 =	simm.s32 $0x898;
	v3 =	vadd.s32 s22, v1;
	[tilespmem:s8+$0xFFFFF980] =	vst.add.f32.msk $0xffff, v10  }
0x319: {  	s29 =	simm.s32 $0x960;
	v4 =	vadd.s32 s23, v1;
	[tilespmem:s8+$0xFFFFFA00] =	vst.add.f32.msk $0xffff, v11  }
0x31a: {  	s30 =	simm.s32 $0xA28;
	v16 =	vadd.s32 s29, v1;
	[tilespmem:s8+$0xFFFFFA80] =	vst.add.f32.msk $0xffff, v7  }
0x31b: {  	v18 =	vadd.s32 s30, v1;
	[tilespmem:s8+$0xFFFFFC80] =	vst.add.f32.msk $0xffff, v12  }
0x31c: {  	[tilespmem:s8+$0xFFFFFD00] =	vst.add.f32.msk $0xffff, v13  }
0x31d: {  	v6 =	vld.idx.msk [tilespmem:v3+s4+$0x0], $0xffff  }
0x31e: {  	v5 =	vld.idx.msk [tilespmem:v4+s4+$0x0], $0xffff  }
0x31f: {  	v4 =	vld.idx.msk [tilespmem:v16+s4+$0x0], $0xffff  }
0x320: {  	v3 =	vld.idx.msk [tilespmem:v18+s4+$0x0], $0xffff  }
0x321: {  	[tilespmem:s8+$0xFFFFFB00] =	vst.add.f32.msk $0xffff, v14  }
0x322: {  	[tilespmem:s8+$0xFFFFFB80] =	vst.add.f32.msk $0xffff, v15  }
0x323: {  	s11 =	simm.s32 $0x0;
	s12 =	simm.s32 $0x1838;
	s21 =	smov.u32 s8;
	[tilespmem:s8+$0xFFFFFC00] =	vst.add.f32.msk $0xffff, v17  }
.LBB2_45:
0x324: {  	s14 =	sadd.s32 $0xFFFFF510, s12;
	s20 =	sadd.s32 $0xFFFFFF38, s12;
	v7 =	vadd.s32 s12, v1;
	s11 =	sadd.s32 $0x10, s11;
	[tilespmem:s21+$0xFFFFFD80] =	vst.add.f32.msk $0xffff, v6  }
0x325: {  	s22 =	sadd.s32 $0xFFFFF6A0, s12;
	v6 =	vadd.s32 s14, v1;
	s14 =	sadd.s32 $0xFFFFF5D8, s12;
	v8 =	vadd.s32 s20, v1;
	p2 =	slt.u32 s11, $0x30;
	[tilespmem:s21+$0xFFFFFE00] =	vst.add.f32.msk $0xffff, v5  }
0x326: {  	v9 =	vadd.s32 s22, v1;
	s20 =	sadd.s32 $0xFFFFF830, s12;
	s22 =	sadd.s32 $0xFFFFF8F8, s12;
	v5 =	vadd.s32 s14, v1;
	s14 =	sadd.s32 $0xFFFFF768, s12;
	[tilespmem:s21+$0xFFFFFE80] =	vst.add.f32.msk $0xffff, v4  }
0x327: {  	v10 =	vadd.s32 s20, v1;
	v11 =	vadd.s32 s22, v1;
	s20 =	sadd.s32 $0xFFFFFA88, s12;
	s22 =	sadd.s32 $0xFFFFFB50, s12;
	v4 =	vadd.s32 s14, v1;
	s14 =	sadd.s32 $0xFFFFF9C0, s12;
	[tilespmem:s21+$0xFFFFFF00] =	vst.add.f32.msk $0xffff, v3  }
0x328: {  	v12 =	vadd.s32 s20, v1;
	v13 =	vadd.s32 s22, v1;
	s20 =	sadd.s32 $0xFFFFFCE0, s12;
	s22 =	sadd.s32 $0xFFFFFDA8, s12;
	v3 =	vadd.s32 s14, v1;
	s14 =	sadd.s32 $0xFFFFFC18, s12;
	[tilespmem:s21+$0x0] =	vst.add.f32.msk $0xffff, v2  }
0x329: {  	s23 =	sadd.s32 $0xFFFFF448, s12;
	v15 =	vadd.s32 s20, v1;
	v16 =	vadd.s32 s22, v1;
	v14 =	vadd.s32 s14, v1;
	s14 =	sadd.s32 $0xFFFFFE70, s12;
	v2 =	vld.idx.msk [tilespmem:v7+s4+$0x0], $0xffff  }
0x32a: {  	v7 =	vadd.s32 s23, v1;
	v17 =	vadd.s32 s14, v1;
	v8 =	vld.idx.msk [tilespmem:v8+s4+$0x0], $0xffff  }
0x32b: {  	v18 =	vld.idx.msk [tilespmem:v6+s4+$0x0], $0xffff  }
0x32c: {  	v19 =	vld.idx.msk [tilespmem:v5+s4+$0x0], $0xffff  }
0x32d: {  	v9 =	vld.idx.msk [tilespmem:v9+s4+$0x0], $0xffff  }
0x32e: {  	v20 =	vld.idx.msk [tilespmem:v4+s4+$0x0], $0xffff  }
0x32f: {  	s21 =	sadd.s32 $0x800, s21;
	v7 =	vld.idx.msk [tilespmem:v7+s4+$0x0], $0xffff  }
0x330: {  	[tilespmem:s21+$0xFFFFFF80] =	vst.add.f32.msk $0xffff, v8  }
0x331: {  	v8 =	vld.idx.msk [tilespmem:v10+s4+$0x0], $0xffff  }
0x332: {  	v10 =	vld.idx.msk [tilespmem:v11+s4+$0x0], $0xffff  }
0x333: {  	v11 =	vld.idx.msk [tilespmem:v3+s4+$0x0], $0xffff  }
0x334: {  	v12 =	vld.idx.msk [tilespmem:v12+s4+$0x0], $0xffff  }
0x335: {  	v13 =	vld.idx.msk [tilespmem:v13+s4+$0x0], $0xffff  }
0x336: {  	v6 =	vld.idx.msk [tilespmem:v14+s4+$0x0], $0xffff  }
0x337: {  	v5 =	vld.idx.msk [tilespmem:v15+s4+$0x0], $0xffff  }
0x338: {  	v4 =	vld.idx.msk [tilespmem:v16+s4+$0x0], $0xffff  }
0x339: {  	v3 =	vld.idx.msk [tilespmem:v17+s4+$0x0], $0xffff  }
0x33a: {  	[tilespmem:s21+$0xFFFFF880] =	vst.add.f32.msk $0xffff, v7  }
0x33b: {  	[tilespmem:s21+$0xFFFFF900] =	vst.add.f32.msk $0xffff, v18  }
0x33c: {  	[tilespmem:s21+$0xFFFFF980] =	vst.add.f32.msk $0xffff, v19  }
0x33d: {  	[tilespmem:s21+$0xFFFFFA00] =	vst.add.f32.msk $0xffff, v9  }
0x33e: {  	[tilespmem:s21+$0xFFFFFA80] =	vst.add.f32.msk $0xffff, v20  }
.Ltmp23:
0x33f: {  	[tilespmem:s21+$0xFFFFFB00] =	vst.add.f32.msk $0xffff, v8;
	(pc) =	sbr.rel @p2 .LBB2_45-.Ltmp23, $4  }
0x340: {  	[tilespmem:s21+$0xFFFFFB80] =	vst.add.f32.msk $0xffff, v10  }
0x341: {  	[tilespmem:s21+$0xFFFFFC00] =	vst.add.f32.msk $0xffff, v11  }
0x342: {  	[tilespmem:s21+$0xFFFFFC80] =	vst.add.f32.msk $0xffff, v12  }
0x343: {  	s12 =	sadd.s32 $0xC80, s12;
	[tilespmem:s21+$0xFFFFFD00] =	vst.add.f32.msk $0xffff, v13  }
0x344: {  	s7 =	sadd.s32 $0x1, s7  }
0x345: {  	p2 =	sne.s32 s7, $0x8  }
.Ltmp24:
0x346: {  	[tilespmem:s21+$0xFFFFFD80] =	vst.add.f32.msk $0xffff, v6;
	(pc) =	sbr.rel @p2 .LBB2_44-.Ltmp24, $4  }
0x347: {  	[tilespmem:s21+$0xFFFFFE00] =	vst.add.f32.msk $0xffff, v5  }
0x348: {  	[tilespmem:s21+$0xFFFFFE80] =	vst.add.f32.msk $0xffff, v4  }
0x349: {  	[tilespmem:s21+$0xFFFFFF00] =	vst.add.f32.msk $0xffff, v3  }
0x34a: {  	[tilespmem:s21+$0x0] =	vst.add.f32.msk $0xffff, v2;
	s8 =	sadd.s32 $0x10, s8  }
.Ltmp25:
0x34b: {  	(pc) =	sbr.rel @p0 .LBB2_50-.Ltmp25, $3  }
0x34c: {  	_ =	sdelay $0x1  }
0x34d: {  	s7 =	sadd.s32 s3, s18  }
0x34e: {  	[hbm4b:s7+s15] =	stream.strided.scatter [tilespmem:s19], [sflag:$0x8], $0x4000, s16, s15, $0x38;
	[tilespmem:$0x1CE00] =	vst v63  }
0x34f: {  	p2 =	seq.s32 s2, $0x4  }
.Ltmp26:
0x350: {  	_ = 	snop;
	(pc) =	sbr.rel @p2 .LBB2_51-.Ltmp26, $1  }
0x351: {  	_ =	sdelay $0x3  }
0x352: {  	s7 =	simm.s32 $0xC  }
0x353: {  	_ =	swait.ge [sflag:s7], $0x4000  }
0x354: {  	[sflag:s7] =	ssyncset.done $0x0  }
0x355: {  	[sflag:s7] =	ssyncadd.s32 $0xFFFFC000  }
.LBB2_50:
0x356: {  	s7 =	smul.u32 $0xC0000, s2  }
0x357: {  	s8 =	rddreg [dreg:$0x8]  }
0x358: {  	s7 =	sadd.s32 s7, s8  }
0x359: {  	s7 =	sshrl.u32 s7, $0x3  }
0x35a: {  	s30 =	simm.s32 $0x14E00;
	s7 =	sadd.s32 s1, s7  }
0x35b: {  	[tilespmem:s30], [sflag:$0x6] =	stream.strided.gather [hbm4b:s7+s15], $0x4000, s16, s15, $0x38;
	[tilespmem:$0x1CE00] =	vst v63  }
.LBB2_51:
.Ltmp27:
0x35c: {  	(pc) =	sbr.rel @p1 .LBB2_61-.Ltmp27, $1  }
0x35d: {  	_ =	sdelay $0x3  }
0x35e: {  	s0 =	sshll.u32 s0, $0x1  }
0x35f: {  	s0 =	sadd.s32 s5, s0  }
0x360: {  	s7 =	ssub.s32 s0, s9  }
0x361: {  	s8 =	sshra.s32 s7, $0x1F  }
0x362: {  	s12 =	simm.s32 $0x1;
	p1 =	sne.s32 s0, s9;
	s11 =	sshrl.u32 s8, $0x1D  }
0x363: {  	s12 =	simm.s32 @!p1 $0x0;
	s11 =	sadd.s32 s11, s7  }
0x364: {  	s8 =	sor.u32 s12, s8;
	s23 =	sand.u32 $0xFFFFFFF8, s11  }
0x365: {  	p6 =	sne.s32 s8, $0x1;
	p2 =	sne.s32 s7, s23  }
0x366: {  	p1 =	por !p2, !p6  }
0x367: {  	s8 =	simm.s32 $0x1;
	p1 =	por !p1, !p1  }
0x368: {  	s11 =	sshrl.u32 s11, $0x3;
	s8 =	simm.s32 @!p1 $0x0  }
0x369: {  	s7 =	sshll.u32 s7, $0x7;
	s8 =	ssub.s32 s11, s8  }
0x36a: {  	s7 =	sadd.s32 $0x400, s7;
	s8 =	sshll.u32 s8, $0xC  }
0x36b: {  	s29 =	simm.s32 $0x3;
	s7 =	sand.u32 $0x300, s7;
	s8 =	sshra.s32 s8, $0x2  }
0x36c: {  	_ =	swait.ge [sflag:s29], $0x4000;
	s7 =	sor.u32 s7, s8  }
0x36d: {  	[sflag:s29] =	ssyncset.done $0x0;
	s30 =	sadd.s32 $0x3200, s7  }
0x36e: {  	[sflag:s29] =	ssyncadd.s32 $0xFFFFC000;
	s8 =	simm.s32 $0x9580;
	s7 =	simm.s32 $0x0;
	v0 =	vmov s30  }
.LBB2_53:
0x36f: {  	_ =	sdelay $0x2  }
0x370: {  	s11 =	sshll.u32 s7, $0x4  }
0x371: {  	v1 =	vld.idx.msk [tilespmem:v0+s11+$0x0 ss:$0x1], $0xffff;
	_ =	sdelay $0x3  }
0x372: {  	s20 =	simm.s32 $0xBB8  }
0x373: {  	s12 =	simm.s32 $0xAF0;
	v2 =	vadd.s32 s20, v1  }
0x374: {  	s21 =	simm.s32 $0xC8;
	v3 =	vadd.s32 s12, v1  }
0x375: {  	s22 =	simm.s32 $0x190;
	v4 =	vadd.s32 s21, v1  }
0x376: {  	s23 =	simm.s32 $0x258;
	v5 =	vadd.s32 s22, v1  }
0x377: {  	s29 =	simm.s32 $0x320;
	v6 =	vadd.s32 s23, v1  }
0x378: {  	s30 =	simm.s32 $0x0;
	v7 =	vadd.s32 s29, v1;
	v2 =	vld.idx.msk [tilespmem:v2+s4+$0x0], $0xffff  }
0x379: {  	v8 =	vadd.s32 s30, v1;
	s20 =	simm.s32 $0x640;
	v3 =	vld.idx.msk [tilespmem:v3+s4+$0x0], $0xffff  }
0x37a: {  	s21 =	simm.s32 $0x708;
	v12 =	vadd.s32 s20, v1;
	v9 =	vld.idx.msk [tilespmem:v4+s4+$0x0], $0xffff  }
0x37b: {  	v13 =	vadd.s32 s21, v1;
	v10 =	vld.idx.msk [tilespmem:v5+s4+$0x0], $0xffff  }
0x37c: {  	s12 =	simm.s32 $0x3E8;
	v11 =	vld.idx.msk [tilespmem:v6+s4+$0x0], $0xffff  }
0x37d: {  	s14 =	simm.s32 $0x4B0;
	v4 =	vadd.s32 s12, v1;
	v7 =	vld.idx.msk [tilespmem:v7+s4+$0x0], $0xffff  }
0x37e: {  	s18 =	simm.s32 $0x578;
	v5 =	vadd.s32 s14, v1;
	v8 =	vld.idx.msk [tilespmem:v8+s4+$0x0], $0xffff  }
0x37f: {  	v6 =	vadd.s32 s18, v1;
	v12 =	vld.idx.msk [tilespmem:v12+s4+$0x0], $0xffff  }
0x380: {  	v13 =	vld.idx.msk [tilespmem:v13+s4+$0x0], $0xffff  }
0x381: {  	[tilespmem:s8+$0xFFFFFF80] =	vst.add.f32.msk $0xffff, v3  }
0x382: {  	v14 =	vld.idx.msk [tilespmem:v4+s4+$0x0], $0xffff  }
0x383: {  	v15 =	vld.idx.msk [tilespmem:v5+s4+$0x0], $0xffff  }
0x384: {  	v17 =	vld.idx.msk [tilespmem:v6+s4+$0x0], $0xffff  }
0x385: {  	[tilespmem:s8+$0xFFFFF880] =	vst.add.f32.msk $0xffff, v8  }
0x386: {  	s22 =	simm.s32 $0x7D0;
	[tilespmem:s8+$0xFFFFF900] =	vst.add.f32.msk $0xffff, v9  }
0x387: {  	s23 =	simm.s32 $0x898;
	v3 =	vadd.s32 s22, v1;
	[tilespmem:s8+$0xFFFFF980] =	vst.add.f32.msk $0xffff, v10  }
0x388: {  	s29 =	simm.s32 $0x960;
	v4 =	vadd.s32 s23, v1;
	[tilespmem:s8+$0xFFFFFA00] =	vst.add.f32.msk $0xffff, v11  }
0x389: {  	s30 =	simm.s32 $0xA28;
	v16 =	vadd.s32 s29, v1;
	[tilespmem:s8+$0xFFFFFA80] =	vst.add.f32.msk $0xffff, v7  }
0x38a: {  	v18 =	vadd.s32 s30, v1;
	[tilespmem:s8+$0xFFFFFC80] =	vst.add.f32.msk $0xffff, v12  }
0x38b: {  	[tilespmem:s8+$0xFFFFFD00] =	vst.add.f32.msk $0xffff, v13  }
0x38c: {  	v6 =	vld.idx.msk [tilespmem:v3+s4+$0x0], $0xffff  }
0x38d: {  	v5 =	vld.idx.msk [tilespmem:v4+s4+$0x0], $0xffff  }
0x38e: {  	v4 =	vld.idx.msk [tilespmem:v16+s4+$0x0], $0xffff  }
0x38f: {  	v3 =	vld.idx.msk [tilespmem:v18+s4+$0x0], $0xffff  }
0x390: {  	[tilespmem:s8+$0xFFFFFB00] =	vst.add.f32.msk $0xffff, v14  }
0x391: {  	[tilespmem:s8+$0xFFFFFB80] =	vst.add.f32.msk $0xffff, v15  }
0x392: {  	s11 =	simm.s32 $0x0;
	s12 =	simm.s32 $0x1838;
	s18 =	smov.u32 s8;
	[tilespmem:s8+$0xFFFFFC00] =	vst.add.f32.msk $0xffff, v17  }
.LBB2_54:
0x393: {  	s14 =	sadd.s32 $0xFFFFF510, s12;
	s20 =	sadd.s32 $0xFFFFFF38, s12;
	v7 =	vadd.s32 s12, v1;
	s11 =	sadd.s32 $0x10, s11;
	[tilespmem:s18+$0xFFFFFD80] =	vst.add.f32.msk $0xffff, v6  }
0x394: {  	s21 =	sadd.s32 $0xFFFFF6A0, s12;
	v6 =	vadd.s32 s14, v1;
	s14 =	sadd.s32 $0xFFFFF5D8, s12;
	v8 =	vadd.s32 s20, v1;
	p1 =	slt.u32 s11, $0x30;
	[tilespmem:s18+$0xFFFFFE00] =	vst.add.f32.msk $0xffff, v5  }
0x395: {  	v9 =	vadd.s32 s21, v1;
	s20 =	sadd.s32 $0xFFFFF830, s12;
	s21 =	sadd.s32 $0xFFFFF8F8, s12;
	v5 =	vadd.s32 s14, v1;
	s14 =	sadd.s32 $0xFFFFF768, s12;
	[tilespmem:s18+$0xFFFFFE80] =	vst.add.f32.msk $0xffff, v4  }
0x396: {  	v10 =	vadd.s32 s20, v1;
	v11 =	vadd.s32 s21, v1;
	s20 =	sadd.s32 $0xFFFFFA88, s12;
	s21 =	sadd.s32 $0xFFFFFB50, s12;
	v4 =	vadd.s32 s14, v1;
	s14 =	sadd.s32 $0xFFFFF9C0, s12;
	[tilespmem:s18+$0xFFFFFF00] =	vst.add.f32.msk $0xffff, v3  }
0x397: {  	v12 =	vadd.s32 s20, v1;
	v13 =	vadd.s32 s21, v1;
	s20 =	sadd.s32 $0xFFFFFCE0, s12;
	s21 =	sadd.s32 $0xFFFFFDA8, s12;
	v3 =	vadd.s32 s14, v1;
	s14 =	sadd.s32 $0xFFFFFC18, s12;
	[tilespmem:s18+$0x0] =	vst.add.f32.msk $0xffff, v2  }
0x398: {  	s22 =	sadd.s32 $0xFFFFF448, s12;
	v15 =	vadd.s32 s20, v1;
	v16 =	vadd.s32 s21, v1;
	v14 =	vadd.s32 s14, v1;
	s14 =	sadd.s32 $0xFFFFFE70, s12;
	v2 =	vld.idx.msk [tilespmem:v7+s4+$0x0], $0xffff  }
0x399: {  	v7 =	vadd.s32 s22, v1;
	v17 =	vadd.s32 s14, v1;
	v8 =	vld.idx.msk [tilespmem:v8+s4+$0x0], $0xffff  }
0x39a: {  	v18 =	vld.idx.msk [tilespmem:v6+s4+$0x0], $0xffff  }
0x39b: {  	v19 =	vld.idx.msk [tilespmem:v5+s4+$0x0], $0xffff  }
0x39c: {  	v9 =	vld.idx.msk [tilespmem:v9+s4+$0x0], $0xffff  }
0x39d: {  	v20 =	vld.idx.msk [tilespmem:v4+s4+$0x0], $0xffff  }
0x39e: {  	s18 =	sadd.s32 $0x800, s18;
	v7 =	vld.idx.msk [tilespmem:v7+s4+$0x0], $0xffff  }
0x39f: {  	[tilespmem:s18+$0xFFFFFF80] =	vst.add.f32.msk $0xffff, v8  }
0x3a0: {  	v8 =	vld.idx.msk [tilespmem:v10+s4+$0x0], $0xffff  }
0x3a1: {  	v10 =	vld.idx.msk [tilespmem:v11+s4+$0x0], $0xffff  }
0x3a2: {  	v11 =	vld.idx.msk [tilespmem:v3+s4+$0x0], $0xffff  }
0x3a3: {  	v12 =	vld.idx.msk [tilespmem:v12+s4+$0x0], $0xffff  }
0x3a4: {  	v13 =	vld.idx.msk [tilespmem:v13+s4+$0x0], $0xffff  }
0x3a5: {  	v6 =	vld.idx.msk [tilespmem:v14+s4+$0x0], $0xffff  }
0x3a6: {  	v5 =	vld.idx.msk [tilespmem:v15+s4+$0x0], $0xffff  }
0x3a7: {  	v4 =	vld.idx.msk [tilespmem:v16+s4+$0x0], $0xffff  }
0x3a8: {  	v3 =	vld.idx.msk [tilespmem:v17+s4+$0x0], $0xffff  }
0x3a9: {  	[tilespmem:s18+$0xFFFFF880] =	vst.add.f32.msk $0xffff, v7  }
0x3aa: {  	[tilespmem:s18+$0xFFFFF900] =	vst.add.f32.msk $0xffff, v18  }
0x3ab: {  	[tilespmem:s18+$0xFFFFF980] =	vst.add.f32.msk $0xffff, v19  }
0x3ac: {  	[tilespmem:s18+$0xFFFFFA00] =	vst.add.f32.msk $0xffff, v9  }
0x3ad: {  	[tilespmem:s18+$0xFFFFFA80] =	vst.add.f32.msk $0xffff, v20  }
.Ltmp28:
0x3ae: {  	[tilespmem:s18+$0xFFFFFB00] =	vst.add.f32.msk $0xffff, v8;
	(pc) =	sbr.rel @p1 .LBB2_54-.Ltmp28, $4  }
0x3af: {  	[tilespmem:s18+$0xFFFFFB80] =	vst.add.f32.msk $0xffff, v10  }
0x3b0: {  	[tilespmem:s18+$0xFFFFFC00] =	vst.add.f32.msk $0xffff, v11  }
0x3b1: {  	[tilespmem:s18+$0xFFFFFC80] =	vst.add.f32.msk $0xffff, v12  }
0x3b2: {  	s12 =	sadd.s32 $0xC80, s12;
	[tilespmem:s18+$0xFFFFFD00] =	vst.add.f32.msk $0xffff, v13  }
0x3b3: {  	s7 =	sadd.s32 $0x1, s7  }
0x3b4: {  	p1 =	sne.s32 s7, $0x8  }
.Ltmp29:
0x3b5: {  	[tilespmem:s18+$0xFFFFFD80] =	vst.add.f32.msk $0xffff, v6;
	(pc) =	sbr.rel @p1 .LBB2_53-.Ltmp29, $4  }
0x3b6: {  	[tilespmem:s18+$0xFFFFFE00] =	vst.add.f32.msk $0xffff, v5  }
0x3b7: {  	[tilespmem:s18+$0xFFFFFE80] =	vst.add.f32.msk $0xffff, v4  }
0x3b8: {  	[tilespmem:s18+$0xFFFFFF00] =	vst.add.f32.msk $0xffff, v3  }
0x3b9: {  	[tilespmem:s18+$0x0] =	vst.add.f32.msk $0xffff, v2;
	s8 =	sadd.s32 $0x10, s8  }
0x3ba: {  	s7 =	sor.u32 $0x1, s0  }
0x3bb: {  	s8 =	ssub.s32 s7, s9  }
0x3bc: {  	s11 =	sshra.s32 s8, $0x1F  }
0x3bd: {  	s12 =	sshrl.u32 s11, $0x1D  }
0x3be: {  	s8 =	sadd.s32 s12, s8  }
0x3bf: {  	s8 =	sshrl.u32 s8, $0x3  }
0x3c0: {  	s8 =	sadd.s32 s11, s8  }
0x3c1: {  	s7 =	sshll.u32 s7, $0x7;
	s8 =	sshll.u32 s8, $0xC  }
0x3c2: {  	s7 =	sand.u32 $0x380, s7;
	s8 =	sshra.s32 s8, $0x2  }
0x3c3: {  	s7 =	sor.u32 s7, s8  }
0x3c4: {  	s30 =	sadd.s32 $0x3200, s7  }
0x3c5: {  	s8 =	simm.s32 $0xB580;
	s7 =	simm.s32 $0x0;
	v0 =	vmov s30  }
.LBB2_57:
0x3c6: {  	_ =	sdelay $0x2  }
0x3c7: {  	s11 =	sshll.u32 s7, $0x4  }
0x3c8: {  	v1 =	vld.idx.msk [tilespmem:v0+s11+$0x0 ss:$0x1], $0xffff;
	_ =	sdelay $0x3  }
0x3c9: {  	s20 =	simm.s32 $0xBB8  }
0x3ca: {  	s12 =	simm.s32 $0xAF0;
	v2 =	vadd.s32 s20, v1  }
0x3cb: {  	s21 =	simm.s32 $0xC8;
	v3 =	vadd.s32 s12, v1  }
0x3cc: {  	s22 =	simm.s32 $0x190;
	v4 =	vadd.s32 s21, v1  }
0x3cd: {  	s23 =	simm.s32 $0x258;
	v5 =	vadd.s32 s22, v1  }
0x3ce: {  	s29 =	simm.s32 $0x320;
	v6 =	vadd.s32 s23, v1  }
0x3cf: {  	s30 =	simm.s32 $0x0;
	v7 =	vadd.s32 s29, v1;
	v2 =	vld.idx.msk [tilespmem:v2+s4+$0x0], $0xffff  }
0x3d0: {  	v8 =	vadd.s32 s30, v1;
	s20 =	simm.s32 $0x640;
	v3 =	vld.idx.msk [tilespmem:v3+s4+$0x0], $0xffff  }
0x3d1: {  	s21 =	simm.s32 $0x708;
	v12 =	vadd.s32 s20, v1;
	v9 =	vld.idx.msk [tilespmem:v4+s4+$0x0], $0xffff  }
0x3d2: {  	v13 =	vadd.s32 s21, v1;
	v10 =	vld.idx.msk [tilespmem:v5+s4+$0x0], $0xffff  }
0x3d3: {  	s12 =	simm.s32 $0x3E8;
	v11 =	vld.idx.msk [tilespmem:v6+s4+$0x0], $0xffff  }
0x3d4: {  	s14 =	simm.s32 $0x4B0;
	v4 =	vadd.s32 s12, v1;
	v7 =	vld.idx.msk [tilespmem:v7+s4+$0x0], $0xffff  }
0x3d5: {  	s18 =	simm.s32 $0x578;
	v5 =	vadd.s32 s14, v1;
	v8 =	vld.idx.msk [tilespmem:v8+s4+$0x0], $0xffff  }
0x3d6: {  	v6 =	vadd.s32 s18, v1;
	v12 =	vld.idx.msk [tilespmem:v12+s4+$0x0], $0xffff  }
0x3d7: {  	v13 =	vld.idx.msk [tilespmem:v13+s4+$0x0], $0xffff  }
0x3d8: {  	[tilespmem:s8+$0xFFFFFF80] =	vst.add.f32.msk $0xffff, v3  }
0x3d9: {  	v14 =	vld.idx.msk [tilespmem:v4+s4+$0x0], $0xffff  }
0x3da: {  	v15 =	vld.idx.msk [tilespmem:v5+s4+$0x0], $0xffff  }
0x3db: {  	v17 =	vld.idx.msk [tilespmem:v6+s4+$0x0], $0xffff  }
0x3dc: {  	[tilespmem:s8+$0xFFFFF880] =	vst.add.f32.msk $0xffff, v8  }
0x3dd: {  	s22 =	simm.s32 $0x7D0;
	[tilespmem:s8+$0xFFFFF900] =	vst.add.f32.msk $0xffff, v9  }
0x3de: {  	s23 =	simm.s32 $0x898;
	v3 =	vadd.s32 s22, v1;
	[tilespmem:s8+$0xFFFFF980] =	vst.add.f32.msk $0xffff, v10  }
0x3df: {  	s29 =	simm.s32 $0x960;
	v4 =	vadd.s32 s23, v1;
	[tilespmem:s8+$0xFFFFFA00] =	vst.add.f32.msk $0xffff, v11  }
0x3e0: {  	s30 =	simm.s32 $0xA28;
	v16 =	vadd.s32 s29, v1;
	[tilespmem:s8+$0xFFFFFA80] =	vst.add.f32.msk $0xffff, v7  }
0x3e1: {  	v18 =	vadd.s32 s30, v1;
	[tilespmem:s8+$0xFFFFFC80] =	vst.add.f32.msk $0xffff, v12  }
0x3e2: {  	[tilespmem:s8+$0xFFFFFD00] =	vst.add.f32.msk $0xffff, v13  }
0x3e3: {  	v6 =	vld.idx.msk [tilespmem:v3+s4+$0x0], $0xffff  }
0x3e4: {  	v5 =	vld.idx.msk [tilespmem:v4+s4+$0x0], $0xffff  }
0x3e5: {  	v4 =	vld.idx.msk [tilespmem:v16+s4+$0x0], $0xffff  }
0x3e6: {  	v3 =	vld.idx.msk [tilespmem:v18+s4+$0x0], $0xffff  }
0x3e7: {  	[tilespmem:s8+$0xFFFFFB00] =	vst.add.f32.msk $0xffff, v14  }
0x3e8: {  	[tilespmem:s8+$0xFFFFFB80] =	vst.add.f32.msk $0xffff, v15  }
0x3e9: {  	s11 =	simm.s32 $0x0;
	s12 =	simm.s32 $0x1838;
	s18 =	smov.u32 s8;
	[tilespmem:s8+$0xFFFFFC00] =	vst.add.f32.msk $0xffff, v17  }
.LBB2_58:
0x3ea: {  	s14 =	sadd.s32 $0xFFFFF510, s12;
	s20 =	sadd.s32 $0xFFFFFF38, s12;
	v7 =	vadd.s32 s12, v1;
	s11 =	sadd.s32 $0x10, s11;
	[tilespmem:s18+$0xFFFFFD80] =	vst.add.f32.msk $0xffff, v6  }
0x3eb: {  	s21 =	sadd.s32 $0xFFFFF6A0, s12;
	v6 =	vadd.s32 s14, v1;
	s14 =	sadd.s32 $0xFFFFF5D8, s12;
	v8 =	vadd.s32 s20, v1;
	p1 =	slt.u32 s11, $0x30;
	[tilespmem:s18+$0xFFFFFE00] =	vst.add.f32.msk $0xffff, v5  }
0x3ec: {  	v9 =	vadd.s32 s21, v1;
	s20 =	sadd.s32 $0xFFFFF830, s12;
	s21 =	sadd.s32 $0xFFFFF8F8, s12;
	v5 =	vadd.s32 s14, v1;
	s14 =	sadd.s32 $0xFFFFF768, s12;
	[tilespmem:s18+$0xFFFFFE80] =	vst.add.f32.msk $0xffff, v4  }
0x3ed: {  	v10 =	vadd.s32 s20, v1;
	v11 =	vadd.s32 s21, v1;
	s20 =	sadd.s32 $0xFFFFFA88, s12;
	s21 =	sadd.s32 $0xFFFFFB50, s12;
	v4 =	vadd.s32 s14, v1;
	s14 =	sadd.s32 $0xFFFFF9C0, s12;
	[tilespmem:s18+$0xFFFFFF00] =	vst.add.f32.msk $0xffff, v3  }
0x3ee: {  	v12 =	vadd.s32 s20, v1;
	v13 =	vadd.s32 s21, v1;
	s20 =	sadd.s32 $0xFFFFFCE0, s12;
	s21 =	sadd.s32 $0xFFFFFDA8, s12;
	v3 =	vadd.s32 s14, v1;
	s14 =	sadd.s32 $0xFFFFFC18, s12;
	[tilespmem:s18+$0x0] =	vst.add.f32.msk $0xffff, v2  }
0x3ef: {  	s22 =	sadd.s32 $0xFFFFF448, s12;
	v15 =	vadd.s32 s20, v1;
	v16 =	vadd.s32 s21, v1;
	v14 =	vadd.s32 s14, v1;
	s14 =	sadd.s32 $0xFFFFFE70, s12;
	v2 =	vld.idx.msk [tilespmem:v7+s4+$0x0], $0xffff  }
0x3f0: {  	v7 =	vadd.s32 s22, v1;
	v17 =	vadd.s32 s14, v1;
	v8 =	vld.idx.msk [tilespmem:v8+s4+$0x0], $0xffff  }
0x3f1: {  	v18 =	vld.idx.msk [tilespmem:v6+s4+$0x0], $0xffff  }
0x3f2: {  	v19 =	vld.idx.msk [tilespmem:v5+s4+$0x0], $0xffff  }
0x3f3: {  	v9 =	vld.idx.msk [tilespmem:v9+s4+$0x0], $0xffff  }
0x3f4: {  	v20 =	vld.idx.msk [tilespmem:v4+s4+$0x0], $0xffff  }
0x3f5: {  	s18 =	sadd.s32 $0x800, s18;
	v7 =	vld.idx.msk [tilespmem:v7+s4+$0x0], $0xffff  }
0x3f6: {  	[tilespmem:s18+$0xFFFFFF80] =	vst.add.f32.msk $0xffff, v8  }
0x3f7: {  	v8 =	vld.idx.msk [tilespmem:v10+s4+$0x0], $0xffff  }
0x3f8: {  	v10 =	vld.idx.msk [tilespmem:v11+s4+$0x0], $0xffff  }
0x3f9: {  	v11 =	vld.idx.msk [tilespmem:v3+s4+$0x0], $0xffff  }
0x3fa: {  	v12 =	vld.idx.msk [tilespmem:v12+s4+$0x0], $0xffff  }
0x3fb: {  	v13 =	vld.idx.msk [tilespmem:v13+s4+$0x0], $0xffff  }
0x3fc: {  	v6 =	vld.idx.msk [tilespmem:v14+s4+$0x0], $0xffff  }
0x3fd: {  	v5 =	vld.idx.msk [tilespmem:v15+s4+$0x0], $0xffff  }
0x3fe: {  	v4 =	vld.idx.msk [tilespmem:v16+s4+$0x0], $0xffff  }
0x3ff: {  	v3 =	vld.idx.msk [tilespmem:v17+s4+$0x0], $0xffff  }
0x400: {  	[tilespmem:s18+$0xFFFFF880] =	vst.add.f32.msk $0xffff, v7  }
0x401: {  	[tilespmem:s18+$0xFFFFF900] =	vst.add.f32.msk $0xffff, v18  }
0x402: {  	[tilespmem:s18+$0xFFFFF980] =	vst.add.f32.msk $0xffff, v19  }
0x403: {  	[tilespmem:s18+$0xFFFFFA00] =	vst.add.f32.msk $0xffff, v9  }
0x404: {  	[tilespmem:s18+$0xFFFFFA80] =	vst.add.f32.msk $0xffff, v20  }
.Ltmp30:
0x405: {  	[tilespmem:s18+$0xFFFFFB00] =	vst.add.f32.msk $0xffff, v8;
	(pc) =	sbr.rel @p1 .LBB2_58-.Ltmp30, $4  }
0x406: {  	[tilespmem:s18+$0xFFFFFB80] =	vst.add.f32.msk $0xffff, v10  }
0x407: {  	[tilespmem:s18+$0xFFFFFC00] =	vst.add.f32.msk $0xffff, v11  }
0x408: {  	[tilespmem:s18+$0xFFFFFC80] =	vst.add.f32.msk $0xffff, v12  }
0x409: {  	s12 =	sadd.s32 $0xC80, s12;
	[tilespmem:s18+$0xFFFFFD00] =	vst.add.f32.msk $0xffff, v13  }
0x40a: {  	s7 =	sadd.s32 $0x1, s7  }
0x40b: {  	p1 =	sne.s32 s7, $0x8  }
.Ltmp31:
0x40c: {  	[tilespmem:s18+$0xFFFFFD80] =	vst.add.f32.msk $0xffff, v6;
	(pc) =	sbr.rel @p1 .LBB2_57-.Ltmp31, $4  }
0x40d: {  	[tilespmem:s18+$0xFFFFFE00] =	vst.add.f32.msk $0xffff, v5  }
0x40e: {  	[tilespmem:s18+$0xFFFFFE80] =	vst.add.f32.msk $0xffff, v4  }
0x40f: {  	[tilespmem:s18+$0xFFFFFF00] =	vst.add.f32.msk $0xffff, v3  }
0x410: {  	[tilespmem:s18+$0x0] =	vst.add.f32.msk $0xffff, v2;
	s8 =	sadd.s32 $0x10, s8  }
0x411: {  	s0 =	sshll.u32 s0, $0x10  }
0x412: {  	s0 =	sor.u32 s6, s0  }
0x413: {  	s0 =	sshrl.u32 s0, $0x3  }
0x414: {  	s7 =	simm.s32 $0x8E00;
	s0 =	sadd.s32 s3, s0  }
0x415: {  	[hbm4b:s0+s15] =	stream.strided.scatter [tilespmem:s7], [sflag:$0x9], $0x4000, s16, s15, $0x38;
	[tilespmem:$0x1CE00] =	vst v63  }
.LBB2_61:
.Ltmp32:
0x416: {  	(pc) =	sbr.rel @p0 .LBB2_64-.Ltmp32, $1  }
0x417: {  	_ =	sdelay $0x3  }
0x418: {  	p0 =	seq.s32 s2, $0x4  }
.Ltmp33:
0x419: {  	_ = 	snop;
	(pc) =	sbr.rel @p0 .LBB2_73-.Ltmp33, $1  }
0x41a: {  	_ =	sdelay $0x3  }
0x41b: {  	s0 =	simm.s32 $0xD  }
0x41c: {  	_ =	swait.ge [sflag:s0], $0x4000  }
0x41d: {  	[sflag:s0] =	ssyncset.done $0x0  }
0x41e: {  	[sflag:s0] =	ssyncadd.s32 $0xFFFFC000  }
.LBB2_64:
0x41f: {  	s0 =	smul.u32 $0xC0000, s2;
	_ =	sdelay $0x1  }
0x420: {  	s0 =	sadd.s32 s0, s13  }
0x421: {  	s0 =	sshrl.u32 s0, $0x3  }
0x422: {  	s23 =	sshll.u32 s17, $0x1;
	s0 =	sadd.s32 s1, s0  }
0x423: {  	[tilespmem:s26], [sflag:$0x7] =	stream.strided.gather [hbm4b:s0+s15], $0x4000, s16, s15, $0x38;
	[tilespmem:$0x1CE00] =	vst v63  }
0x424: {  	s0 =	sadd.s32 s5, s23  }
0x425: {  	s7 =	ssub.s32 s0, s9  }
0x426: {  	s8 =	sshra.s32 s7, $0x1F  }
0x427: {  	s12 =	simm.s32 $0x1;
	p0 =	sne.s32 s0, s9;
	s11 =	sshrl.u32 s8, $0x1D  }
0x428: {  	s12 =	simm.s32 @!p0 $0x0;
	s11 =	sadd.s32 s11, s7  }
0x429: {  	s8 =	sor.u32 s12, s8;
	s29 =	sand.u32 $0xFFFFFFF8, s11  }
0x42a: {  	p6 =	sne.s32 s8, $0x1;
	p1 =	sne.s32 s7, s29  }
0x42b: {  	p0 =	por !p1, !p6  }
0x42c: {  	s8 =	simm.s32 $0x1;
	p0 =	por !p0, !p0  }
0x42d: {  	s11 =	sshrl.u32 s11, $0x3;
	s8 =	simm.s32 @!p0 $0x0  }
0x42e: {  	s7 =	sshll.u32 s7, $0x7;
	s8 =	ssub.s32 s11, s8  }
0x42f: {  	s7 =	sadd.s32 $0x400, s7;
	s8 =	sshll.u32 s8, $0xC  }
0x430: {  	s7 =	sand.u32 $0x300, s7;
	s8 =	sshra.s32 s8, $0x2  }
0x431: {  	_ =	swait.ge [sflag:s31], $0x4000;
	s7 =	sor.u32 s7, s8  }
0x432: {  	[sflag:s31] =	ssyncset.done $0x0;
	s30 =	sadd.s32 $0x3200, s7  }
0x433: {  	[sflag:s31] =	ssyncadd.s32 $0xFFFFC000;
	s8 =	simm.s32 $0xD580;
	s7 =	simm.s32 $0x0;
	v0 =	vmov s30  }
.LBB2_65:
0x434: {  	_ =	sdelay $0x2  }
0x435: {  	s11 =	sshll.u32 s7, $0x4  }
0x436: {  	v1 =	vld.idx.msk [tilespmem:v0+s11+$0x0 ss:$0x1], $0xffff;
	_ =	sdelay $0x3  }
0x437: {  	s21 =	simm.s32 $0xBB8  }
0x438: {  	s12 =	simm.s32 $0xAF0;
	v2 =	vadd.s32 s21, v1  }
0x439: {  	s22 =	simm.s32 $0xC8;
	v3 =	vadd.s32 s12, v1  }
0x43a: {  	s23 =	simm.s32 $0x190;
	v4 =	vadd.s32 s22, v1  }
0x43b: {  	s29 =	simm.s32 $0x258;
	v5 =	vadd.s32 s23, v1  }
0x43c: {  	s30 =	simm.s32 $0x320;
	v6 =	vadd.s32 s29, v1  }
0x43d: {  	s20 =	simm.s32 $0x640;
	v7 =	vadd.s32 s30, v1;
	v2 =	vld.idx.msk [tilespmem:v2+s4+$0x0], $0xffff  }
0x43e: {  	s12 =	simm.s32 $0x0;
	v12 =	vadd.s32 s20, v1;
	v3 =	vld.idx.msk [tilespmem:v3+s4+$0x0], $0xffff  }
0x43f: {  	s21 =	simm.s32 $0x708;
	v8 =	vadd.s32 s12, v1;
	v9 =	vld.idx.msk [tilespmem:v4+s4+$0x0], $0xffff  }
0x440: {  	v13 =	vadd.s32 s21, v1;
	v10 =	vld.idx.msk [tilespmem:v5+s4+$0x0], $0xffff  }
0x441: {  	s14 =	simm.s32 $0x3E8;
	v11 =	vld.idx.msk [tilespmem:v6+s4+$0x0], $0xffff  }
0x442: {  	s17 =	simm.s32 $0x4B0;
	v4 =	vadd.s32 s14, v1;
	v7 =	vld.idx.msk [tilespmem:v7+s4+$0x0], $0xffff  }
0x443: {  	s18 =	simm.s32 $0x578;
	v5 =	vadd.s32 s17, v1;
	v12 =	vld.idx.msk [tilespmem:v12+s4+$0x0], $0xffff  }
0x444: {  	v6 =	vadd.s32 s18, v1;
	v8 =	vld.idx.msk [tilespmem:v8+s4+$0x0], $0xffff  }
0x445: {  	v13 =	vld.idx.msk [tilespmem:v13+s4+$0x0], $0xffff  }
0x446: {  	[tilespmem:s8+$0xFFFFFF80] =	vst.add.f32.msk $0xffff, v3  }
0x447: {  	v14 =	vld.idx.msk [tilespmem:v4+s4+$0x0], $0xffff  }
0x448: {  	v15 =	vld.idx.msk [tilespmem:v5+s4+$0x0], $0xffff  }
0x449: {  	v17 =	vld.idx.msk [tilespmem:v6+s4+$0x0], $0xffff  }
0x44a: {  	[tilespmem:s8+$0xFFFFF900] =	vst.add.f32.msk $0xffff, v9  }
0x44b: {  	s22 =	simm.s32 $0x7D0;
	[tilespmem:s8+$0xFFFFF980] =	vst.add.f32.msk $0xffff, v10  }
0x44c: {  	s23 =	simm.s32 $0x898;
	v3 =	vadd.s32 s22, v1;
	[tilespmem:s8+$0xFFFFFA00] =	vst.add.f32.msk $0xffff, v11  }
0x44d: {  	s29 =	simm.s32 $0x960;
	v4 =	vadd.s32 s23, v1;
	[tilespmem:s8+$0xFFFFFA80] =	vst.add.f32.msk $0xffff, v7  }
0x44e: {  	s30 =	simm.s32 $0xA28;
	v16 =	vadd.s32 s29, v1;
	[tilespmem:s8+$0xFFFFFC80] =	vst.add.f32.msk $0xffff, v12  }
0x44f: {  	v18 =	vadd.s32 s30, v1;
	[tilespmem:s8+$0xFFFFF880] =	vst.add.f32.msk $0xffff, v8  }
0x450: {  	[tilespmem:s8+$0xFFFFFD00] =	vst.add.f32.msk $0xffff, v13  }
0x451: {  	v6 =	vld.idx.msk [tilespmem:v3+s4+$0x0], $0xffff  }
0x452: {  	v5 =	vld.idx.msk [tilespmem:v4+s4+$0x0], $0xffff  }
0x453: {  	v4 =	vld.idx.msk [tilespmem:v16+s4+$0x0], $0xffff  }
0x454: {  	v3 =	vld.idx.msk [tilespmem:v18+s4+$0x0], $0xffff  }
0x455: {  	[tilespmem:s8+$0xFFFFFB00] =	vst.add.f32.msk $0xffff, v14  }
0x456: {  	[tilespmem:s8+$0xFFFFFB80] =	vst.add.f32.msk $0xffff, v15  }
0x457: {  	s11 =	simm.s32 $0x0;
	s12 =	simm.s32 $0x1838;
	s17 =	smov.u32 s8;
	[tilespmem:s8+$0xFFFFFC00] =	vst.add.f32.msk $0xffff, v17  }
.LBB2_66:
0x458: {  	s14 =	sadd.s32 $0xFFFFF510, s12;
	s18 =	sadd.s32 $0xFFFFFF38, s12;
	v7 =	vadd.s32 s12, v1;
	s11 =	sadd.s32 $0x10, s11;
	[tilespmem:s17+$0xFFFFFD80] =	vst.add.f32.msk $0xffff, v6  }
0x459: {  	s20 =	sadd.s32 $0xFFFFF6A0, s12;
	v6 =	vadd.s32 s14, v1;
	s14 =	sadd.s32 $0xFFFFF5D8, s12;
	v8 =	vadd.s32 s18, v1;
	p0 =	slt.u32 s11, $0x30;
	[tilespmem:s17+$0xFFFFFE00] =	vst.add.f32.msk $0xffff, v5  }
0x45a: {  	v9 =	vadd.s32 s20, v1;
	s18 =	sadd.s32 $0xFFFFF830, s12;
	s20 =	sadd.s32 $0xFFFFF8F8, s12;
	v5 =	vadd.s32 s14, v1;
	s14 =	sadd.s32 $0xFFFFF768, s12;
	[tilespmem:s17+$0xFFFFFE80] =	vst.add.f32.msk $0xffff, v4  }
0x45b: {  	v10 =	vadd.s32 s18, v1;
	v11 =	vadd.s32 s20, v1;
	s18 =	sadd.s32 $0xFFFFFA88, s12;
	s20 =	sadd.s32 $0xFFFFFB50, s12;
	v4 =	vadd.s32 s14, v1;
	s14 =	sadd.s32 $0xFFFFF9C0, s12;
	[tilespmem:s17+$0xFFFFFF00] =	vst.add.f32.msk $0xffff, v3  }
0x45c: {  	v12 =	vadd.s32 s18, v1;
	v13 =	vadd.s32 s20, v1;
	s18 =	sadd.s32 $0xFFFFFCE0, s12;
	s20 =	sadd.s32 $0xFFFFFDA8, s12;
	v3 =	vadd.s32 s14, v1;
	s14 =	sadd.s32 $0xFFFFFC18, s12;
	[tilespmem:s17+$0x0] =	vst.add.f32.msk $0xffff, v2  }
0x45d: {  	s21 =	sadd.s32 $0xFFFFF448, s12;
	v15 =	vadd.s32 s18, v1;
	v16 =	vadd.s32 s20, v1;
	v14 =	vadd.s32 s14, v1;
	s14 =	sadd.s32 $0xFFFFFE70, s12;
	v2 =	vld.idx.msk [tilespmem:v7+s4+$0x0], $0xffff  }
0x45e: {  	v7 =	vadd.s32 s21, v1;
	v17 =	vadd.s32 s14, v1;
	v8 =	vld.idx.msk [tilespmem:v8+s4+$0x0], $0xffff  }
0x45f: {  	v18 =	vld.idx.msk [tilespmem:v6+s4+$0x0], $0xffff  }
0x460: {  	v19 =	vld.idx.msk [tilespmem:v5+s4+$0x0], $0xffff  }
0x461: {  	v9 =	vld.idx.msk [tilespmem:v9+s4+$0x0], $0xffff  }
0x462: {  	v20 =	vld.idx.msk [tilespmem:v4+s4+$0x0], $0xffff  }
0x463: {  	s17 =	sadd.s32 $0x800, s17;
	v7 =	vld.idx.msk [tilespmem:v7+s4+$0x0], $0xffff  }
0x464: {  	[tilespmem:s17+$0xFFFFFF80] =	vst.add.f32.msk $0xffff, v8  }
0x465: {  	v8 =	vld.idx.msk [tilespmem:v10+s4+$0x0], $0xffff  }
0x466: {  	v10 =	vld.idx.msk [tilespmem:v11+s4+$0x0], $0xffff  }
0x467: {  	v11 =	vld.idx.msk [tilespmem:v3+s4+$0x0], $0xffff  }
0x468: {  	v12 =	vld.idx.msk [tilespmem:v12+s4+$0x0], $0xffff  }
0x469: {  	v13 =	vld.idx.msk [tilespmem:v13+s4+$0x0], $0xffff  }
0x46a: {  	v6 =	vld.idx.msk [tilespmem:v14+s4+$0x0], $0xffff  }
0x46b: {  	v5 =	vld.idx.msk [tilespmem:v15+s4+$0x0], $0xffff  }
0x46c: {  	v4 =	vld.idx.msk [tilespmem:v16+s4+$0x0], $0xffff  }
0x46d: {  	v3 =	vld.idx.msk [tilespmem:v17+s4+$0x0], $0xffff  }
0x46e: {  	[tilespmem:s17+$0xFFFFF880] =	vst.add.f32.msk $0xffff, v7  }
0x46f: {  	[tilespmem:s17+$0xFFFFF900] =	vst.add.f32.msk $0xffff, v18  }
0x470: {  	[tilespmem:s17+$0xFFFFF980] =	vst.add.f32.msk $0xffff, v19  }
0x471: {  	[tilespmem:s17+$0xFFFFFA00] =	vst.add.f32.msk $0xffff, v9  }
0x472: {  	[tilespmem:s17+$0xFFFFFA80] =	vst.add.f32.msk $0xffff, v20  }
.Ltmp34:
0x473: {  	[tilespmem:s17+$0xFFFFFB00] =	vst.add.f32.msk $0xffff, v8;
	(pc) =	sbr.rel @p0 .LBB2_66-.Ltmp34, $4  }
0x474: {  	[tilespmem:s17+$0xFFFFFB80] =	vst.add.f32.msk $0xffff, v10  }
0x475: {  	[tilespmem:s17+$0xFFFFFC00] =	vst.add.f32.msk $0xffff, v11  }
0x476: {  	[tilespmem:s17+$0xFFFFFC80] =	vst.add.f32.msk $0xffff, v12  }
0x477: {  	s12 =	sadd.s32 $0xC80, s12;
	[tilespmem:s17+$0xFFFFFD00] =	vst.add.f32.msk $0xffff, v13  }
0x478: {  	s7 =	sadd.s32 $0x1, s7  }
0x479: {  	p0 =	sne.s32 s7, $0x8  }
.Ltmp35:
0x47a: {  	[tilespmem:s17+$0xFFFFFD80] =	vst.add.f32.msk $0xffff, v6;
	(pc) =	sbr.rel @p0 .LBB2_65-.Ltmp35, $4  }
0x47b: {  	[tilespmem:s17+$0xFFFFFE00] =	vst.add.f32.msk $0xffff, v5  }
0x47c: {  	[tilespmem:s17+$0xFFFFFE80] =	vst.add.f32.msk $0xffff, v4  }
0x47d: {  	[tilespmem:s17+$0xFFFFFF00] =	vst.add.f32.msk $0xffff, v3  }
0x47e: {  	[tilespmem:s17+$0x0] =	vst.add.f32.msk $0xffff, v2;
	s8 =	sadd.s32 $0x10, s8  }
0x47f: {  	s7 =	sor.u32 $0x1, s0  }
0x480: {  	s8 =	ssub.s32 s7, s9  }
0x481: {  	s11 =	sshra.s32 s8, $0x1F  }
0x482: {  	s12 =	sshrl.u32 s11, $0x1D  }
0x483: {  	s8 =	sadd.s32 s12, s8  }
0x484: {  	s8 =	sshrl.u32 s8, $0x3  }
0x485: {  	s8 =	sadd.s32 s11, s8  }
0x486: {  	s7 =	sshll.u32 s7, $0x7;
	s8 =	sshll.u32 s8, $0xC  }
0x487: {  	s7 =	sand.u32 $0x380, s7;
	s8 =	sshra.s32 s8, $0x2  }
0x488: {  	s7 =	sor.u32 s7, s8  }
0x489: {  	s30 =	sadd.s32 $0x3200, s7  }
0x48a: {  	s8 =	simm.s32 $0xF580;
	s7 =	simm.s32 $0x0;
	v0 =	vmov s30  }
.LBB2_69:
0x48b: {  	_ =	sdelay $0x2  }
0x48c: {  	s11 =	sshll.u32 s7, $0x4  }
0x48d: {  	v1 =	vld.idx.msk [tilespmem:v0+s11+$0x0 ss:$0x1], $0xffff;
	_ =	sdelay $0x3  }
0x48e: {  	s21 =	simm.s32 $0xBB8  }
0x48f: {  	s12 =	simm.s32 $0xAF0;
	v2 =	vadd.s32 s21, v1  }
0x490: {  	s22 =	simm.s32 $0xC8;
	v3 =	vadd.s32 s12, v1  }
0x491: {  	s23 =	simm.s32 $0x190;
	v4 =	vadd.s32 s22, v1  }
0x492: {  	s29 =	simm.s32 $0x258;
	v5 =	vadd.s32 s23, v1  }
0x493: {  	s30 =	simm.s32 $0x320;
	v6 =	vadd.s32 s29, v1  }
0x494: {  	s20 =	simm.s32 $0x640;
	v7 =	vadd.s32 s30, v1;
	v2 =	vld.idx.msk [tilespmem:v2+s4+$0x0], $0xffff  }
0x495: {  	s12 =	simm.s32 $0x0;
	v12 =	vadd.s32 s20, v1;
	v3 =	vld.idx.msk [tilespmem:v3+s4+$0x0], $0xffff  }
0x496: {  	s21 =	simm.s32 $0x708;
	v8 =	vadd.s32 s12, v1;
	v9 =	vld.idx.msk [tilespmem:v4+s4+$0x0], $0xffff  }
0x497: {  	v13 =	vadd.s32 s21, v1;
	v10 =	vld.idx.msk [tilespmem:v5+s4+$0x0], $0xffff  }
0x498: {  	s14 =	simm.s32 $0x3E8;
	v11 =	vld.idx.msk [tilespmem:v6+s4+$0x0], $0xffff  }
0x499: {  	s17 =	simm.s32 $0x4B0;
	v4 =	vadd.s32 s14, v1;
	v7 =	vld.idx.msk [tilespmem:v7+s4+$0x0], $0xffff  }
0x49a: {  	s18 =	simm.s32 $0x578;
	v5 =	vadd.s32 s17, v1;
	v12 =	vld.idx.msk [tilespmem:v12+s4+$0x0], $0xffff  }
0x49b: {  	v6 =	vadd.s32 s18, v1;
	v8 =	vld.idx.msk [tilespmem:v8+s4+$0x0], $0xffff  }
0x49c: {  	v13 =	vld.idx.msk [tilespmem:v13+s4+$0x0], $0xffff  }
0x49d: {  	[tilespmem:s8+$0xFFFFFF80] =	vst.add.f32.msk $0xffff, v3  }
0x49e: {  	v14 =	vld.idx.msk [tilespmem:v4+s4+$0x0], $0xffff  }
0x49f: {  	v15 =	vld.idx.msk [tilespmem:v5+s4+$0x0], $0xffff  }
0x4a0: {  	v17 =	vld.idx.msk [tilespmem:v6+s4+$0x0], $0xffff  }
0x4a1: {  	[tilespmem:s8+$0xFFFFF900] =	vst.add.f32.msk $0xffff, v9  }
0x4a2: {  	s22 =	simm.s32 $0x7D0;
	[tilespmem:s8+$0xFFFFF980] =	vst.add.f32.msk $0xffff, v10  }
0x4a3: {  	s23 =	simm.s32 $0x898;
	v3 =	vadd.s32 s22, v1;
	[tilespmem:s8+$0xFFFFFA00] =	vst.add.f32.msk $0xffff, v11  }
0x4a4: {  	s29 =	simm.s32 $0x960;
	v4 =	vadd.s32 s23, v1;
	[tilespmem:s8+$0xFFFFFA80] =	vst.add.f32.msk $0xffff, v7  }
0x4a5: {  	s30 =	simm.s32 $0xA28;
	v16 =	vadd.s32 s29, v1;
	[tilespmem:s8+$0xFFFFFC80] =	vst.add.f32.msk $0xffff, v12  }
0x4a6: {  	v18 =	vadd.s32 s30, v1;
	[tilespmem:s8+$0xFFFFF880] =	vst.add.f32.msk $0xffff, v8  }
0x4a7: {  	[tilespmem:s8+$0xFFFFFD00] =	vst.add.f32.msk $0xffff, v13  }
0x4a8: {  	v6 =	vld.idx.msk [tilespmem:v3+s4+$0x0], $0xffff  }
0x4a9: {  	v5 =	vld.idx.msk [tilespmem:v4+s4+$0x0], $0xffff  }
0x4aa: {  	v4 =	vld.idx.msk [tilespmem:v16+s4+$0x0], $0xffff  }
0x4ab: {  	v3 =	vld.idx.msk [tilespmem:v18+s4+$0x0], $0xffff  }
0x4ac: {  	[tilespmem:s8+$0xFFFFFB00] =	vst.add.f32.msk $0xffff, v14  }
0x4ad: {  	[tilespmem:s8+$0xFFFFFB80] =	vst.add.f32.msk $0xffff, v15  }
0x4ae: {  	s11 =	simm.s32 $0x0;
	s12 =	simm.s32 $0x1838;
	s17 =	smov.u32 s8;
	[tilespmem:s8+$0xFFFFFC00] =	vst.add.f32.msk $0xffff, v17  }
.LBB2_70:
0x4af: {  	s14 =	sadd.s32 $0xFFFFF510, s12;
	s18 =	sadd.s32 $0xFFFFFF38, s12;
	v7 =	vadd.s32 s12, v1;
	s11 =	sadd.s32 $0x10, s11;
	[tilespmem:s17+$0xFFFFFD80] =	vst.add.f32.msk $0xffff, v6  }
0x4b0: {  	s20 =	sadd.s32 $0xFFFFF6A0, s12;
	v6 =	vadd.s32 s14, v1;
	s14 =	sadd.s32 $0xFFFFF5D8, s12;
	v8 =	vadd.s32 s18, v1;
	p0 =	slt.u32 s11, $0x30;
	[tilespmem:s17+$0xFFFFFE00] =	vst.add.f32.msk $0xffff, v5  }
0x4b1: {  	v9 =	vadd.s32 s20, v1;
	s18 =	sadd.s32 $0xFFFFF830, s12;
	s20 =	sadd.s32 $0xFFFFF8F8, s12;
	v5 =	vadd.s32 s14, v1;
	s14 =	sadd.s32 $0xFFFFF768, s12;
	[tilespmem:s17+$0xFFFFFE80] =	vst.add.f32.msk $0xffff, v4  }
0x4b2: {  	v10 =	vadd.s32 s18, v1;
	v11 =	vadd.s32 s20, v1;
	s18 =	sadd.s32 $0xFFFFFA88, s12;
	s20 =	sadd.s32 $0xFFFFFB50, s12;
	v4 =	vadd.s32 s14, v1;
	s14 =	sadd.s32 $0xFFFFF9C0, s12;
	[tilespmem:s17+$0xFFFFFF00] =	vst.add.f32.msk $0xffff, v3  }
0x4b3: {  	v12 =	vadd.s32 s18, v1;
	v13 =	vadd.s32 s20, v1;
	s18 =	sadd.s32 $0xFFFFFCE0, s12;
	s20 =	sadd.s32 $0xFFFFFDA8, s12;
	v3 =	vadd.s32 s14, v1;
	s14 =	sadd.s32 $0xFFFFFC18, s12;
	[tilespmem:s17+$0x0] =	vst.add.f32.msk $0xffff, v2  }
0x4b4: {  	s21 =	sadd.s32 $0xFFFFF448, s12;
	v15 =	vadd.s32 s18, v1;
	v16 =	vadd.s32 s20, v1;
	v14 =	vadd.s32 s14, v1;
	s14 =	sadd.s32 $0xFFFFFE70, s12;
	v2 =	vld.idx.msk [tilespmem:v7+s4+$0x0], $0xffff  }
0x4b5: {  	v7 =	vadd.s32 s21, v1;
	v17 =	vadd.s32 s14, v1;
	v8 =	vld.idx.msk [tilespmem:v8+s4+$0x0], $0xffff  }
0x4b6: {  	v18 =	vld.idx.msk [tilespmem:v6+s4+$0x0], $0xffff  }
0x4b7: {  	v19 =	vld.idx.msk [tilespmem:v5+s4+$0x0], $0xffff  }
0x4b8: {  	v9 =	vld.idx.msk [tilespmem:v9+s4+$0x0], $0xffff  }
0x4b9: {  	v20 =	vld.idx.msk [tilespmem:v4+s4+$0x0], $0xffff  }
0x4ba: {  	s17 =	sadd.s32 $0x800, s17;
	v7 =	vld.idx.msk [tilespmem:v7+s4+$0x0], $0xffff  }
0x4bb: {  	[tilespmem:s17+$0xFFFFFF80] =	vst.add.f32.msk $0xffff, v8  }
0x4bc: {  	v8 =	vld.idx.msk [tilespmem:v10+s4+$0x0], $0xffff  }
0x4bd: {  	v10 =	vld.idx.msk [tilespmem:v11+s4+$0x0], $0xffff  }
0x4be: {  	v11 =	vld.idx.msk [tilespmem:v3+s4+$0x0], $0xffff  }
0x4bf: {  	v12 =	vld.idx.msk [tilespmem:v12+s4+$0x0], $0xffff  }
0x4c0: {  	v13 =	vld.idx.msk [tilespmem:v13+s4+$0x0], $0xffff  }
0x4c1: {  	v6 =	vld.idx.msk [tilespmem:v14+s4+$0x0], $0xffff  }
0x4c2: {  	v5 =	vld.idx.msk [tilespmem:v15+s4+$0x0], $0xffff  }
0x4c3: {  	v4 =	vld.idx.msk [tilespmem:v16+s4+$0x0], $0xffff  }
0x4c4: {  	v3 =	vld.idx.msk [tilespmem:v17+s4+$0x0], $0xffff  }
0x4c5: {  	[tilespmem:s17+$0xFFFFF880] =	vst.add.f32.msk $0xffff, v7  }
0x4c6: {  	[tilespmem:s17+$0xFFFFF900] =	vst.add.f32.msk $0xffff, v18  }
0x4c7: {  	[tilespmem:s17+$0xFFFFF980] =	vst.add.f32.msk $0xffff, v19  }
0x4c8: {  	[tilespmem:s17+$0xFFFFFA00] =	vst.add.f32.msk $0xffff, v9  }
0x4c9: {  	[tilespmem:s17+$0xFFFFFA80] =	vst.add.f32.msk $0xffff, v20  }
.Ltmp36:
0x4ca: {  	[tilespmem:s17+$0xFFFFFB00] =	vst.add.f32.msk $0xffff, v8;
	(pc) =	sbr.rel @p0 .LBB2_70-.Ltmp36, $4  }
0x4cb: {  	[tilespmem:s17+$0xFFFFFB80] =	vst.add.f32.msk $0xffff, v10  }
0x4cc: {  	[tilespmem:s17+$0xFFFFFC00] =	vst.add.f32.msk $0xffff, v11  }
0x4cd: {  	[tilespmem:s17+$0xFFFFFC80] =	vst.add.f32.msk $0xffff, v12  }
0x4ce: {  	s12 =	sadd.s32 $0xC80, s12;
	[tilespmem:s17+$0xFFFFFD00] =	vst.add.f32.msk $0xffff, v13  }
0x4cf: {  	s7 =	sadd.s32 $0x1, s7  }
0x4d0: {  	p0 =	sne.s32 s7, $0x8  }
.Ltmp37:
0x4d1: {  	[tilespmem:s17+$0xFFFFFD80] =	vst.add.f32.msk $0xffff, v6;
	(pc) =	sbr.rel @p0 .LBB2_69-.Ltmp37, $4  }
0x4d2: {  	[tilespmem:s17+$0xFFFFFE00] =	vst.add.f32.msk $0xffff, v5  }
0x4d3: {  	[tilespmem:s17+$0xFFFFFE80] =	vst.add.f32.msk $0xffff, v4  }
0x4d4: {  	[tilespmem:s17+$0xFFFFFF00] =	vst.add.f32.msk $0xffff, v3  }
0x4d5: {  	[tilespmem:s17+$0x0] =	vst.add.f32.msk $0xffff, v2;
	s8 =	sadd.s32 $0x10, s8  }
0x4d6: {  	s2 =	sadd.s32 $0x1, s2  }
0x4d7: {  	p0 =	sne.s32 s2, $0x5  }
.Ltmp38:
0x4d8: {  	s0 =	sshll.u32 s0, $0x10;
	(pc) =	sbr.rel @p0 .LBB2_2-.Ltmp38, $4  }
.Ltmp39:
0x4d9: {  	s0 =	sor.u32 s6, s0;
	(pc) =	sbr.rel @!p0 .LBB2_73-.Ltmp39, $4  }
0x4da: {  	s0 =	sshrl.u32 s0, $0x3  }
0x4db: {  	s0 =	sadd.s32 s3, s0  }
0x4dc: {  	[hbm4b:s0+s15] =	stream.strided.scatter [tilespmem:s24], [sflag:$0xA], $0x4000, s16, s15, $0x38;
	[tilespmem:$0x1CE00] =	vst v63  }
0x4dd: {  	_ = 	snop  }
.LBB2_74:
0x4de: {  	_ =	sfence.sel $0x180000  }
0x4df: {  	[bflag:$0x0] =	sbarrier.arrive $0xFFFF  }
0x4e0: {  	_ =	strace $0x90000047  }
0x4e1: {  	s0 =	stileid.u32;
	[bflag:$0x2] =	sbarrier.arrive $0xFFFF  }
0x4e2: {  	p0 =	sne.s32 s0, $0x0;
	s0 =	rddreg [dreg:$0x4]  }
0x4e3: {  	s0 =	sadd.s32 @!p0 $0x100000, s0  }
0x4e4: {  	[sflag:s0] =	ssyncadd.tile.s32 @!p0 $0x1;
	_ =	shalt  }
.Lfunc_end2:
_tile_overlayer_lowered:
.L_overlay_start_2:
0x4e5: {  	(tag) =	ssettag $0x2  }
0x4e6: {  	s0 =	rddreg [dreg:$0x0];
	s2 =	stileid.u32  }
0x4e7: {  	s1 =	rddreg [dreg:$0x1];
	p0 =	sne.s32 s2, $0x0  }
0x4e8: {  	s3 =	rddreg [dreg:$0x2];
	[bflag:$0x3] =	sbarrier.arrive $0xFFFF;
	s2 =	simm.s32 @!p0 $0x1C0E  }
0x4e9: {  	[timem:s3], [sflag:s2] =	dma.local @!p0 [hbm:s0], s1  }
0x4ea: {  	s0 =	simm.s32 @!p0 $0xE  }
0x4eb: {  	_ =	swait.ge @!p0 [sflag:s0], s1  }
0x4ec: {  	s1 =	ssub.s32 @!p0 $0x0, s1;
	[sflag:s0] =	ssyncset.done @!p0 $0x0  }
0x4ed: {  	[sflag:s0] =	ssyncadd.s32 @!p0 s1  }
0x4ee: {  	[bflag:$0x3] =	sbarrier.arrive $0xFFFF  }
0x4ef: {  	_ =	shalt  }

</sc_bundles>
